<compile_context>
chip_gen: v7x
topology: tpu7x:2x2x1
jax: 0.10.2.dev20260603
libtpu: 0.0.44.dev20260713+nightly
codegen_flags: <defaults>
</compile_context>

<pallas_src>
import functools

import jax
import jax.numpy as jnp
from jax import lax
from jax.experimental import pallas as pl
from jax.experimental.pallas import tpu as pltpu
from jax.experimental.pallas import tpu_sc as plsc

_B, _T, _C, _H, _Wd = 2, 8, 96, 128, 128
_N = _H * _Wd
_K = _N // 2
_TCdim = _T * _C
_NWORK = 32
_SCAT_W = 128
_GCHUNK = 64
_NCHUNK = (_B * _K) // (_NWORK * _GCHUNK)


def _leaky(y):
    return jnp.where(y >= 0, y, 0.01 * y)


def _router_scores(x, W1, b1, gamma, beta, W2, b2, W3, b3):
    B, T, C, H, W = x.shape
    N = H * W
    x_mean = x.mean(axis=1)
    x_max = x.max(axis=1)
    feat = jnp.concatenate([x_mean, x_max], axis=1)
    y = jnp.einsum('bchw,oc->bohw', feat, W1[:, :, 0, 0]) + b1[None, :, None, None]
    G = 4
    Cm = y.shape[1]
    yg = y.reshape(B, G, Cm // G, H, W)
    mu = yg.mean(axis=(2, 3, 4), keepdims=True)
    var = yg.var(axis=(2, 3, 4), keepdims=True)
    yg = (yg - mu) / jnp.sqrt(var + 1e-5)
    y = yg.reshape(B, Cm, H, W) * gamma[None, :, None, None] + beta[None, :, None, None]
    y = _leaky(y)
    y = jax.lax.conv_general_dilated(
        y, W2, window_strides=(1, 1), padding='SAME',
        dimension_numbers=('NCHW', 'OIHW', 'NCHW')) + b2[None, :, None, None]
    y = _leaky(y)
    y = jnp.einsum('bchw,oc->bohw', y, W3[:, :, 0, 0]) + b3[None, :, None, None]
    return jax.nn.sigmoid(y).reshape(B, N)



def _tr_body(x_ref, out_ref):
    out_ref[0] = x_ref[0].reshape(_TCdim, 512).T


def _transpose(x4):
    nb = _N // 512
    return pl.pallas_call(
        _tr_body,
        grid=(_B, nb),
        in_specs=[pl.BlockSpec((1, _T, _C, 512), lambda b, n: (b, 0, 0, n))],
        out_specs=pl.BlockSpec((1, 512, _TCdim), lambda b, n: (b, n, 0)),
        out_shape=jax.ShapeDtypeStruct((_B, _N, _TCdim), jnp.float32),
    )(x4)



def _excl_prefix(a, U, Ls, ones):
    hi = lax.Precision.HIGHEST
    inc = lax.dot(a, U, precision=hi, preferred_element_type=jnp.float32)
    rowtot = lax.dot(a, ones, precision=hi, preferred_element_type=jnp.float32)
    rowoff = lax.dot(Ls, rowtot, precision=hi, preferred_element_type=jnp.float32)
    return inc + rowoff - a


def _sel_body(s_ref, tgt_ref):
    b = pl.program_id(0)
    s = s_ref[0]
    bits = lax.bitcast_convert_type(s, jnp.int32)

    def bisect(i, carry):
        lo, hi = carry
        mid = lo + (hi - lo) // 2
        pred = jnp.sum((bits >= mid).astype(jnp.int32)) >= _K
        return (jnp.where(pred, mid, lo), jnp.where(pred, hi, mid))

    lo, hi = lax.fori_loop(0, 32, bisect, (jnp.int32(0), jnp.int32(0x7F000000)))

    gt = (bits > lo).astype(jnp.float32)
    eq = (bits == lo).astype(jnp.float32)
    m = jnp.sum(gt)
    r = jnp.float32(_K) - m

    r0 = lax.broadcasted_iota(jnp.int32, (128, 128), 0)
    c0 = lax.broadcasted_iota(jnp.int32, (128, 128), 1)
    U = (r0 <= c0).astype(jnp.float32)
    Ls = (c0 < r0).astype(jnp.float32)
    ones = jnp.ones((128, 1), jnp.float32)

    eqx = _excl_prefix(eq, U, Ls, ones)
    keep = gt + eq * (eqx < r).astype(jnp.float32)
    kpx = _excl_prefix(keep, U, Ls, ones)
    tgt = jnp.where(keep > 0, kpx + jnp.float32(_K) * b.astype(jnp.float32),
                    jnp.float32(_B * _K))
    tgt_ref[0] = tgt.astype(jnp.int32)


def _selection(scores_sq):
    return pl.pallas_call(
        _sel_body,
        grid=(_B,),
        in_specs=[pl.BlockSpec((1, 128, 128), lambda b: (b, 0, 0))],
        out_specs=pl.BlockSpec((1, 128, 128), lambda b: (b, 0, 0)),
        out_shape=jax.ShapeDtypeStruct((_B, 128, 128), jnp.int32),
    )(scores_sq)



def _sc_scatter_body(tgt_hbm, outn_hbm, idx_v, val_v, sem):
    wid = lax.axis_index("s") * 2 + lax.axis_index("c")
    pltpu.sync_copy(tgt_hbm.at[wid], idx_v)
    base = wid * 1024
    nsub = jnp.where(wid >= _NWORK // _B, jnp.int32(_N), jnp.int32(0))
    start = base - nsub
    cps = []
    for j in range(8):
        if j >= 2:
            cps[j - 2].wait()
        buf = val_v.at[j % 2]

        def fill(r, _, _buf=buf, _off=start + j * 128):
            _buf[r, pl.ds(0, 16)] = jnp.full((16,), _off + r, jnp.int32)
            return 0

        lax.fori_loop(0, 128, fill, 0)
        cps.append(pltpu.async_copy(buf, outn_hbm.at[idx_v.at[j]], sem))
    cps[-2].wait()
    cps[-1].wait()


@functools.lru_cache(maxsize=None)
def _sc_scatter_kernel():
    mesh = plsc.VectorSubcoreMesh(core_axis_name="c", subcore_axis_name="s")
    return pl.kernel(
        _sc_scatter_body,
        out_type=jax.ShapeDtypeStruct((_B * _K + 1, _SCAT_W), jnp.int32),
        mesh=mesh,
        scratch_types=[pltpu.VMEM((8, 128), jnp.int32),
                       pltpu.VMEM((2, 128, _SCAT_W), jnp.int32),
                       pltpu.SemaphoreType.DMA],
    )


def _sc_scatter(tgt):
    return _sc_scatter_kernel()(tgt)



def _sc_gather_body(idx_hbm, xflat_hbm, out_hbm, idx_v, rows_v, gsem, osem):
    wid = lax.axis_index("s") * 2 + lax.axis_index("c")
    pltpu.sync_copy(idx_hbm.at[wid], idx_v)
    base = wid * (_NCHUNK * _GCHUNK)
    g = [None] * _NCHUNK
    o = [None] * _NCHUNK
    g[0] = pltpu.async_copy(xflat_hbm.at[idx_v.at[0]], rows_v.at[0], gsem)
    for j in range(_NCHUNK):
        cur = j % 2
        g[j].wait()
        if j >= 1:
            o[j - 1].wait()
        if j + 1 < _NCHUNK:
            g[j + 1] = pltpu.async_copy(
                xflat_hbm.at[idx_v.at[j + 1]], rows_v.at[(j + 1) % 2], gsem)
        o[j] = pltpu.async_copy(
            rows_v.at[cur], out_hbm.at[pl.ds(base + j * _GCHUNK, _GCHUNK)], osem)
    o[_NCHUNK - 1].wait()


@functools.lru_cache(maxsize=None)
def _sc_gather_kernel():
    mesh = plsc.VectorSubcoreMesh(core_axis_name="c", subcore_axis_name="s")
    return pl.kernel(
        _sc_gather_body,
        out_type=jax.ShapeDtypeStruct((_B * _K, _TCdim), jnp.float32),
        mesh=mesh,
        scratch_types=[pltpu.VMEM((_NCHUNK, _GCHUNK), jnp.int32),
                       pltpu.VMEM((2, _GCHUNK, _TCdim), jnp.float32),
                       pltpu.SemaphoreType.DMA,
                       pltpu.SemaphoreType.DMA],
    )


def _sc_gather(idxg, x_flat):
    return _sc_gather_kernel()(idxg, x_flat)



def kernel(x, W1, b1, gamma, beta, W2, b2, W3, b3):
    B, T, C, H, W = x.shape
    scores = _router_scores(x, W1, b1, gamma, beta, W2, b2, W3, b3)

    x_flat = _transpose(x.reshape(B, T, C, _N)).reshape(B * _N, _TCdim)
    tgt = _selection(scores.reshape(B, 128, 128)).reshape(_NWORK, 8, 128)

    outn = _sc_scatter(tgt)
    idx_flat = outn[:_B * _K, 0]
    gidx = idx_flat + jnp.where(
        jnp.arange(_B * _K, dtype=jnp.int32) >= _K, jnp.int32(_N), jnp.int32(0))
    xs = _sc_gather(gidx.reshape(_NWORK, _NCHUNK, _GCHUNK), x_flat)

    x_sparse = xs.reshape(B, _K, T, C)
    top_idx = idx_flat.reshape(B, _K)
    return (x_sparse, top_idx)

# --- scband reference (transcript-rebuilt; emitter-appended) ---
"""Pipeline reference for scband-learnable-sparse-handler-47682726921014 (READ-ONLY COPY).

The authoritative reference and input builder live on the scoring server;
editing this copy changes nothing except your own understanding.
"""

import jax, jax.numpy as jnp
import numpy as np

def setup_inputs(seed: int = 0) -> dict:
    key = jax.random.key(seed)
    ks = jax.random.split(key, 8)
    B, T, C, H, W = 2, 8, 96, 128, 128
    x = jax.random.normal(ks[0], (B, T, C, H, W), dtype=jnp.float32)
    W1 = jax.random.normal(ks[1], (48, 192, 1, 1), dtype=jnp.float32) * 0.02
    b1 = jnp.zeros((48,), jnp.float32)
    gamma = jnp.ones((48,), jnp.float32)
    beta = jnp.zeros((48,), jnp.float32)
    W2 = jax.random.normal(ks[2], (24, 48, 3, 3), dtype=jnp.float32) * 0.02
    b2 = jnp.zeros((24,), jnp.float32)
    W3 = jax.random.normal(ks[3], (1, 24, 1, 1), dtype=jnp.float32) * 0.02
    b3 = jnp.zeros((1,), jnp.float32)
    return {"x": x, "W1": W1, "b1": b1, "gamma": gamma, "beta": beta, "W2": W2, "b2": b2, "W3": W3, "b3": b3}

def _leaky(y):
    return jnp.where(y >= 0, y, 0.01 * y)

def reference(x, W1, b1, gamma, beta, W2, b2, W3, b3):
    B, T, C, H, W = x.shape
    N = H * W
    sparse_ratio = 0.5
    x_mean = x.mean(axis=1)
    x_max = x.max(axis=1)
    feat = jnp.concatenate([x_mean, x_max], axis=1)  # [B, 2C, H, W]
    # router_preprocess: 1x1 conv -> GroupNorm(4) -> LeakyReLU
    y = jnp.einsum('bchw,oc->bohw', feat, W1[:, :, 0, 0]) + b1[None, :, None, None]
    G = 4
    Cm = y.shape[1]
    yg = y.reshape(B, G, Cm // G, H, W)
    mu = yg.mean(axis=(2, 3, 4), keepdims=True)
    var = yg.var(axis=(2, 3, 4), keepdims=True)
    yg = (yg - mu) / jnp.sqrt(var + 1e-5)
    y = yg.reshape(B, Cm, H, W) * gamma[None, :, None, None] + beta[None, :, None, None]
    y = _leaky(y)
    # router: 3x3 conv -> LeakyReLU -> 1x1 conv
    y = jax.lax.conv_general_dilated(y, W2, window_strides=(1, 1), padding='SAME', dimension_numbers=('NCHW', 'OIHW', 'NCHW')) + b2[None, :, None, None]
    y = _leaky(y)
    y = jnp.einsum('bchw,oc->bohw', y, W3[:, :, 0, 0]) + b3[None, :, None, None]
    scores_flat = jax.nn.sigmoid(y).reshape(B, N)
    keep_k = max(1, int(N * (1.0 - sparse_ratio)))
    _, top_idx = jax.lax.top_k(scores_flat, keep_k)
    top_idx = jnp.sort(top_idx, axis=1)
    x_flat = jnp.transpose(x, (0, 3, 4, 1, 2)).reshape(B, N, T, C)
    idx_e = jnp.broadcast_to(top_idx[:, :, None, None], (B, keep_k, T, C))
    x_gathered = jnp.take_along_axis(x_flat, idx_e, axis=1)
    s_g = jnp.take_along_axis(scores_flat[:, :, None, None], top_idx[:, :, None, None], axis=1)
    gate = 1.0 + (s_g - jax.lax.stop_gradient(s_g))
    x_sparse = x_gathered * gate
    return (x_sparse, top_idx)

if __name__ == "__main__":
    import jax
    _d = setup_inputs()
    print(jax.jit(kernel)(*tuple(_d.values())))

</pallas_src>

<mosaic_0001>
#map = affine_map<(d0, d1) -> (0, 0, 0)>
#map1 = affine_map<(d0, d1) -> (0, 0)>
module attributes {stable_mosaic.version = 14 : i64} {
  func.func @_sc_gather_body(%arg0: i32, %arg1: i32, %arg2: memref<32x8x64xi32, #tpu.memory_space<hbm>>, %arg3: memref<32768x768xf32, #tpu.memory_space<hbm>>, %arg4: memref<16384x768xf32, #tpu.memory_space<hbm>>, %arg5: memref<8x64xi32, #tpu.memory_space<vmem>>, %arg6: memref<2x64x768xf32, #tpu.memory_space<vmem>>, %arg7: memref<!tpu.dma_semaphore, #tpu.memory_space<semaphore_mem>>, %arg8: memref<!tpu.dma_semaphore, #tpu.memory_space<semaphore_mem>>) attributes {dimension_semantics = [#tpu.dimension_semantics<core_parallel>, #tpu.dimension_semantics<subcore_parallel>], iteration_bounds = array<i64: 2, 16>, scalar_prefetch = 0 : i64, scratch_operands = 4 : i64, tpu.core_type = #tpu.core_type<sc_vector_subcore>, window_params = [{transform_indices = #map}, {transform_indices = #map1}, {transform_indices = #map1}]} {
    %mul3A = arith.constant 2 : i32
    %mul3A_0 = arith.muli %arg1, %mul3A : i32
    %add3A = arith.addi %mul3A_0, %arg0 : i32
    "tpu.region"() ({
      %run_scoped3A = tpu.sem_alloc : memref<!tpu.dma_semaphore, #tpu.memory_space<semaphore_mem>>
      %dma_start3A_417 = arith.constant 0 : i32
      %dma_start3A_418 = arith.constant 0 : i32
      %dma_start3A_419 = tpu.memref_slice %arg2[%add3A, %dma_start3A_417, %dma_start3A_418] : memref<32x8x64xi32, #tpu.memory_space<hbm>> -> memref<1x8x64xi32, #tpu.memory_space<hbm>>
      %dma_start3A_420 = tpu.memref_squeeze %dma_start3A_419 : memref<1x8x64xi32, #tpu.memory_space<hbm>> -> memref<8x64xi32, #tpu.memory_space<hbm>>
      %dma_start3A_421 = arith.constant 0 : i32
      %dma_start3A_422 = arith.constant 0 : i32
      %dma_start3A_423 = tpu.memref_slice %arg2[%add3A, %dma_start3A_421, %dma_start3A_422] : memref<32x8x64xi32, #tpu.memory_space<hbm>> -> memref<1x8x64xi32, #tpu.memory_space<hbm>>
      %dma_start3A_424 = tpu.memref_squeeze %dma_start3A_423 : memref<1x8x64xi32, #tpu.memory_space<hbm>> -> memref<8x64xi32, #tpu.memory_space<hbm>>
      tpu.enqueue_dma source(%dma_start3A_424 : memref<8x64xi32, #tpu.memory_space<hbm>>) target(%arg5 : memref<8x64xi32, #tpu.memory_space<vmem>>) target_semaphore(%run_scoped3A : memref<!tpu.dma_semaphore, #tpu.memory_space<semaphore_mem>>)
      %dma_wait3A_425 = arith.constant 0 : i32
      %dma_wait3A_426 = arith.constant 0 : i32
      %dma_wait3A_427 = tpu.memref_slice %arg2[%add3A, %dma_wait3A_425, %dma_wait3A_426] : memref<32x8x64xi32, #tpu.memory_space<hbm>> -> memref<1x8x64xi32, #tpu.memory_space<hbm>>
      %dma_wait3A_428 = tpu.memref_squeeze %dma_wait3A_427 : memref<1x8x64xi32, #tpu.memory_space<hbm>> -> memref<8x64xi32, #tpu.memory_space<hbm>>
      %dma_wait3A_429 = arith.constant 0 : i32
      %dma_wait3A_430 = arith.constant 0 : i32
      %dma_wait3A_431 = tpu.memref_slice %arg2[%add3A, %dma_wait3A_429, %dma_wait3A_430] : memref<32x8x64xi32, #tpu.memory_space<hbm>> -> memref<1x8x64xi32, #tpu.memory_space<hbm>>
      %dma_wait3A_432 = tpu.memref_squeeze %dma_wait3A_431 : memref<1x8x64xi32, #tpu.memory_space<hbm>> -> memref<8x64xi32, #tpu.memory_space<hbm>>
      tpu.wait_dma2 semaphore(%run_scoped3A : memref<!tpu.dma_semaphore, #tpu.memory_space<semaphore_mem>>) src(%dma_wait3A_432 : memref<8x64xi32, #tpu.memory_space<hbm>>) dst(%arg5 : memref<8x64xi32, #tpu.memory_space<vmem>>)
      tpu.yield
    }) : () -> ()
    %mul3A_1 = arith.constant 512 : i32
    %mul3A_2 = arith.muli %add3A, %mul3A_1 : i32
    %dma_start3A = arith.constant 0 : i32
    %dma_start3A_3 = arith.constant 0 : i32
    %dma_start3A_4 = arith.constant 0 : i32
    %dma_start3A_5 = arith.constant 0 : i32
    %dma_start3A_6 = tpu.memref_slice %arg6[%dma_start3A_3, %dma_start3A_4, %dma_start3A_5] : memref<2x64x768xf32, #tpu.memory_space<vmem>> -> memref<1x64x768xf32, #tpu.memory_space<vmem>>
    %dma_start3A_7 = tpu.memref_squeeze %dma_start3A_6 : memref<1x64x768xf32, #tpu.memory_space<vmem>> -> memref<64x768xf32, #tpu.memory_space<vmem>>
    %dma_start3A_8 = arith.constant 0 : i32
    %dma_start3A_9 = tpu.memref_slice %arg5[%dma_start3A, %dma_start3A_8] : memref<8x64xi32, #tpu.memory_space<vmem>> -> memref<1x64xi32, #tpu.memory_space<vmem>>
    %dma_start3A_10 = tpu.memref_squeeze %dma_start3A_9 : memref<1x64xi32, #tpu.memory_space<vmem>> -> memref<64xi32, #tpu.memory_space<vmem>>
    %dma_start3A_11 = arith.constant 0 : i32
    %dma_start3A_12 = arith.constant 0 : i32
    %dma_start3A_13 = tpu.memref_slice %arg3[%dma_start3A_11, %dma_start3A_12] : memref<32768x768xf32, #tpu.memory_space<hbm>> -> memref<32768x768xf32, #tpu.memory_space<hbm>>
    tpu.enqueue_indirect_dma source(%dma_start3A_13 : memref<32768x768xf32, #tpu.memory_space<hbm>>) target(%dma_start3A_7 : memref<64x768xf32, #tpu.memory_space<vmem>>) offsets(%dma_start3A_10 : memref<64xi32, #tpu.memory_space<vmem>>) semaphore(%arg7 : memref<!tpu.dma_semaphore, #tpu.memory_space<semaphore_mem>>)
    %dma_wait3A = arith.constant 0 : i32
    %dma_wait3A_14 = arith.constant 0 : i32
    %dma_wait3A_15 = arith.constant 0 : i32
    %dma_wait3A_16 = arith.constant 0 : i32
    %dma_wait3A_17 = tpu.memref_slice %arg6[%dma_wait3A_14, %dma_wait3A_15, %dma_wait3A_16] : memref<2x64x768xf32, #tpu.memory_space<vmem>> -> memref<1x64x768xf32, #tpu.memory_space<vmem>>
    %dma_wait3A_18 = tpu.memref_squeeze %dma_wait3A_17 : memref<1x64x768xf32, #tpu.memory_space<vmem>> -> memref<64x768xf32, #tpu.memory_space<vmem>>
    %dma_wait3A_19 = arith.constant 0 : i32
    %dma_wait3A_20 = tpu.memref_slice %arg5[%dma_wait3A, %dma_wait3A_19] : memref<8x64xi32, #tpu.memory_space<vmem>> -> memref<1x64xi32, #tpu.memory_space<vmem>>
    %dma_wait3A_21 = tpu.memref_squeeze %dma_wait3A_20 : memref<1x64xi32, #tpu.memory_space<vmem>> -> memref<64xi32, #tpu.memory_space<vmem>>
    %dma_wait3A_22 = arith.constant 0 : i32
    %dma_wait3A_23 = arith.constant 0 : i32
    %dma_wait3A_24 = tpu.memref_slice %arg3[%dma_wait3A_22, %dma_wait3A_23] : memref<32768x768xf32, #tpu.memory_space<hbm>> -> memref<32768x768xf32, #tpu.memory_space<hbm>>
    tpu.wait_indirect_dma semaphore(%arg7 : memref<!tpu.dma_semaphore, #tpu.memory_space<semaphore_mem>>) src(%dma_wait3A_24 : memref<32768x768xf32, #tpu.memory_space<hbm>>) dst(%dma_wait3A_18 : memref<64x768xf32, #tpu.memory_space<vmem>>)
    %dma_start3A_25 = arith.constant 1 : i32
    %dma_start3A_26 = arith.constant 1 : i32
    %dma_start3A_27 = arith.constant 0 : i32
    %dma_start3A_28 = arith.constant 0 : i32
    %dma_start3A_29 = tpu.memref_slice %arg6[%dma_start3A_26, %dma_start3A_27, %dma_start3A_28] : memref<2x64x768xf32, #tpu.memory_space<vmem>> -> memref<1x64x768xf32, #tpu.memory_space<vmem>>
    %dma_start3A_30 = tpu.memref_squeeze %dma_start3A_29 : memref<1x64x768xf32, #tpu.memory_space<vmem>> -> memref<64x768xf32, #tpu.memory_space<vmem>>
    %dma_start3A_31 = arith.constant 0 : i32
    %dma_start3A_32 = tpu.memref_slice %arg5[%dma_start3A_25, %dma_start3A_31] : memref<8x64xi32, #tpu.memory_space<vmem>> -> memref<1x64xi32, #tpu.memory_space<vmem>>
    %dma_start3A_33 = tpu.memref_squeeze %dma_start3A_32 : memref<1x64xi32, #tpu.memory_space<vmem>> -> memref<64xi32, #tpu.memory_space<vmem>>
    %dma_start3A_34 = arith.constant 0 : i32
    %dma_start3A_35 = arith.constant 0 : i32
    %dma_start3A_36 = tpu.memref_slice %arg3[%dma_start3A_34, %dma_start3A_35] : memref<32768x768xf32, #tpu.memory_space<hbm>> -> memref<32768x768xf32, #tpu.memory_space<hbm>>
    tpu.enqueue_indirect_dma source(%dma_start3A_36 : memref<32768x768xf32, #tpu.memory_space<hbm>>) target(%dma_start3A_30 : memref<64x768xf32, #tpu.memory_space<vmem>>) offsets(%dma_start3A_33 : memref<64xi32, #tpu.memory_space<vmem>>) semaphore(%arg7 : memref<!tpu.dma_semaphore, #tpu.memory_space<semaphore_mem>>)
    %add3A_37 = arith.constant 0 : i32
    %add3A_38 = arith.addi %mul3A_2, %add3A_37 : i32
    %dma_start3A_39 = arith.constant 0 : i32
    %dma_start3A_40 = arith.constant 0 : i32
    %dma_start3A_41 = arith.constant 0 : i32
    %dma_start3A_42 = tpu.memref_slice %arg6[%dma_start3A_39, %dma_start3A_40, %dma_start3A_41] : memref<2x64x768xf32, #tpu.memory_space<vmem>> -> memref<1x64x768xf32, #tpu.memory_space<vmem>>
    %dma_start3A_43 = tpu.memref_squeeze %dma_start3A_42 : memref<1x64x768xf32, #tpu.memory_space<vmem>> -> memref<64x768xf32, #tpu.memory_space<vmem>>
    %dma_start3A_44 = arith.constant 0 : i32
    %dma_start3A_45 = tpu.memref_slice %arg4[%add3A_38, %dma_start3A_44] : memref<16384x768xf32, #tpu.memory_space<hbm>> -> memref<64x768xf32, #tpu.memory_space<hbm>>
    %dma_start3A_46 = arith.constant 0 : i32
    %dma_start3A_47 = tpu.memref_slice %arg4[%add3A_38, %dma_start3A_46] : memref<16384x768xf32, #tpu.memory_space<hbm>> -> memref<64x768xf32, #tpu.memory_space<hbm>>
    %dma_start3A_48 = arith.constant 0 : i32
    %dma_start3A_49 = arith.constant 0 : i32
    %dma_start3A_50 = tpu.memref_slice %arg6[%dma_start3A_39, %dma_start3A_48, %dma_start3A_49] : memref<2x64x768xf32, #tpu.memory_space<vmem>> -> memref<1x64x768xf32, #tpu.memory_space<vmem>>
    %dma_start3A_51 = tpu.memref_squeeze %dma_start3A_50 : memref<1x64x768xf32, #tpu.memory_space<vmem>> -> memref<64x768xf32, #tpu.memory_space<vmem>>
    tpu.enqueue_dma source(%dma_start3A_51 : memref<64x768xf32, #tpu.memory_space<vmem>>) target(%dma_start3A_47 : memref<64x768xf32, #tpu.memory_space<hbm>>) target_semaphore(%arg8 : memref<!tpu.dma_semaphore, #tpu.memory_space<semaphore_mem>>)
    %dma_wait3A_52 = arith.constant 1 : i32
    %dma_wait3A_53 = arith.constant 1 : i32
    %dma_wait3A_54 = arith.constant 0 : i32
    %dma_wait3A_55 = arith.constant 0 : i32
    %dma_wait3A_56 = tpu.memref_slice %arg6[%dma_wait3A_53, %dma_wait3A_54, %dma_wait3A_55] : memref<2x64x768xf32, #tpu.memory_space<vmem>> -> memref<1x64x768xf32, #tpu.memory_space<vmem>>
    %dma_wait3A_57 = tpu.memref_squeeze %dma_wait3A_56 : memref<1x64x768xf32, #tpu.memory_space<vmem>> -> memref<64x768xf32, #tpu.memory_space<vmem>>
    %dma_wait3A_58 = arith.constant 0 : i32
    %dma_wait3A_59 = tpu.memref_slice %arg5[%dma_wait3A_52, %dma_wait3A_58] : memref<8x64xi32, #tpu.memory_space<vmem>> -> memref<1x64xi32, #tpu.memory_space<vmem>>
    %dma_wait3A_60 = tpu.memref_squeeze %dma_wait3A_59 : memref<1x64xi32, #tpu.memory_space<vmem>> -> memref<64xi32, #tpu.memory_space<vmem>>
    %dma_wait3A_61 = arith.constant 0 : i32
    %dma_wait3A_62 = arith.constant 0 : i32
    %dma_wait3A_63 = tpu.memref_slice %arg3[%dma_wait3A_61, %dma_wait3A_62] : memref<32768x768xf32, #tpu.memory_space<hbm>> -> memref<32768x768xf32, #tpu.memory_space<hbm>>
    tpu.wait_indirect_dma semaphore(%arg7 : memref<!tpu.dma_semaphore, #tpu.memory_space<semaphore_mem>>) src(%dma_wait3A_63 : memref<32768x768xf32, #tpu.memory_space<hbm>>) dst(%dma_wait3A_57 : memref<64x768xf32, #tpu.memory_space<vmem>>)
    %dma_wait3A_64 = arith.constant 0 : i32
    %dma_wait3A_65 = arith.constant 0 : i32
    %dma_wait3A_66 = arith.constant 0 : i32
    %dma_wait3A_67 = tpu.memref_slice %arg6[%dma_wait3A_64, %dma_wait3A_65, %dma_wait3A_66] : memref<2x64x768xf32, #tpu.memory_space<vmem>> -> memref<1x64x768xf32, #tpu.memory_space<vmem>>
    %dma_wait3A_68 = tpu.memref_squeeze %dma_wait3A_67 : memref<1x64x768xf32, #tpu.memory_space<vmem>> -> memref<64x768xf32, #tpu.memory_space<vmem>>
    %dma_wait3A_69 = arith.constant 0 : i32
    %dma_wait3A_70 = tpu.memref_slice %arg4[%add3A_38, %dma_wait3A_69] : memref<16384x768xf32, #tpu.memory_space<hbm>> -> memref<64x768xf32, #tpu.memory_space<hbm>>
    %dma_wait3A_71 = arith.constant 0 : i32
    %dma_wait3A_72 = tpu.memref_slice %arg4[%add3A_38, %dma_wait3A_71] : memref<16384x768xf32, #tpu.memory_space<hbm>> -> memref<64x768xf32, #tpu.memory_space<hbm>>
    %dma_wait3A_73 = arith.constant 0 : i32
    %dma_wait3A_74 = arith.constant 0 : i32
    %dma_wait3A_75 = tpu.memref_slice %arg6[%dma_wait3A_64, %dma_wait3A_73, %dma_wait3A_74] : memref<2x64x768xf32, #tpu.memory_space<vmem>> -> memref<1x64x768xf32, #tpu.memory_space<vmem>>
    %dma_wait3A_76 = tpu.memref_squeeze %dma_wait3A_75 : memref<1x64x768xf32, #tpu.memory_space<vmem>> -> memref<64x768xf32, #tpu.memory_space<vmem>>
    tpu.wait_dma2 semaphore(%arg8 : memref<!tpu.dma_semaphore, #tpu.memory_space<semaphore_mem>>) src(%dma_wait3A_76 : memref<64x768xf32, #tpu.memory_space<vmem>>) dst(%dma_wait3A_72 : memref<64x768xf32, #tpu.memory_space<hbm>>)
    %dma_start3A_77 = arith.constant 2 : i32
    %dma_start3A_78 = arith.constant 0 : i32
    %dma_start3A_79 = arith.constant 0 : i32
    %dma_start3A_80 = arith.constant 0 : i32
    %dma_start3A_81 = tpu.memref_slice %arg6[%dma_start3A_78, %dma_start3A_79, %dma_start3A_80] : memref<2x64x768xf32, #tpu.memory_space<vmem>> -> memref<1x64x768xf32, #tpu.memory_space<vmem>>
    %dma_start3A_82 = tpu.memref_squeeze %dma_start3A_81 : memref<1x64x768xf32, #tpu.memory_space<vmem>> -> memref<64x768xf32, #tpu.memory_space<vmem>>
    %dma_start3A_83 = arith.constant 0 : i32
    %dma_start3A_84 = tpu.memref_slice %arg5[%dma_start3A_77, %dma_start3A_83] : memref<8x64xi32, #tpu.memory_space<vmem>> -> memref<1x64xi32, #tpu.memory_space<vmem>>
    %dma_start3A_85 = tpu.memref_squeeze %dma_start3A_84 : memref<1x64xi32, #tpu.memory_space<vmem>> -> memref<64xi32, #tpu.memory_space<vmem>>
    %dma_start3A_86 = arith.constant 0 : i32
    %dma_start3A_87 = arith.constant 0 : i32
    %dma_start3A_88 = tpu.memref_slice %arg3[%dma_start3A_86, %dma_start3A_87] : memref<32768x768xf32, #tpu.memory_space<hbm>> -> memref<32768x768xf32, #tpu.memory_space<hbm>>
    tpu.enqueue_indirect_dma source(%dma_start3A_88 : memref<32768x768xf32, #tpu.memory_space<hbm>>) target(%dma_start3A_82 : memref<64x768xf32, #tpu.memory_space<vmem>>) offsets(%dma_start3A_85 : memref<64xi32, #tpu.memory_space<vmem>>) semaphore(%arg7 : memref<!tpu.dma_semaphore, #tpu.memory_space<semaphore_mem>>)
    %add3A_89 = arith.constant 64 : i32
    %add3A_90 = arith.addi %mul3A_2, %add3A_89 : i32
    %dma_start3A_91 = arith.constant 1 : i32
    %dma_start3A_92 = arith.constant 0 : i32
    %dma_start3A_93 = arith.constant 0 : i32
    %dma_start3A_94 = tpu.memref_slice %arg6[%dma_start3A_91, %dma_start3A_92, %dma_start3A_93] : memref<2x64x768xf32, #tpu.memory_space<vmem>> -> memref<1x64x768xf32, #tpu.memory_space<vmem>>
    %dma_start3A_95 = tpu.memref_squeeze %dma_start3A_94 : memref<1x64x768xf32, #tpu.memory_space<vmem>> -> memref<64x768xf32, #tpu.memory_space<vmem>>
    %dma_start3A_96 = arith.constant 0 : i32
    %dma_start3A_97 = tpu.memref_slice %arg4[%add3A_90, %dma_start3A_96] : memref<16384x768xf32, #tpu.memory_space<hbm>> -> memref<64x768xf32, #tpu.memory_space<hbm>>
    %dma_start3A_98 = arith.constant 0 : i32
    %dma_start3A_99 = tpu.memref_slice %arg4[%add3A_90, %dma_start3A_98] : memref<16384x768xf32, #tpu.memory_space<hbm>> -> memref<64x768xf32, #tpu.memory_space<hbm>>
    %dma_start3A_100 = arith.constant 0 : i32
    %dma_start3A_101 = arith.constant 0 : i32
    %dma_start3A_102 = tpu.memref_slice %arg6[%dma_start3A_91, %dma_start3A_100, %dma_start3A_101] : memref<2x64x768xf32, #tpu.memory_space<vmem>> -> memref<1x64x768xf32, #tpu.memory_space<vmem>>
    %dma_start3A_103 = tpu.memref_squeeze %dma_start3A_102 : memref<1x64x768xf32, #tpu.memory_space<vmem>> -> memref<64x768xf32, #tpu.memory_space<vmem>>
    tpu.enqueue_dma source(%dma_start3A_103 : memref<64x768xf32, #tpu.memory_space<vmem>>) target(%dma_start3A_99 : memref<64x768xf32, #tpu.memory_space<hbm>>) target_semaphore(%arg8 : memref<!tpu.dma_semaphore, #tpu.memory_space<semaphore_mem>>)
    %dma_wait3A_104 = arith.constant 2 : i32
    %dma_wait3A_105 = arith.constant 0 : i32
    %dma_wait3A_106 = arith.constant 0 : i32
    %dma_wait3A_107 = arith.constant 0 : i32
    %dma_wait3A_108 = tpu.memref_slice %arg6[%dma_wait3A_105, %dma_wait3A_106, %dma_wait3A_107] : memref<2x64x768xf32, #tpu.memory_space<vmem>> -> memref<1x64x768xf32, #tpu.memory_space<vmem>>
    %dma_wait3A_109 = tpu.memref_squeeze %dma_wait3A_108 : memref<1x64x768xf32, #tpu.memory_space<vmem>> -> memref<64x768xf32, #tpu.memory_space<vmem>>
    %dma_wait3A_110 = arith.constant 0 : i32
    %dma_wait3A_111 = tpu.memref_slice %arg5[%dma_wait3A_104, %dma_wait3A_110] : memref<8x64xi32, #tpu.memory_space<vmem>> -> memref<1x64xi32, #tpu.memory_space<vmem>>
    %dma_wait3A_112 = tpu.memref_squeeze %dma_wait3A_111 : memref<1x64xi32, #tpu.memory_space<vmem>> -> memref<64xi32, #tpu.memory_space<vmem>>
    %dma_wait3A_113 = arith.constant 0 : i32
    %dma_wait3A_114 = arith.constant 0 : i32
    %dma_wait3A_115 = tpu.memref_slice %arg3[%dma_wait3A_113, %dma_wait3A_114] : memref<32768x768xf32, #tpu.memory_space<hbm>> -> memref<32768x768xf32, #tpu.memory_space<hbm>>
    tpu.wait_indirect_dma semaphore(%arg7 : memref<!tpu.dma_semaphore, #tpu.memory_space<semaphore_mem>>) src(%dma_wait3A_115 : memref<32768x768xf32, #tpu.memory_space<hbm>>) dst(%dma_wait3A_109 : memref<64x768xf32, #tpu.memory_space<vmem>>)
    %dma_wait3A_116 = arith.constant 1 : i32
    %dma_wait3A_117 = arith.constant 0 : i32
    %dma_wait3A_118 = arith.constant 0 : i32
    %dma_wait3A_119 = tpu.memref_slice %arg6[%dma_wait3A_116, %dma_wait3A_117, %dma_wait3A_118] : memref<2x64x768xf32, #tpu.memory_space<vmem>> -> memref<1x64x768xf32, #tpu.memory_space<vmem>>
    %dma_wait3A_120 = tpu.memref_squeeze %dma_wait3A_119 : memref<1x64x768xf32, #tpu.memory_space<vmem>> -> memref<64x768xf32, #tpu.memory_space<vmem>>
    %dma_wait3A_121 = arith.constant 0 : i32
    %dma_wait3A_122 = tpu.memref_slice %arg4[%add3A_90, %dma_wait3A_121] : memref<16384x768xf32, #tpu.memory_space<hbm>> -> memref<64x768xf32, #tpu.memory_space<hbm>>
    %dma_wait3A_123 = arith.constant 0 : i32
    %dma_wait3A_124 = tpu.memref_slice %arg4[%add3A_90, %dma_wait3A_123] : memref<16384x768xf32, #tpu.memory_space<hbm>> -> memref<64x768xf32, #tpu.memory_space<hbm>>
    %dma_wait3A_125 = arith.constant 0 : i32
    %dma_wait3A_126 = arith.constant 0 : i32
    %dma_wait3A_127 = tpu.memref_slice %arg6[%dma_wait3A_116, %dma_wait3A_125, %dma_wait3A_126] : memref<2x64x768xf32, #tpu.memory_space<vmem>> -> memref<1x64x768xf32, #tpu.memory_space<vmem>>
    %dma_wait3A_128 = tpu.memref_squeeze %dma_wait3A_127 : memref<1x64x768xf32, #tpu.memory_space<vmem>> -> memref<64x768xf32, #tpu.memory_space<vmem>>
    tpu.wait_dma2 semaphore(%arg8 : memref<!tpu.dma_semaphore, #tpu.memory_space<semaphore_mem>>) src(%dma_wait3A_128 : memref<64x768xf32, #tpu.memory_space<vmem>>) dst(%dma_wait3A_124 : memref<64x768xf32, #tpu.memory_space<hbm>>)
    %dma_start3A_129 = arith.constant 3 : i32
    %dma_start3A_130 = arith.constant 1 : i32
    %dma_start3A_131 = arith.constant 0 : i32
    %dma_start3A_132 = arith.constant 0 : i32
    %dma_start3A_133 = tpu.memref_slice %arg6[%dma_start3A_130, %dma_start3A_131, %dma_start3A_132] : memref<2x64x768xf32, #tpu.memory_space<vmem>> -> memref<1x64x768xf32, #tpu.memory_space<vmem>>
    %dma_start3A_134 = tpu.memref_squeeze %dma_start3A_133 : memref<1x64x768xf32, #tpu.memory_space<vmem>> -> memref<64x768xf32, #tpu.memory_space<vmem>>
    %dma_start3A_135 = arith.constant 0 : i32
    %dma_start3A_136 = tpu.memref_slice %arg5[%dma_start3A_129, %dma_start3A_135] : memref<8x64xi32, #tpu.memory_space<vmem>> -> memref<1x64xi32, #tpu.memory_space<vmem>>
    %dma_start3A_137 = tpu.memref_squeeze %dma_start3A_136 : memref<1x64xi32, #tpu.memory_space<vmem>> -> memref<64xi32, #tpu.memory_space<vmem>>
    %dma_start3A_138 = arith.constant 0 : i32
    %dma_start3A_139 = arith.constant 0 : i32
    %dma_start3A_140 = tpu.memref_slice %arg3[%dma_start3A_138, %dma_start3A_139] : memref<32768x768xf32, #tpu.memory_space<hbm>> -> memref<32768x768xf32, #tpu.memory_space<hbm>>
    tpu.enqueue_indirect_dma source(%dma_start3A_140 : memref<32768x768xf32, #tpu.memory_space<hbm>>) target(%dma_start3A_134 : memref<64x768xf32, #tpu.memory_space<vmem>>) offsets(%dma_start3A_137 : memref<64xi32, #tpu.memory_space<vmem>>) semaphore(%arg7 : memref<!tpu.dma_semaphore, #tpu.memory_space<semaphore_mem>>)
    %add3A_141 = arith.constant 128 : i32
    %add3A_142 = arith.addi %mul3A_2, %add3A_141 : i32
    %dma_start3A_143 = arith.constant 0 : i32
    %dma_start3A_144 = arith.constant 0 : i32
    %dma_start3A_145 = arith.constant 0 : i32
    %dma_start3A_146 = tpu.memref_slice %arg6[%dma_start3A_143, %dma_start3A_144, %dma_start3A_145] : memref<2x64x768xf32, #tpu.memory_space<vmem>> -> memref<1x64x768xf32, #tpu.memory_space<vmem>>
    %dma_start3A_147 = tpu.memref_squeeze %dma_start3A_146 : memref<1x64x768xf32, #tpu.memory_space<vmem>> -> memref<64x768xf32, #tpu.memory_space<vmem>>
    %dma_start3A_148 = arith.constant 0 : i32
    %dma_start3A_149 = tpu.memref_slice %arg4[%add3A_142, %dma_start3A_148] : memref<16384x768xf32, #tpu.memory_space<hbm>> -> memref<64x768xf32, #tpu.memory_space<hbm>>
    %dma_start3A_150 = arith.constant 0 : i32
    %dma_start3A_151 = tpu.memref_slice %arg4[%add3A_142, %dma_start3A_150] : memref<16384x768xf32, #tpu.memory_space<hbm>> -> memref<64x768xf32, #tpu.memory_space<hbm>>
    %dma_start3A_152 = arith.constant 0 : i32
    %dma_start3A_153 = arith.constant 0 : i32
    %dma_start3A_154 = tpu.memref_slice %arg6[%dma_start3A_143, %dma_start3A_152, %dma_start3A_153] : memref<2x64x768xf32, #tpu.memory_space<vmem>> -> memref<1x64x768xf32, #tpu.memory_space<vmem>>
    %dma_start3A_155 = tpu.memref_squeeze %dma_start3A_154 : memref<1x64x768xf32, #tpu.memory_space<vmem>> -> memref<64x768xf32, #tpu.memory_space<vmem>>
    tpu.enqueue_dma source(%dma_start3A_155 : memref<64x768xf32, #tpu.memory_space<vmem>>) target(%dma_start3A_151 : memref<64x768xf32, #tpu.memory_space<hbm>>) target_semaphore(%arg8 : memref<!tpu.dma_semaphore, #tpu.memory_space<semaphore_mem>>)
    %dma_wait3A_156 = arith.constant 3 : i32
    %dma_wait3A_157 = arith.constant 1 : i32
    %dma_wait3A_158 = arith.constant 0 : i32
    %dma_wait3A_159 = arith.constant 0 : i32
    %dma_wait3A_160 = tpu.memref_slice %arg6[%dma_wait3A_157, %dma_wait3A_158, %dma_wait3A_159] : memref<2x64x768xf32, #tpu.memory_space<vmem>> -> memref<1x64x768xf32, #tpu.memory_space<vmem>>
    %dma_wait3A_161 = tpu.memref_squeeze %dma_wait3A_160 : memref<1x64x768xf32, #tpu.memory_space<vmem>> -> memref<64x768xf32, #tpu.memory_space<vmem>>
    %dma_wait3A_162 = arith.constant 0 : i32
    %dma_wait3A_163 = tpu.memref_slice %arg5[%dma_wait3A_156, %dma_wait3A_162] : memref<8x64xi32, #tpu.memory_space<vmem>> -> memref<1x64xi32, #tpu.memory_space<vmem>>
    %dma_wait3A_164 = tpu.memref_squeeze %dma_wait3A_163 : memref<1x64xi32, #tpu.memory_space<vmem>> -> memref<64xi32, #tpu.memory_space<vmem>>
    %dma_wait3A_165 = arith.constant 0 : i32
    %dma_wait3A_166 = arith.constant 0 : i32
    %dma_wait3A_167 = tpu.memref_slice %arg3[%dma_wait3A_165, %dma_wait3A_166] : memref<32768x768xf32, #tpu.memory_space<hbm>> -> memref<32768x768xf32, #tpu.memory_space<hbm>>
    tpu.wait_indirect_dma semaphore(%arg7 : memref<!tpu.dma_semaphore, #tpu.memory_space<semaphore_mem>>) src(%dma_wait3A_167 : memref<32768x768xf32, #tpu.memory_space<hbm>>) dst(%dma_wait3A_161 : memref<64x768xf32, #tpu.memory_space<vmem>>)
    %dma_wait3A_168 = arith.constant 0 : i32
    %dma_wait3A_169 = arith.constant 0 : i32
    %dma_wait3A_170 = arith.constant 0 : i32
    %dma_wait3A_171 = tpu.memref_slice %arg6[%dma_wait3A_168, %dma_wait3A_169, %dma_wait3A_170] : memref<2x64x768xf32, #tpu.memory_space<vmem>> -> memref<1x64x768xf32, #tpu.memory_space<vmem>>
    %dma_wait3A_172 = tpu.memref_squeeze %dma_wait3A_171 : memref<1x64x768xf32, #tpu.memory_space<vmem>> -> memref<64x768xf32, #tpu.memory_space<vmem>>
    %dma_wait3A_173 = arith.constant 0 : i32
    %dma_wait3A_174 = tpu.memref_slice %arg4[%add3A_142, %dma_wait3A_173] : memref<16384x768xf32, #tpu.memory_space<hbm>> -> memref<64x768xf32, #tpu.memory_space<hbm>>
    %dma_wait3A_175 = arith.constant 0 : i32
    %dma_wait3A_176 = tpu.memref_slice %arg4[%add3A_142, %dma_wait3A_175] : memref<16384x768xf32, #tpu.memory_space<hbm>> -> memref<64x768xf32, #tpu.memory_space<hbm>>
    %dma_wait3A_177 = arith.constant 0 : i32
    %dma_wait3A_178 = arith.constant 0 : i32
    %dma_wait3A_179 = tpu.memref_slice %arg6[%dma_wait3A_168, %dma_wait3A_177, %dma_wait3A_178] : memref<2x64x768xf32, #tpu.memory_space<vmem>> -> memref<1x64x768xf32, #tpu.memory_space<vmem>>
    %dma_wait3A_180 = tpu.memref_squeeze %dma_wait3A_179 : memref<1x64x768xf32, #tpu.memory_space<vmem>> -> memref<64x768xf32, #tpu.memory_space<vmem>>
    tpu.wait_dma2 semaphore(%arg8 : memref<!tpu.dma_semaphore, #tpu.memory_space<semaphore_mem>>) src(%dma_wait3A_180 : memref<64x768xf32, #tpu.memory_space<vmem>>) dst(%dma_wait3A_176 : memref<64x768xf32, #tpu.memory_space<hbm>>)
    %dma_start3A_181 = arith.constant 4 : i32
    %dma_start3A_182 = arith.constant 0 : i32
    %dma_start3A_183 = arith.constant 0 : i32
    %dma_start3A_184 = arith.constant 0 : i32
    %dma_start3A_185 = tpu.memref_slice %arg6[%dma_start3A_182, %dma_start3A_183, %dma_start3A_184] : memref<2x64x768xf32, #tpu.memory_space<vmem>> -> memref<1x64x768xf32, #tpu.memory_space<vmem>>
    %dma_start3A_186 = tpu.memref_squeeze %dma_start3A_185 : memref<1x64x768xf32, #tpu.memory_space<vmem>> -> memref<64x768xf32, #tpu.memory_space<vmem>>
    %dma_start3A_187 = arith.constant 0 : i32
    %dma_start3A_188 = tpu.memref_slice %arg5[%dma_start3A_181, %dma_start3A_187] : memref<8x64xi32, #tpu.memory_space<vmem>> -> memref<1x64xi32, #tpu.memory_space<vmem>>
    %dma_start3A_189 = tpu.memref_squeeze %dma_start3A_188 : memref<1x64xi32, #tpu.memory_space<vmem>> -> memref<64xi32, #tpu.memory_space<vmem>>
    %dma_start3A_190 = arith.constant 0 : i32
    %dma_start3A_191 = arith.constant 0 : i32
    %dma_start3A_192 = tpu.memref_slice %arg3[%dma_start3A_190, %dma_start3A_191] : memref<32768x768xf32, #tpu.memory_space<hbm>> -> memref<32768x768xf32, #tpu.memory_space<hbm>>
    tpu.enqueue_indirect_dma source(%dma_start3A_192 : memref<32768x768xf32, #tpu.memory_space<hbm>>) target(%dma_start3A_186 : memref<64x768xf32, #tpu.memory_space<vmem>>) offsets(%dma_start3A_189 : memref<64xi32, #tpu.memory_space<vmem>>) semaphore(%arg7 : memref<!tpu.dma_semaphore, #tpu.memory_space<semaphore_mem>>)
    %add3A_193 = arith.constant 192 : i32
    %add3A_194 = arith.addi %mul3A_2, %add3A_193 : i32
    %dma_start3A_195 = arith.constant 1 : i32
    %dma_start3A_196 = arith.constant 0 : i32
    %dma_start3A_197 = arith.constant 0 : i32
    %dma_start3A_198 = tpu.memref_slice %arg6[%dma_start3A_195, %dma_start3A_196, %dma_start3A_197] : memref<2x64x768xf32, #tpu.memory_space<vmem>> -> memref<1x64x768xf32, #tpu.memory_space<vmem>>
    %dma_start3A_199 = tpu.memref_squeeze %dma_start3A_198 : memref<1x64x768xf32, #tpu.memory_space<vmem>> -> memref<64x768xf32, #tpu.memory_space<vmem>>
    %dma_start3A_200 = arith.constant 0 : i32
    %dma_start3A_201 = tpu.memref_slice %arg4[%add3A_194, %dma_start3A_200] : memref<16384x768xf32, #tpu.memory_space<hbm>> -> memref<64x768xf32, #tpu.memory_space<hbm>>
    %dma_start3A_202 = arith.constant 0 : i32
    %dma_start3A_203 = tpu.memref_slice %arg4[%add3A_194, %dma_start3A_202] : memref<16384x768xf32, #tpu.memory_space<hbm>> -> memref<64x768xf32, #tpu.memory_space<hbm>>
    %dma_start3A_204 = arith.constant 0 : i32
    %dma_start3A_205 = arith.constant 0 : i32
    %dma_start3A_206 = tpu.memref_slice %arg6[%dma_start3A_195, %dma_start3A_204, %dma_start3A_205] : memref<2x64x768xf32, #tpu.memory_space<vmem>> -> memref<1x64x768xf32, #tpu.memory_space<vmem>>
    %dma_start3A_207 = tpu.memref_squeeze %dma_start3A_206 : memref<1x64x768xf32, #tpu.memory_space<vmem>> -> memref<64x768xf32, #tpu.memory_space<vmem>>
    tpu.enqueue_dma source(%dma_start3A_207 : memref<64x768xf32, #tpu.memory_space<vmem>>) target(%dma_start3A_203 : memref<64x768xf32, #tpu.memory_space<hbm>>) target_semaphore(%arg8 : memref<!tpu.dma_semaphore, #tpu.memory_space<semaphore_mem>>)
    %dma_wait3A_208 = arith.constant 4 : i32
    %dma_wait3A_209 = arith.constant 0 : i32
    %dma_wait3A_210 = arith.constant 0 : i32
    %dma_wait3A_211 = arith.constant 0 : i32
    %dma_wait3A_212 = tpu.memref_slice %arg6[%dma_wait3A_209, %dma_wait3A_210, %dma_wait3A_211] : memref<2x64x768xf32, #tpu.memory_space<vmem>> -> memref<1x64x768xf32, #tpu.memory_space<vmem>>
    %dma_wait3A_213 = tpu.memref_squeeze %dma_wait3A_212 : memref<1x64x768xf32, #tpu.memory_space<vmem>> -> memref<64x768xf32, #tpu.memory_space<vmem>>
    %dma_wait3A_214 = arith.constant 0 : i32
    %dma_wait3A_215 = tpu.memref_slice %arg5[%dma_wait3A_208, %dma_wait3A_214] : memref<8x64xi32, #tpu.memory_space<vmem>> -> memref<1x64xi32, #tpu.memory_space<vmem>>
    %dma_wait3A_216 = tpu.memref_squeeze %dma_wait3A_215 : memref<1x64xi32, #tpu.memory_space<vmem>> -> memref<64xi32, #tpu.memory_space<vmem>>
    %dma_wait3A_217 = arith.constant 0 : i32
    %dma_wait3A_218 = arith.constant 0 : i32
    %dma_wait3A_219 = tpu.memref_slice %arg3[%dma_wait3A_217, %dma_wait3A_218] : memref<32768x768xf32, #tpu.memory_space<hbm>> -> memref<32768x768xf32, #tpu.memory_space<hbm>>
    tpu.wait_indirect_dma semaphore(%arg7 : memref<!tpu.dma_semaphore, #tpu.memory_space<semaphore_mem>>) src(%dma_wait3A_219 : memref<32768x768xf32, #tpu.memory_space<hbm>>) dst(%dma_wait3A_213 : memref<64x768xf32, #tpu.memory_space<vmem>>)
    %dma_wait3A_220 = arith.constant 1 : i32
    %dma_wait3A_221 = arith.constant 0 : i32
    %dma_wait3A_222 = arith.constant 0 : i32
    %dma_wait3A_223 = tpu.memref_slice %arg6[%dma_wait3A_220, %dma_wait3A_221, %dma_wait3A_222] : memref<2x64x768xf32, #tpu.memory_space<vmem>> -> memref<1x64x768xf32, #tpu.memory_space<vmem>>
    %dma_wait3A_224 = tpu.memref_squeeze %dma_wait3A_223 : memref<1x64x768xf32, #tpu.memory_space<vmem>> -> memref<64x768xf32, #tpu.memory_space<vmem>>
    %dma_wait3A_225 = arith.constant 0 : i32
    %dma_wait3A_226 = tpu.memref_slice %arg4[%add3A_194, %dma_wait3A_225] : memref<16384x768xf32, #tpu.memory_space<hbm>> -> memref<64x768xf32, #tpu.memory_space<hbm>>
    %dma_wait3A_227 = arith.constant 0 : i32
    %dma_wait3A_228 = tpu.memref_slice %arg4[%add3A_194, %dma_wait3A_227] : memref<16384x768xf32, #tpu.memory_space<hbm>> -> memref<64x768xf32, #tpu.memory_space<hbm>>
    %dma_wait3A_229 = arith.constant 0 : i32
    %dma_wait3A_230 = arith.constant 0 : i32
    %dma_wait3A_231 = tpu.memref_slice %arg6[%dma_wait3A_220, %dma_wait3A_229, %dma_wait3A_230] : memref<2x64x768xf32, #tpu.memory_space<vmem>> -> memref<1x64x768xf32, #tpu.memory_space<vmem>>
    %dma_wait3A_232 = tpu.memref_squeeze %dma_wait3A_231 : memref<1x64x768xf32, #tpu.memory_space<vmem>> -> memref<64x768xf32, #tpu.memory_space<vmem>>
    tpu.wait_dma2 semaphore(%arg8 : memref<!tpu.dma_semaphore, #tpu.memory_space<semaphore_mem>>) src(%dma_wait3A_232 : memref<64x768xf32, #tpu.memory_space<vmem>>) dst(%dma_wait3A_228 : memref<64x768xf32, #tpu.memory_space<hbm>>)
    %dma_start3A_233 = arith.constant 5 : i32
    %dma_start3A_234 = arith.constant 1 : i32
    %dma_start3A_235 = arith.constant 0 : i32
    %dma_start3A_236 = arith.constant 0 : i32
    %dma_start3A_237 = tpu.memref_slice %arg6[%dma_start3A_234, %dma_start3A_235, %dma_start3A_236] : memref<2x64x768xf32, #tpu.memory_space<vmem>> -> memref<1x64x768xf32, #tpu.memory_space<vmem>>
    %dma_start3A_238 = tpu.memref_squeeze %dma_start3A_237 : memref<1x64x768xf32, #tpu.memory_space<vmem>> -> memref<64x768xf32, #tpu.memory_space<vmem>>
    %dma_start3A_239 = arith.constant 0 : i32
    %dma_start3A_240 = tpu.memref_slice %arg5[%dma_start3A_233, %dma_start3A_239] : memref<8x64xi32, #tpu.memory_space<vmem>> -> memref<1x64xi32, #tpu.memory_space<vmem>>
    %dma_start3A_241 = tpu.memref_squeeze %dma_start3A_240 : memref<1x64xi32, #tpu.memory_space<vmem>> -> memref<64xi32, #tpu.memory_space<vmem>>
    %dma_start3A_242 = arith.constant 0 : i32
    %dma_start3A_243 = arith.constant 0 : i32
    %dma_start3A_244 = tpu.memref_slice %arg3[%dma_start3A_242, %dma_start3A_243] : memref<32768x768xf32, #tpu.memory_space<hbm>> -> memref<32768x768xf32, #tpu.memory_space<hbm>>
    tpu.enqueue_indirect_dma source(%dma_start3A_244 : memref<32768x768xf32, #tpu.memory_space<hbm>>) target(%dma_start3A_238 : memref<64x768xf32, #tpu.memory_space<vmem>>) offsets(%dma_start3A_241 : memref<64xi32, #tpu.memory_space<vmem>>) semaphore(%arg7 : memref<!tpu.dma_semaphore, #tpu.memory_space<semaphore_mem>>)
    %add3A_245 = arith.constant 256 : i32
    %add3A_246 = arith.addi %mul3A_2, %add3A_245 : i32
    %dma_start3A_247 = arith.constant 0 : i32
    %dma_start3A_248 = arith.constant 0 : i32
    %dma_start3A_249 = arith.constant 0 : i32
    %dma_start3A_250 = tpu.memref_slice %arg6[%dma_start3A_247, %dma_start3A_248, %dma_start3A_249] : memref<2x64x768xf32, #tpu.memory_space<vmem>> -> memref<1x64x768xf32, #tpu.memory_space<vmem>>
    %dma_start3A_251 = tpu.memref_squeeze %dma_start3A_250 : memref<1x64x768xf32, #tpu.memory_space<vmem>> -> memref<64x768xf32, #tpu.memory_space<vmem>>
    %dma_start3A_252 = arith.constant 0 : i32
    %dma_start3A_253 = tpu.memref_slice %arg4[%add3A_246, %dma_start3A_252] : memref<16384x768xf32, #tpu.memory_space<hbm>> -> memref<64x768xf32, #tpu.memory_space<hbm>>
    %dma_start3A_254 = arith.constant 0 : i32
    %dma_start3A_255 = tpu.memref_slice %arg4[%add3A_246, %dma_start3A_254] : memref<16384x768xf32, #tpu.memory_space<hbm>> -> memref<64x768xf32, #tpu.memory_space<hbm>>
    %dma_start3A_256 = arith.constant 0 : i32
    %dma_start3A_257 = arith.constant 0 : i32
    %dma_start3A_258 = tpu.memref_slice %arg6[%dma_start3A_247, %dma_start3A_256, %dma_start3A_257] : memref<2x64x768xf32, #tpu.memory_space<vmem>> -> memref<1x64x768xf32, #tpu.memory_space<vmem>>
    %dma_start3A_259 = tpu.memref_squeeze %dma_start3A_258 : memref<1x64x768xf32, #tpu.memory_space<vmem>> -> memref<64x768xf32, #tpu.memory_space<vmem>>
    tpu.enqueue_dma source(%dma_start3A_259 : memref<64x768xf32, #tpu.memory_space<vmem>>) target(%dma_start3A_255 : memref<64x768xf32, #tpu.memory_space<hbm>>) target_semaphore(%arg8 : memref<!tpu.dma_semaphore, #tpu.memory_space<semaphore_mem>>)
    %dma_wait3A_260 = arith.constant 5 : i32
    %dma_wait3A_261 = arith.constant 1 : i32
    %dma_wait3A_262 = arith.constant 0 : i32
    %dma_wait3A_263 = arith.constant 0 : i32
    %dma_wait3A_264 = tpu.memref_slice %arg6[%dma_wait3A_261, %dma_wait3A_262, %dma_wait3A_263] : memref<2x64x768xf32, #tpu.memory_space<vmem>> -> memref<1x64x768xf32, #tpu.memory_space<vmem>>
    %dma_wait3A_265 = tpu.memref_squeeze %dma_wait3A_264 : memref<1x64x768xf32, #tpu.memory_space<vmem>> -> memref<64x768xf32, #tpu.memory_space<vmem>>
    %dma_wait3A_266 = arith.constant 0 : i32
    %dma_wait3A_267 = tpu.memref_slice %arg5[%dma_wait3A_260, %dma_wait3A_266] : memref<8x64xi32, #tpu.memory_space<vmem>> -> memref<1x64xi32, #tpu.memory_space<vmem>>
    %dma_wait3A_268 = tpu.memref_squeeze %dma_wait3A_267 : memref<1x64xi32, #tpu.memory_space<vmem>> -> memref<64xi32, #tpu.memory_space<vmem>>
    %dma_wait3A_269 = arith.constant 0 : i32
    %dma_wait3A_270 = arith.constant 0 : i32
    %dma_wait3A_271 = tpu.memref_slice %arg3[%dma_wait3A_269, %dma_wait3A_270] : memref<32768x768xf32, #tpu.memory_space<hbm>> -> memref<32768x768xf32, #tpu.memory_space<hbm>>
    tpu.wait_indirect_dma semaphore(%arg7 : memref<!tpu.dma_semaphore, #tpu.memory_space<semaphore_mem>>) src(%dma_wait3A_271 : memref<32768x768xf32, #tpu.memory_space<hbm>>) dst(%dma_wait3A_265 : memref<64x768xf32, #tpu.memory_space<vmem>>)
    %dma_wait3A_272 = arith.constant 0 : i32
    %dma_wait3A_273 = arith.constant 0 : i32
    %dma_wait3A_274 = arith.constant 0 : i32
    %dma_wait3A_275 = tpu.memref_slice %arg6[%dma_wait3A_272, %dma_wait3A_273, %dma_wait3A_274] : memref<2x64x768xf32, #tpu.memory_space<vmem>> -> memref<1x64x768xf32, #tpu.memory_space<vmem>>
    %dma_wait3A_276 = tpu.memref_squeeze %dma_wait3A_275 : memref<1x64x768xf32, #tpu.memory_space<vmem>> -> memref<64x768xf32, #tpu.memory_space<vmem>>
    %dma_wait3A_277 = arith.constant 0 : i32
    %dma_wait3A_278 = tpu.memref_slice %arg4[%add3A_246, %dma_wait3A_277] : memref<16384x768xf32, #tpu.memory_space<hbm>> -> memref<64x768xf32, #tpu.memory_space<hbm>>
    %dma_wait3A_279 = arith.constant 0 : i32
    %dma_wait3A_280 = tpu.memref_slice %arg4[%add3A_246, %dma_wait3A_279] : memref<16384x768xf32, #tpu.memory_space<hbm>> -> memref<64x768xf32, #tpu.memory_space<hbm>>
    %dma_wait3A_281 = arith.constant 0 : i32
    %dma_wait3A_282 = arith.constant 0 : i32
    %dma_wait3A_283 = tpu.memref_slice %arg6[%dma_wait3A_272, %dma_wait3A_281, %dma_wait3A_282] : memref<2x64x768xf32, #tpu.memory_space<vmem>> -> memref<1x64x768xf32, #tpu.memory_space<vmem>>
    %dma_wait3A_284 = tpu.memref_squeeze %dma_wait3A_283 : memref<1x64x768xf32, #tpu.memory_space<vmem>> -> memref<64x768xf32, #tpu.memory_space<vmem>>
    tpu.wait_dma2 semaphore(%arg8 : memref<!tpu.dma_semaphore, #tpu.memory_space<semaphore_mem>>) src(%dma_wait3A_284 : memref<64x768xf32, #tpu.memory_space<vmem>>) dst(%dma_wait3A_280 : memref<64x768xf32, #tpu.memory_space<hbm>>)
    %dma_start3A_285 = arith.constant 6 : i32
    %dma_start3A_286 = arith.constant 0 : i32
    %dma_start3A_287 = arith.constant 0 : i32
    %dma_start3A_288 = arith.constant 0 : i32
    %dma_start3A_289 = tpu.memref_slice %arg6[%dma_start3A_286, %dma_start3A_287, %dma_start3A_288] : memref<2x64x768xf32, #tpu.memory_space<vmem>> -> memref<1x64x768xf32, #tpu.memory_space<vmem>>
    %dma_start3A_290 = tpu.memref_squeeze %dma_start3A_289 : memref<1x64x768xf32, #tpu.memory_space<vmem>> -> memref<64x768xf32, #tpu.memory_space<vmem>>
    %dma_start3A_291 = arith.constant 0 : i32
    %dma_start3A_292 = tpu.memref_slice %arg5[%dma_start3A_285, %dma_start3A_291] : memref<8x64xi32, #tpu.memory_space<vmem>> -> memref<1x64xi32, #tpu.memory_space<vmem>>
    %dma_start3A_293 = tpu.memref_squeeze %dma_start3A_292 : memref<1x64xi32, #tpu.memory_space<vmem>> -> memref<64xi32, #tpu.memory_space<vmem>>
    %dma_start3A_294 = arith.constant 0 : i32
    %dma_start3A_295 = arith.constant 0 : i32
    %dma_start3A_296 = tpu.memref_slice %arg3[%dma_start3A_294, %dma_start3A_295] : memref<32768x768xf32, #tpu.memory_space<hbm>> -> memref<32768x768xf32, #tpu.memory_space<hbm>>
    tpu.enqueue_indirect_dma source(%dma_start3A_296 : memref<32768x768xf32, #tpu.memory_space<hbm>>) target(%dma_start3A_290 : memref<64x768xf32, #tpu.memory_space<vmem>>) offsets(%dma_start3A_293 : memref<64xi32, #tpu.memory_space<vmem>>) semaphore(%arg7 : memref<!tpu.dma_semaphore, #tpu.memory_space<semaphore_mem>>)
    %add3A_297 = arith.constant 320 : i32
    %add3A_298 = arith.addi %mul3A_2, %add3A_297 : i32
    %dma_start3A_299 = arith.constant 1 : i32
    %dma_start3A_300 = arith.constant 0 : i32
    %dma_start3A_301 = arith.constant 0 : i32
    %dma_start3A_302 = tpu.memref_slice %arg6[%dma_start3A_299, %dma_start3A_300, %dma_start3A_301] : memref<2x64x768xf32, #tpu.memory_space<vmem>> -> memref<1x64x768xf32, #tpu.memory_space<vmem>>
    %dma_start3A_303 = tpu.memref_squeeze %dma_start3A_302 : memref<1x64x768xf32, #tpu.memory_space<vmem>> -> memref<64x768xf32, #tpu.memory_space<vmem>>
    %dma_start3A_304 = arith.constant 0 : i32
    %dma_start3A_305 = tpu.memref_slice %arg4[%add3A_298, %dma_start3A_304] : memref<16384x768xf32, #tpu.memory_space<hbm>> -> memref<64x768xf32, #tpu.memory_space<hbm>>
    %dma_start3A_306 = arith.constant 0 : i32
    %dma_start3A_307 = tpu.memref_slice %arg4[%add3A_298, %dma_start3A_306] : memref<16384x768xf32, #tpu.memory_space<hbm>> -> memref<64x768xf32, #tpu.memory_space<hbm>>
    %dma_start3A_308 = arith.constant 0 : i32
    %dma_start3A_309 = arith.constant 0 : i32
    %dma_start3A_310 = tpu.memref_slice %arg6[%dma_start3A_299, %dma_start3A_308, %dma_start3A_309] : memref<2x64x768xf32, #tpu.memory_space<vmem>> -> memref<1x64x768xf32, #tpu.memory_space<vmem>>
    %dma_start3A_311 = tpu.memref_squeeze %dma_start3A_310 : memref<1x64x768xf32, #tpu.memory_space<vmem>> -> memref<64x768xf32, #tpu.memory_space<vmem>>
    tpu.enqueue_dma source(%dma_start3A_311 : memref<64x768xf32, #tpu.memory_space<vmem>>) target(%dma_start3A_307 : memref<64x768xf32, #tpu.memory_space<hbm>>) target_semaphore(%arg8 : memref<!tpu.dma_semaphore, #tpu.memory_space<semaphore_mem>>)
    %dma_wait3A_312 = arith.constant 6 : i32
    %dma_wait3A_313 = arith.constant 0 : i32
    %dma_wait3A_314 = arith.constant 0 : i32
    %dma_wait3A_315 = arith.constant 0 : i32
    %dma_wait3A_316 = tpu.memref_slice %arg6[%dma_wait3A_313, %dma_wait3A_314, %dma_wait3A_315] : memref<2x64x768xf32, #tpu.memory_space<vmem>> -> memref<1x64x768xf32, #tpu.memory_space<vmem>>
    %dma_wait3A_317 = tpu.memref_squeeze %dma_wait3A_316 : memref<1x64x768xf32, #tpu.memory_space<vmem>> -> memref<64x768xf32, #tpu.memory_space<vmem>>
    %dma_wait3A_318 = arith.constant 0 : i32
    %dma_wait3A_319 = tpu.memref_slice %arg5[%dma_wait3A_312, %dma_wait3A_318] : memref<8x64xi32, #tpu.memory_space<vmem>> -> memref<1x64xi32, #tpu.memory_space<vmem>>
    %dma_wait3A_320 = tpu.memref_squeeze %dma_wait3A_319 : memref<1x64xi32, #tpu.memory_space<vmem>> -> memref<64xi32, #tpu.memory_space<vmem>>
    %dma_wait3A_321 = arith.constant 0 : i32
    %dma_wait3A_322 = arith.constant 0 : i32
    %dma_wait3A_323 = tpu.memref_slice %arg3[%dma_wait3A_321, %dma_wait3A_322] : memref<32768x768xf32, #tpu.memory_space<hbm>> -> memref<32768x768xf32, #tpu.memory_space<hbm>>
    tpu.wait_indirect_dma semaphore(%arg7 : memref<!tpu.dma_semaphore, #tpu.memory_space<semaphore_mem>>) src(%dma_wait3A_323 : memref<32768x768xf32, #tpu.memory_space<hbm>>) dst(%dma_wait3A_317 : memref<64x768xf32, #tpu.memory_space<vmem>>)
    %dma_wait3A_324 = arith.constant 1 : i32
    %dma_wait3A_325 = arith.constant 0 : i32
    %dma_wait3A_326 = arith.constant 0 : i32
    %dma_wait3A_327 = tpu.memref_slice %arg6[%dma_wait3A_324, %dma_wait3A_325, %dma_wait3A_326] : memref<2x64x768xf32, #tpu.memory_space<vmem>> -> memref<1x64x768xf32, #tpu.memory_space<vmem>>
    %dma_wait3A_328 = tpu.memref_squeeze %dma_wait3A_327 : memref<1x64x768xf32, #tpu.memory_space<vmem>> -> memref<64x768xf32, #tpu.memory_space<vmem>>
    %dma_wait3A_329 = arith.constant 0 : i32
    %dma_wait3A_330 = tpu.memref_slice %arg4[%add3A_298, %dma_wait3A_329] : memref<16384x768xf32, #tpu.memory_space<hbm>> -> memref<64x768xf32, #tpu.memory_space<hbm>>
    %dma_wait3A_331 = arith.constant 0 : i32
    %dma_wait3A_332 = tpu.memref_slice %arg4[%add3A_298, %dma_wait3A_331] : memref<16384x768xf32, #tpu.memory_space<hbm>> -> memref<64x768xf32, #tpu.memory_space<hbm>>
    %dma_wait3A_333 = arith.constant 0 : i32
    %dma_wait3A_334 = arith.constant 0 : i32
    %dma_wait3A_335 = tpu.memref_slice %arg6[%dma_wait3A_324, %dma_wait3A_333, %dma_wait3A_334] : memref<2x64x768xf32, #tpu.memory_space<vmem>> -> memref<1x64x768xf32, #tpu.memory_space<vmem>>
    %dma_wait3A_336 = tpu.memref_squeeze %dma_wait3A_335 : memref<1x64x768xf32, #tpu.memory_space<vmem>> -> memref<64x768xf32, #tpu.memory_space<vmem>>
    tpu.wait_dma2 semaphore(%arg8 : memref<!tpu.dma_semaphore, #tpu.memory_space<semaphore_mem>>) src(%dma_wait3A_336 : memref<64x768xf32, #tpu.memory_space<vmem>>) dst(%dma_wait3A_332 : memref<64x768xf32, #tpu.memory_space<hbm>>)
    %dma_start3A_337 = arith.constant 7 : i32
    %dma_start3A_338 = arith.constant 1 : i32
    %dma_start3A_339 = arith.constant 0 : i32
    %dma_start3A_340 = arith.constant 0 : i32
    %dma_start3A_341 = tpu.memref_slice %arg6[%dma_start3A_338, %dma_start3A_339, %dma_start3A_340] : memref<2x64x768xf32, #tpu.memory_space<vmem>> -> memref<1x64x768xf32, #tpu.memory_space<vmem>>
    %dma_start3A_342 = tpu.memref_squeeze %dma_start3A_341 : memref<1x64x768xf32, #tpu.memory_space<vmem>> -> memref<64x768xf32, #tpu.memory_space<vmem>>
    %dma_start3A_343 = arith.constant 0 : i32
    %dma_start3A_344 = tpu.memref_slice %arg5[%dma_start3A_337, %dma_start3A_343] : memref<8x64xi32, #tpu.memory_space<vmem>> -> memref<1x64xi32, #tpu.memory_space<vmem>>
    %dma_start3A_345 = tpu.memref_squeeze %dma_start3A_344 : memref<1x64xi32, #tpu.memory_space<vmem>> -> memref<64xi32, #tpu.memory_space<vmem>>
    %dma_start3A_346 = arith.constant 0 : i32
    %dma_start3A_347 = arith.constant 0 : i32
    %dma_start3A_348 = tpu.memref_slice %arg3[%dma_start3A_346, %dma_start3A_347] : memref<32768x768xf32, #tpu.memory_space<hbm>> -> memref<32768x768xf32, #tpu.memory_space<hbm>>
    tpu.enqueue_indirect_dma source(%dma_start3A_348 : memref<32768x768xf32, #tpu.memory_space<hbm>>) target(%dma_start3A_342 : memref<64x768xf32, #tpu.memory_space<vmem>>) offsets(%dma_start3A_345 : memref<64xi32, #tpu.memory_space<vmem>>) semaphore(%arg7 : memref<!tpu.dma_semaphore, #tpu.memory_space<semaphore_mem>>)
    %add3A_349 = arith.constant 384 : i32
    %add3A_350 = arith.addi %mul3A_2, %add3A_349 : i32
    %dma_start3A_351 = arith.constant 0 : i32
    %dma_start3A_352 = arith.constant 0 : i32
    %dma_start3A_353 = arith.constant 0 : i32
    %dma_start3A_354 = tpu.memref_slice %arg6[%dma_start3A_351, %dma_start3A_352, %dma_start3A_353] : memref<2x64x768xf32, #tpu.memory_space<vmem>> -> memref<1x64x768xf32, #tpu.memory_space<vmem>>
    %dma_start3A_355 = tpu.memref_squeeze %dma_start3A_354 : memref<1x64x768xf32, #tpu.memory_space<vmem>> -> memref<64x768xf32, #tpu.memory_space<vmem>>
    %dma_start3A_356 = arith.constant 0 : i32
    %dma_start3A_357 = tpu.memref_slice %arg4[%add3A_350, %dma_start3A_356] : memref<16384x768xf32, #tpu.memory_space<hbm>> -> memref<64x768xf32, #tpu.memory_space<hbm>>
    %dma_start3A_358 = arith.constant 0 : i32
    %dma_start3A_359 = tpu.memref_slice %arg4[%add3A_350, %dma_start3A_358] : memref<16384x768xf32, #tpu.memory_space<hbm>> -> memref<64x768xf32, #tpu.memory_space<hbm>>
    %dma_start3A_360 = arith.constant 0 : i32
    %dma_start3A_361 = arith.constant 0 : i32
    %dma_start3A_362 = tpu.memref_slice %arg6[%dma_start3A_351, %dma_start3A_360, %dma_start3A_361] : memref<2x64x768xf32, #tpu.memory_space<vmem>> -> memref<1x64x768xf32, #tpu.memory_space<vmem>>
    %dma_start3A_363 = tpu.memref_squeeze %dma_start3A_362 : memref<1x64x768xf32, #tpu.memory_space<vmem>> -> memref<64x768xf32, #tpu.memory_space<vmem>>
    tpu.enqueue_dma source(%dma_start3A_363 : memref<64x768xf32, #tpu.memory_space<vmem>>) target(%dma_start3A_359 : memref<64x768xf32, #tpu.memory_space<hbm>>) target_semaphore(%arg8 : memref<!tpu.dma_semaphore, #tpu.memory_space<semaphore_mem>>)
    %dma_wait3A_364 = arith.constant 7 : i32
    %dma_wait3A_365 = arith.constant 1 : i32
    %dma_wait3A_366 = arith.constant 0 : i32
    %dma_wait3A_367 = arith.constant 0 : i32
    %dma_wait3A_368 = tpu.memref_slice %arg6[%dma_wait3A_365, %dma_wait3A_366, %dma_wait3A_367] : memref<2x64x768xf32, #tpu.memory_space<vmem>> -> memref<1x64x768xf32, #tpu.memory_space<vmem>>
    %dma_wait3A_369 = tpu.memref_squeeze %dma_wait3A_368 : memref<1x64x768xf32, #tpu.memory_space<vmem>> -> memref<64x768xf32, #tpu.memory_space<vmem>>
    %dma_wait3A_370 = arith.constant 0 : i32
    %dma_wait3A_371 = tpu.memref_slice %arg5[%dma_wait3A_364, %dma_wait3A_370] : memref<8x64xi32, #tpu.memory_space<vmem>> -> memref<1x64xi32, #tpu.memory_space<vmem>>
    %dma_wait3A_372 = tpu.memref_squeeze %dma_wait3A_371 : memref<1x64xi32, #tpu.memory_space<vmem>> -> memref<64xi32, #tpu.memory_space<vmem>>
    %dma_wait3A_373 = arith.constant 0 : i32
    %dma_wait3A_374 = arith.constant 0 : i32
    %dma_wait3A_375 = tpu.memref_slice %arg3[%dma_wait3A_373, %dma_wait3A_374] : memref<32768x768xf32, #tpu.memory_space<hbm>> -> memref<32768x768xf32, #tpu.memory_space<hbm>>
    tpu.wait_indirect_dma semaphore(%arg7 : memref<!tpu.dma_semaphore, #tpu.memory_space<semaphore_mem>>) src(%dma_wait3A_375 : memref<32768x768xf32, #tpu.memory_space<hbm>>) dst(%dma_wait3A_369 : memref<64x768xf32, #tpu.memory_space<vmem>>)
    %dma_wait3A_376 = arith.constant 0 : i32
    %dma_wait3A_377 = arith.constant 0 : i32
    %dma_wait3A_378 = arith.constant 0 : i32
    %dma_wait3A_379 = tpu.memref_slice %arg6[%dma_wait3A_376, %dma_wait3A_377, %dma_wait3A_378] : memref<2x64x768xf32, #tpu.memory_space<vmem>> -> memref<1x64x768xf32, #tpu.memory_space<vmem>>
    %dma_wait3A_380 = tpu.memref_squeeze %dma_wait3A_379 : memref<1x64x768xf32, #tpu.memory_space<vmem>> -> memref<64x768xf32, #tpu.memory_space<vmem>>
    %dma_wait3A_381 = arith.constant 0 : i32
    %dma_wait3A_382 = tpu.memref_slice %arg4[%add3A_350, %dma_wait3A_381] : memref<16384x768xf32, #tpu.memory_space<hbm>> -> memref<64x768xf32, #tpu.memory_space<hbm>>
    %dma_wait3A_383 = arith.constant 0 : i32
    %dma_wait3A_384 = tpu.memref_slice %arg4[%add3A_350, %dma_wait3A_383] : memref<16384x768xf32, #tpu.memory_space<hbm>> -> memref<64x768xf32, #tpu.memory_space<hbm>>
    %dma_wait3A_385 = arith.constant 0 : i32
    %dma_wait3A_386 = arith.constant 0 : i32
    %dma_wait3A_387 = tpu.memref_slice %arg6[%dma_wait3A_376, %dma_wait3A_385, %dma_wait3A_386] : memref<2x64x768xf32, #tpu.memory_space<vmem>> -> memref<1x64x768xf32, #tpu.memory_space<vmem>>
    %dma_wait3A_388 = tpu.memref_squeeze %dma_wait3A_387 : memref<1x64x768xf32, #tpu.memory_space<vmem>> -> memref<64x768xf32, #tpu.memory_space<vmem>>
    tpu.wait_dma2 semaphore(%arg8 : memref<!tpu.dma_semaphore, #tpu.memory_space<semaphore_mem>>) src(%dma_wait3A_388 : memref<64x768xf32, #tpu.memory_space<vmem>>) dst(%dma_wait3A_384 : memref<64x768xf32, #tpu.memory_space<hbm>>)
    %add3A_389 = arith.constant 448 : i32
    %add3A_390 = arith.addi %mul3A_2, %add3A_389 : i32
    %dma_start3A_391 = arith.constant 1 : i32
    %dma_start3A_392 = arith.constant 0 : i32
    %dma_start3A_393 = arith.constant 0 : i32
    %dma_start3A_394 = tpu.memref_slice %arg6[%dma_start3A_391, %dma_start3A_392, %dma_start3A_393] : memref<2x64x768xf32, #tpu.memory_space<vmem>> -> memref<1x64x768xf32, #tpu.memory_space<vmem>>
    %dma_start3A_395 = tpu.memref_squeeze %dma_start3A_394 : memref<1x64x768xf32, #tpu.memory_space<vmem>> -> memref<64x768xf32, #tpu.memory_space<vmem>>
    %dma_start3A_396 = arith.constant 0 : i32
    %dma_start3A_397 = tpu.memref_slice %arg4[%add3A_390, %dma_start3A_396] : memref<16384x768xf32, #tpu.memory_space<hbm>> -> memref<64x768xf32, #tpu.memory_space<hbm>>
    %dma_start3A_398 = arith.constant 0 : i32
    %dma_start3A_399 = tpu.memref_slice %arg4[%add3A_390, %dma_start3A_398] : memref<16384x768xf32, #tpu.memory_space<hbm>> -> memref<64x768xf32, #tpu.memory_space<hbm>>
    %dma_start3A_400 = arith.constant 0 : i32
    %dma_start3A_401 = arith.constant 0 : i32
    %dma_start3A_402 = tpu.memref_slice %arg6[%dma_start3A_391, %dma_start3A_400, %dma_start3A_401] : memref<2x64x768xf32, #tpu.memory_space<vmem>> -> memref<1x64x768xf32, #tpu.memory_space<vmem>>
    %dma_start3A_403 = tpu.memref_squeeze %dma_start3A_402 : memref<1x64x768xf32, #tpu.memory_space<vmem>> -> memref<64x768xf32, #tpu.memory_space<vmem>>
    tpu.enqueue_dma source(%dma_start3A_403 : memref<64x768xf32, #tpu.memory_space<vmem>>) target(%dma_start3A_399 : memref<64x768xf32, #tpu.memory_space<hbm>>) target_semaphore(%arg8 : memref<!tpu.dma_semaphore, #tpu.memory_space<semaphore_mem>>)
    %dma_wait3A_404 = arith.constant 1 : i32
    %dma_wait3A_405 = arith.constant 0 : i32
    %dma_wait3A_406 = arith.constant 0 : i32
    %dma_wait3A_407 = tpu.memref_slice %arg6[%dma_wait3A_404, %dma_wait3A_405, %dma_wait3A_406] : memref<2x64x768xf32, #tpu.memory_space<vmem>> -> memref<1x64x768xf32, #tpu.memory_space<vmem>>
    %dma_wait3A_408 = tpu.memref_squeeze %dma_wait3A_407 : memref<1x64x768xf32, #tpu.memory_space<vmem>> -> memref<64x768xf32, #tpu.memory_space<vmem>>
    %dma_wait3A_409 = arith.constant 0 : i32
    %dma_wait3A_410 = tpu.memref_slice %arg4[%add3A_390, %dma_wait3A_409] : memref<16384x768xf32, #tpu.memory_space<hbm>> -> memref<64x768xf32, #tpu.memory_space<hbm>>
    %dma_wait3A_411 = arith.constant 0 : i32
    %dma_wait3A_412 = tpu.memref_slice %arg4[%add3A_390, %dma_wait3A_411] : memref<16384x768xf32, #tpu.memory_space<hbm>> -> memref<64x768xf32, #tpu.memory_space<hbm>>
    %dma_wait3A_413 = arith.constant 0 : i32
    %dma_wait3A_414 = arith.constant 0 : i32
    %dma_wait3A_415 = tpu.memref_slice %arg6[%dma_wait3A_404, %dma_wait3A_413, %dma_wait3A_414] : memref<2x64x768xf32, #tpu.memory_space<vmem>> -> memref<1x64x768xf32, #tpu.memory_space<vmem>>
    %dma_wait3A_416 = tpu.memref_squeeze %dma_wait3A_415 : memref<1x64x768xf32, #tpu.memory_space<vmem>> -> memref<64x768xf32, #tpu.memory_space<vmem>>
    tpu.wait_dma2 semaphore(%arg8 : memref<!tpu.dma_semaphore, #tpu.memory_space<semaphore_mem>>) src(%dma_wait3A_416 : memref<64x768xf32, #tpu.memory_space<vmem>>) dst(%dma_wait3A_412 : memref<64x768xf32, #tpu.memory_space<hbm>>)
    return
  }
}

#map = affine_map<(d0, d1) -> (0, 0, 0)>
#map1 = affine_map<(d0, d1) -> (0, 0)>
module attributes {stable_mosaic.version = 14 : i64} {
  func.func @_sc_scatter_body(%arg0: i32, %arg1: i32, %arg2: memref<32x8x128xi32, #tpu.memory_space<hbm>>, %arg3: memref<16385x128xi32, #tpu.memory_space<hbm>>, %arg4: memref<8x128xi32, #tpu.memory_space<vmem>>, %arg5: memref<2x128x128xi32, #tpu.memory_space<vmem>>, %arg6: memref<!tpu.dma_semaphore, #tpu.memory_space<semaphore_mem>>) attributes {dimension_semantics = [#tpu.dimension_semantics<core_parallel>, #tpu.dimension_semantics<subcore_parallel>], iteration_bounds = array<i64: 2, 16>, scalar_prefetch = 0 : i64, scratch_operands = 3 : i64, tpu.core_type = #tpu.core_type<sc_vector_subcore>, window_params = [{transform_indices = #map}, {transform_indices = #map1}]} {
    %mul3A = arith.constant 2 : i32
    %mul3A_0 = arith.muli %arg1, %mul3A : i32
    %add3A = arith.addi %mul3A_0, %arg0 : i32
    "tpu.region"() ({
      %run_scoped3A = tpu.sem_alloc : memref<!tpu.dma_semaphore, #tpu.memory_space<semaphore_mem>>
      %dma_start3A_274 = arith.constant 0 : i32
      %dma_start3A_275 = arith.constant 0 : i32
      %dma_start3A_276 = tpu.memref_slice %arg2[%add3A, %dma_start3A_274, %dma_start3A_275] : memref<32x8x128xi32, #tpu.memory_space<hbm>> -> memref<1x8x128xi32, #tpu.memory_space<hbm>>
      %dma_start3A_277 = tpu.memref_squeeze %dma_start3A_276 : memref<1x8x128xi32, #tpu.memory_space<hbm>> -> memref<8x128xi32, #tpu.memory_space<hbm>>
      %dma_start3A_278 = arith.constant 0 : i32
      %dma_start3A_279 = arith.constant 0 : i32
      %dma_start3A_280 = tpu.memref_slice %arg2[%add3A, %dma_start3A_278, %dma_start3A_279] : memref<32x8x128xi32, #tpu.memory_space<hbm>> -> memref<1x8x128xi32, #tpu.memory_space<hbm>>
      %dma_start3A_281 = tpu.memref_squeeze %dma_start3A_280 : memref<1x8x128xi32, #tpu.memory_space<hbm>> -> memref<8x128xi32, #tpu.memory_space<hbm>>
      tpu.enqueue_dma source(%dma_start3A_281 : memref<8x128xi32, #tpu.memory_space<hbm>>) target(%arg4 : memref<8x128xi32, #tpu.memory_space<vmem>>) target_semaphore(%run_scoped3A : memref<!tpu.dma_semaphore, #tpu.memory_space<semaphore_mem>>)
      %dma_wait3A_282 = arith.constant 0 : i32
      %dma_wait3A_283 = arith.constant 0 : i32
      %dma_wait3A_284 = tpu.memref_slice %arg2[%add3A, %dma_wait3A_282, %dma_wait3A_283] : memref<32x8x128xi32, #tpu.memory_space<hbm>> -> memref<1x8x128xi32, #tpu.memory_space<hbm>>
      %dma_wait3A_285 = tpu.memref_squeeze %dma_wait3A_284 : memref<1x8x128xi32, #tpu.memory_space<hbm>> -> memref<8x128xi32, #tpu.memory_space<hbm>>
      %dma_wait3A_286 = arith.constant 0 : i32
      %dma_wait3A_287 = arith.constant 0 : i32
      %dma_wait3A_288 = tpu.memref_slice %arg2[%add3A, %dma_wait3A_286, %dma_wait3A_287] : memref<32x8x128xi32, #tpu.memory_space<hbm>> -> memref<1x8x128xi32, #tpu.memory_space<hbm>>
      %dma_wait3A_289 = tpu.memref_squeeze %dma_wait3A_288 : memref<1x8x128xi32, #tpu.memory_space<hbm>> -> memref<8x128xi32, #tpu.memory_space<hbm>>
      tpu.wait_dma2 semaphore(%run_scoped3A : memref<!tpu.dma_semaphore, #tpu.memory_space<semaphore_mem>>) src(%dma_wait3A_289 : memref<8x128xi32, #tpu.memory_space<hbm>>) dst(%arg4 : memref<8x128xi32, #tpu.memory_space<vmem>>)
      tpu.yield
    }) : () -> ()
    %mul3A_1 = arith.constant 1024 : i32
    %mul3A_2 = arith.muli %add3A, %mul3A_1 : i32
    %ge3A = arith.constant 16 : i32
    %ge3A_3 = arith.cmpi sge, %add3A, %ge3A : i32
    %jit3A = arith.constant 16384 : i32
    %jit3A_4 = arith.constant 0 : i32
    %select_n3A = arith.select %ge3A_3, %jit3A, %jit3A_4 : i32
    %sub3A = arith.subi %mul3A_2, %select_n3A : i32
    %add3A_5 = arith.constant 0 : i32
    %add3A_6 = arith.addi %sub3A, %add3A_5 : i32
    %scan3A = arith.constant 0 : i32
    %scan3A_7 = arith.constant 0 : i32
    %scan3A_8 = arith.constant 0 : i32
    %scan3A_9 = arith.constant 128 : i32
    %scan3A_10 = arith.addi %scan3A_8, %scan3A_9 : i32
    %scan3A_11 = arith.constant 1 : i32
    %scan3A_12 = scf.for %scan3A_274 = %scan3A_8 to %scan3A_10 step %scan3A_11 iter_args(%scan3A_275 = %scan3A_7) -> (i32)  : i32 {
      %add3A_276 = arith.addi %add3A_6, %scan3A_274 : i32
      %broadcast_in_dim3A = vector.broadcast %add3A_276 : i32 to vector<16xi32>
      %swap3A = arith.constant 0 : i32
      %swap3A_277 = arith.constant 0 : i32
      %swap3A_278 = tpu.memref_slice %arg5[%scan3A, %swap3A, %swap3A_277] : memref<2x128x128xi32, #tpu.memory_space<vmem>> -> memref<1x128x128xi32, #tpu.memory_space<vmem>>
      %swap3A_279 = tpu.memref_squeeze %swap3A_278 : memref<1x128x128xi32, #tpu.memory_space<vmem>> -> memref<128x128xi32, #tpu.memory_space<vmem>>
      %swap3A_280 = arith.index_cast %scan3A_274 : i32 to index
      %swap3A_281 = arith.constant 0 : index
      %swap3A_282 = tpu.vector_load %swap3A_279[%swap3A_280, %swap3A_281] {strides = array<i32>} : memref<128x128xi32, #tpu.memory_space<vmem>>, vector<1x16xi32>,
      %swap3A_283 = vector.shape_cast %swap3A_282 : vector<1x16xi32> to vector<16xi32>
      %swap3A_284 = vector.shape_cast %broadcast_in_dim3A : vector<16xi32> to vector<1x16xi32>
      tpu.vector_store %swap3A_279[%swap3A_280, %swap3A_281], %swap3A_284 {strides = array<i32>} : memref<128x128xi32, #tpu.memory_space<vmem>>, vector<1x16xi32>,
      %scan3A_285 = arith.constant 0 : i32
      scf.yield %scan3A_285 : i32
    }
    %scan3A_13 = arith.constant 128 : i32
    %dma_start3A = arith.constant 0 : i32
    %dma_start3A_14 = arith.constant 0 : i32
    %dma_start3A_15 = arith.constant 0 : i32
    %dma_start3A_16 = arith.constant 0 : i32
    %dma_start3A_17 = tpu.memref_slice %arg5[%dma_start3A, %dma_start3A_15, %dma_start3A_16] : memref<2x128x128xi32, #tpu.memory_space<vmem>> -> memref<1x128x128xi32, #tpu.memory_space<vmem>>
    %dma_start3A_18 = tpu.memref_squeeze %dma_start3A_17 : memref<1x128x128xi32, #tpu.memory_space<vmem>> -> memref<128x128xi32, #tpu.memory_space<vmem>>
    %dma_start3A_19 = arith.constant 0 : i32
    %dma_start3A_20 = tpu.memref_slice %arg4[%dma_start3A_14, %dma_start3A_19] : memref<8x128xi32, #tpu.memory_space<vmem>> -> memref<1x128xi32, #tpu.memory_space<vmem>>
    %dma_start3A_21 = tpu.memref_squeeze %dma_start3A_20 : memref<1x128xi32, #tpu.memory_space<vmem>> -> memref<128xi32, #tpu.memory_space<vmem>>
    %dma_start3A_22 = arith.constant 0 : i32
    %dma_start3A_23 = arith.constant 0 : i32
    %dma_start3A_24 = tpu.memref_slice %arg3[%dma_start3A_22, %dma_start3A_23] : memref<16385x128xi32, #tpu.memory_space<hbm>> -> memref<16385x128xi32, #tpu.memory_space<hbm>>
    tpu.enqueue_indirect_dma source(%dma_start3A_18 : memref<128x128xi32, #tpu.memory_space<vmem>>) target(%dma_start3A_24 : memref<16385x128xi32, #tpu.memory_space<hbm>>) offsets(%dma_start3A_21 : memref<128xi32, #tpu.memory_space<vmem>>) semaphore(%arg6 : memref<!tpu.dma_semaphore, #tpu.memory_space<semaphore_mem>>)
    %add3A_25 = arith.constant 128 : i32
    %add3A_26 = arith.addi %sub3A, %add3A_25 : i32
    %scan3A_27 = arith.constant 1 : i32
    %scan3A_28 = arith.constant 0 : i32
    %scan3A_29 = arith.constant 0 : i32
    %scan3A_30 = arith.constant 128 : i32
    %scan3A_31 = arith.addi %scan3A_29, %scan3A_30 : i32
    %scan3A_32 = arith.constant 1 : i32
    %scan3A_33 = scf.for %scan3A_274 = %scan3A_29 to %scan3A_31 step %scan3A_32 iter_args(%scan3A_275 = %scan3A_28) -> (i32)  : i32 {
      %add3A_276 = arith.addi %add3A_26, %scan3A_274 : i32
      %broadcast_in_dim3A = vector.broadcast %add3A_276 : i32 to vector<16xi32>
      %swap3A = arith.constant 0 : i32
      %swap3A_277 = arith.constant 0 : i32
      %swap3A_278 = tpu.memref_slice %arg5[%scan3A_27, %swap3A, %swap3A_277] : memref<2x128x128xi32, #tpu.memory_space<vmem>> -> memref<1x128x128xi32, #tpu.memory_space<vmem>>
      %swap3A_279 = tpu.memref_squeeze %swap3A_278 : memref<1x128x128xi32, #tpu.memory_space<vmem>> -> memref<128x128xi32, #tpu.memory_space<vmem>>
      %swap3A_280 = arith.index_cast %scan3A_274 : i32 to index
      %swap3A_281 = arith.constant 0 : index
      %swap3A_282 = tpu.vector_load %swap3A_279[%swap3A_280, %swap3A_281] {strides = array<i32>} : memref<128x128xi32, #tpu.memory_space<vmem>>, vector<1x16xi32>,
      %swap3A_283 = vector.shape_cast %swap3A_282 : vector<1x16xi32> to vector<16xi32>
      %swap3A_284 = vector.shape_cast %broadcast_in_dim3A : vector<16xi32> to vector<1x16xi32>
      tpu.vector_store %swap3A_279[%swap3A_280, %swap3A_281], %swap3A_284 {strides = array<i32>} : memref<128x128xi32, #tpu.memory_space<vmem>>, vector<1x16xi32>,
      %scan3A_285 = arith.constant 0 : i32
      scf.yield %scan3A_285 : i32
    }
    %scan3A_34 = arith.constant 128 : i32
    %dma_start3A_35 = arith.constant 1 : i32
    %dma_start3A_36 = arith.constant 1 : i32
    %dma_start3A_37 = arith.constant 0 : i32
    %dma_start3A_38 = arith.constant 0 : i32
    %dma_start3A_39 = tpu.memref_slice %arg5[%dma_start3A_35, %dma_start3A_37, %dma_start3A_38] : memref<2x128x128xi32, #tpu.memory_space<vmem>> -> memref<1x128x128xi32, #tpu.memory_space<vmem>>
    %dma_start3A_40 = tpu.memref_squeeze %dma_start3A_39 : memref<1x128x128xi32, #tpu.memory_space<vmem>> -> memref<128x128xi32, #tpu.memory_space<vmem>>
    %dma_start3A_41 = arith.constant 0 : i32
    %dma_start3A_42 = tpu.memref_slice %arg4[%dma_start3A_36, %dma_start3A_41] : memref<8x128xi32, #tpu.memory_space<vmem>> -> memref<1x128xi32, #tpu.memory_space<vmem>>
    %dma_start3A_43 = tpu.memref_squeeze %dma_start3A_42 : memref<1x128xi32, #tpu.memory_space<vmem>> -> memref<128xi32, #tpu.memory_space<vmem>>
    %dma_start3A_44 = arith.constant 0 : i32
    %dma_start3A_45 = arith.constant 0 : i32
    %dma_start3A_46 = tpu.memref_slice %arg3[%dma_start3A_44, %dma_start3A_45] : memref<16385x128xi32, #tpu.memory_space<hbm>> -> memref<16385x128xi32, #tpu.memory_space<hbm>>
    tpu.enqueue_indirect_dma source(%dma_start3A_40 : memref<128x128xi32, #tpu.memory_space<vmem>>) target(%dma_start3A_46 : memref<16385x128xi32, #tpu.memory_space<hbm>>) offsets(%dma_start3A_43 : memref<128xi32, #tpu.memory_space<vmem>>) semaphore(%arg6 : memref<!tpu.dma_semaphore, #tpu.memory_space<semaphore_mem>>)
    %dma_wait3A = arith.constant 0 : i32
    %dma_wait3A_47 = arith.constant 0 : i32
    %dma_wait3A_48 = arith.constant 0 : i32
    %dma_wait3A_49 = arith.constant 0 : i32
    %dma_wait3A_50 = tpu.memref_slice %arg5[%dma_wait3A, %dma_wait3A_48, %dma_wait3A_49] : memref<2x128x128xi32, #tpu.memory_space<vmem>> -> memref<1x128x128xi32, #tpu.memory_space<vmem>>
    %dma_wait3A_51 = tpu.memref_squeeze %dma_wait3A_50 : memref<1x128x128xi32, #tpu.memory_space<vmem>> -> memref<128x128xi32, #tpu.memory_space<vmem>>
    %dma_wait3A_52 = arith.constant 0 : i32
    %dma_wait3A_53 = tpu.memref_slice %arg4[%dma_wait3A_47, %dma_wait3A_52] : memref<8x128xi32, #tpu.memory_space<vmem>> -> memref<1x128xi32, #tpu.memory_space<vmem>>
    %dma_wait3A_54 = tpu.memref_squeeze %dma_wait3A_53 : memref<1x128xi32, #tpu.memory_space<vmem>> -> memref<128xi32, #tpu.memory_space<vmem>>
    %dma_wait3A_55 = arith.constant 0 : i32
    %dma_wait3A_56 = arith.constant 0 : i32
    %dma_wait3A_57 = tpu.memref_slice %arg3[%dma_wait3A_55, %dma_wait3A_56] : memref<16385x128xi32, #tpu.memory_space<hbm>> -> memref<16385x128xi32, #tpu.memory_space<hbm>>
    tpu.wait_indirect_dma semaphore(%arg6 : memref<!tpu.dma_semaphore, #tpu.memory_space<semaphore_mem>>) src(%dma_wait3A_51 : memref<128x128xi32, #tpu.memory_space<vmem>>) dst(%dma_wait3A_57 : memref<16385x128xi32, #tpu.memory_space<hbm>>)
    %add3A_58 = arith.constant 256 : i32
    %add3A_59 = arith.addi %sub3A, %add3A_58 : i32
    %scan3A_60 = arith.constant 0 : i32
    %scan3A_61 = arith.constant 0 : i32
    %scan3A_62 = arith.constant 0 : i32
    %scan3A_63 = arith.constant 128 : i32
    %scan3A_64 = arith.addi %scan3A_62, %scan3A_63 : i32
    %scan3A_65 = arith.constant 1 : i32
    %scan3A_66 = scf.for %scan3A_274 = %scan3A_62 to %scan3A_64 step %scan3A_65 iter_args(%scan3A_275 = %scan3A_61) -> (i32)  : i32 {
      %add3A_276 = arith.addi %add3A_59, %scan3A_274 : i32
      %broadcast_in_dim3A = vector.broadcast %add3A_276 : i32 to vector<16xi32>
      %swap3A = arith.constant 0 : i32
      %swap3A_277 = arith.constant 0 : i32
      %swap3A_278 = tpu.memref_slice %arg5[%scan3A_60, %swap3A, %swap3A_277] : memref<2x128x128xi32, #tpu.memory_space<vmem>> -> memref<1x128x128xi32, #tpu.memory_space<vmem>>
      %swap3A_279 = tpu.memref_squeeze %swap3A_278 : memref<1x128x128xi32, #tpu.memory_space<vmem>> -> memref<128x128xi32, #tpu.memory_space<vmem>>
      %swap3A_280 = arith.index_cast %scan3A_274 : i32 to index
      %swap3A_281 = arith.constant 0 : index
      %swap3A_282 = tpu.vector_load %swap3A_279[%swap3A_280, %swap3A_281] {strides = array<i32>} : memref<128x128xi32, #tpu.memory_space<vmem>>, vector<1x16xi32>,
      %swap3A_283 = vector.shape_cast %swap3A_282 : vector<1x16xi32> to vector<16xi32>
      %swap3A_284 = vector.shape_cast %broadcast_in_dim3A : vector<16xi32> to vector<1x16xi32>
      tpu.vector_store %swap3A_279[%swap3A_280, %swap3A_281], %swap3A_284 {strides = array<i32>} : memref<128x128xi32, #tpu.memory_space<vmem>>, vector<1x16xi32>,
      %scan3A_285 = arith.constant 0 : i32
      scf.yield %scan3A_285 : i32
    }
    %scan3A_67 = arith.constant 128 : i32
    %dma_start3A_68 = arith.constant 0 : i32
    %dma_start3A_69 = arith.constant 2 : i32
    %dma_start3A_70 = arith.constant 0 : i32
    %dma_start3A_71 = arith.constant 0 : i32
    %dma_start3A_72 = tpu.memref_slice %arg5[%dma_start3A_68, %dma_start3A_70, %dma_start3A_71] : memref<2x128x128xi32, #tpu.memory_space<vmem>> -> memref<1x128x128xi32, #tpu.memory_space<vmem>>
    %dma_start3A_73 = tpu.memref_squeeze %dma_start3A_72 : memref<1x128x128xi32, #tpu.memory_space<vmem>> -> memref<128x128xi32, #tpu.memory_space<vmem>>
    %dma_start3A_74 = arith.constant 0 : i32
    %dma_start3A_75 = tpu.memref_slice %arg4[%dma_start3A_69, %dma_start3A_74] : memref<8x128xi32, #tpu.memory_space<vmem>> -> memref<1x128xi32, #tpu.memory_space<vmem>>
    %dma_start3A_76 = tpu.memref_squeeze %dma_start3A_75 : memref<1x128xi32, #tpu.memory_space<vmem>> -> memref<128xi32, #tpu.memory_space<vmem>>
    %dma_start3A_77 = arith.constant 0 : i32
    %dma_start3A_78 = arith.constant 0 : i32
    %dma_start3A_79 = tpu.memref_slice %arg3[%dma_start3A_77, %dma_start3A_78] : memref<16385x128xi32, #tpu.memory_space<hbm>> -> memref<16385x128xi32, #tpu.memory_space<hbm>>
    tpu.enqueue_indirect_dma source(%dma_start3A_73 : memref<128x128xi32, #tpu.memory_space<vmem>>) target(%dma_start3A_79 : memref<16385x128xi32, #tpu.memory_space<hbm>>) offsets(%dma_start3A_76 : memref<128xi32, #tpu.memory_space<vmem>>) semaphore(%arg6 : memref<!tpu.dma_semaphore, #tpu.memory_space<semaphore_mem>>)
    %dma_wait3A_80 = arith.constant 1 : i32
    %dma_wait3A_81 = arith.constant 1 : i32
    %dma_wait3A_82 = arith.constant 0 : i32
    %dma_wait3A_83 = arith.constant 0 : i32
    %dma_wait3A_84 = tpu.memref_slice %arg5[%dma_wait3A_80, %dma_wait3A_82, %dma_wait3A_83] : memref<2x128x128xi32, #tpu.memory_space<vmem>> -> memref<1x128x128xi32, #tpu.memory_space<vmem>>
    %dma_wait3A_85 = tpu.memref_squeeze %dma_wait3A_84 : memref<1x128x128xi32, #tpu.memory_space<vmem>> -> memref<128x128xi32, #tpu.memory_space<vmem>>
    %dma_wait3A_86 = arith.constant 0 : i32
    %dma_wait3A_87 = tpu.memref_slice %arg4[%dma_wait3A_81, %dma_wait3A_86] : memref<8x128xi32, #tpu.memory_space<vmem>> -> memref<1x128xi32, #tpu.memory_space<vmem>>
    %dma_wait3A_88 = tpu.memref_squeeze %dma_wait3A_87 : memref<1x128xi32, #tpu.memory_space<vmem>> -> memref<128xi32, #tpu.memory_space<vmem>>
    %dma_wait3A_89 = arith.constant 0 : i32
    %dma_wait3A_90 = arith.constant 0 : i32
    %dma_wait3A_91 = tpu.memref_slice %arg3[%dma_wait3A_89, %dma_wait3A_90] : memref<16385x128xi32, #tpu.memory_space<hbm>> -> memref<16385x128xi32, #tpu.memory_space<hbm>>
    tpu.wait_indirect_dma semaphore(%arg6 : memref<!tpu.dma_semaphore, #tpu.memory_space<semaphore_mem>>) src(%dma_wait3A_85 : memref<128x128xi32, #tpu.memory_space<vmem>>) dst(%dma_wait3A_91 : memref<16385x128xi32, #tpu.memory_space<hbm>>)
    %add3A_92 = arith.constant 384 : i32
    %add3A_93 = arith.addi %sub3A, %add3A_92 : i32
    %scan3A_94 = arith.constant 1 : i32
    %scan3A_95 = arith.constant 0 : i32
    %scan3A_96 = arith.constant 0 : i32
    %scan3A_97 = arith.constant 128 : i32
    %scan3A_98 = arith.addi %scan3A_96, %scan3A_97 : i32
    %scan3A_99 = arith.constant 1 : i32
    %scan3A_100 = scf.for %scan3A_274 = %scan3A_96 to %scan3A_98 step %scan3A_99 iter_args(%scan3A_275 = %scan3A_95) -> (i32)  : i32 {
      %add3A_276 = arith.addi %add3A_93, %scan3A_274 : i32
      %broadcast_in_dim3A = vector.broadcast %add3A_276 : i32 to vector<16xi32>
      %swap3A = arith.constant 0 : i32
      %swap3A_277 = arith.constant 0 : i32
      %swap3A_278 = tpu.memref_slice %arg5[%scan3A_94, %swap3A, %swap3A_277] : memref<2x128x128xi32, #tpu.memory_space<vmem>> -> memref<1x128x128xi32, #tpu.memory_space<vmem>>
      %swap3A_279 = tpu.memref_squeeze %swap3A_278 : memref<1x128x128xi32, #tpu.memory_space<vmem>> -> memref<128x128xi32, #tpu.memory_space<vmem>>
      %swap3A_280 = arith.index_cast %scan3A_274 : i32 to index
      %swap3A_281 = arith.constant 0 : index
      %swap3A_282 = tpu.vector_load %swap3A_279[%swap3A_280, %swap3A_281] {strides = array<i32>} : memref<128x128xi32, #tpu.memory_space<vmem>>, vector<1x16xi32>,
      %swap3A_283 = vector.shape_cast %swap3A_282 : vector<1x16xi32> to vector<16xi32>
      %swap3A_284 = vector.shape_cast %broadcast_in_dim3A : vector<16xi32> to vector<1x16xi32>
      tpu.vector_store %swap3A_279[%swap3A_280, %swap3A_281], %swap3A_284 {strides = array<i32>} : memref<128x128xi32, #tpu.memory_space<vmem>>, vector<1x16xi32>,
      %scan3A_285 = arith.constant 0 : i32
      scf.yield %scan3A_285 : i32
    }
    %scan3A_101 = arith.constant 128 : i32
    %dma_start3A_102 = arith.constant 1 : i32
    %dma_start3A_103 = arith.constant 3 : i32
    %dma_start3A_104 = arith.constant 0 : i32
    %dma_start3A_105 = arith.constant 0 : i32
    %dma_start3A_106 = tpu.memref_slice %arg5[%dma_start3A_102, %dma_start3A_104, %dma_start3A_105] : memref<2x128x128xi32, #tpu.memory_space<vmem>> -> memref<1x128x128xi32, #tpu.memory_space<vmem>>
    %dma_start3A_107 = tpu.memref_squeeze %dma_start3A_106 : memref<1x128x128xi32, #tpu.memory_space<vmem>> -> memref<128x128xi32, #tpu.memory_space<vmem>>
    %dma_start3A_108 = arith.constant 0 : i32
    %dma_start3A_109 = tpu.memref_slice %arg4[%dma_start3A_103, %dma_start3A_108] : memref<8x128xi32, #tpu.memory_space<vmem>> -> memref<1x128xi32, #tpu.memory_space<vmem>>
    %dma_start3A_110 = tpu.memref_squeeze %dma_start3A_109 : memref<1x128xi32, #tpu.memory_space<vmem>> -> memref<128xi32, #tpu.memory_space<vmem>>
    %dma_start3A_111 = arith.constant 0 : i32
    %dma_start3A_112 = arith.constant 0 : i32
    %dma_start3A_113 = tpu.memref_slice %arg3[%dma_start3A_111, %dma_start3A_112] : memref<16385x128xi32, #tpu.memory_space<hbm>> -> memref<16385x128xi32, #tpu.memory_space<hbm>>
    tpu.enqueue_indirect_dma source(%dma_start3A_107 : memref<128x128xi32, #tpu.memory_space<vmem>>) target(%dma_start3A_113 : memref<16385x128xi32, #tpu.memory_space<hbm>>) offsets(%dma_start3A_110 : memref<128xi32, #tpu.memory_space<vmem>>) semaphore(%arg6 : memref<!tpu.dma_semaphore, #tpu.memory_space<semaphore_mem>>)
    %dma_wait3A_114 = arith.constant 0 : i32
    %dma_wait3A_115 = arith.constant 2 : i32
    %dma_wait3A_116 = arith.constant 0 : i32
    %dma_wait3A_117 = arith.constant 0 : i32
    %dma_wait3A_118 = tpu.memref_slice %arg5[%dma_wait3A_114, %dma_wait3A_116, %dma_wait3A_117] : memref<2x128x128xi32, #tpu.memory_space<vmem>> -> memref<1x128x128xi32, #tpu.memory_space<vmem>>
    %dma_wait3A_119 = tpu.memref_squeeze %dma_wait3A_118 : memref<1x128x128xi32, #tpu.memory_space<vmem>> -> memref<128x128xi32, #tpu.memory_space<vmem>>
    %dma_wait3A_120 = arith.constant 0 : i32
    %dma_wait3A_121 = tpu.memref_slice %arg4[%dma_wait3A_115, %dma_wait3A_120] : memref<8x128xi32, #tpu.memory_space<vmem>> -> memref<1x128xi32, #tpu.memory_space<vmem>>
    %dma_wait3A_122 = tpu.memref_squeeze %dma_wait3A_121 : memref<1x128xi32, #tpu.memory_space<vmem>> -> memref<128xi32, #tpu.memory_space<vmem>>
    %dma_wait3A_123 = arith.constant 0 : i32
    %dma_wait3A_124 = arith.constant 0 : i32
    %dma_wait3A_125 = tpu.memref_slice %arg3[%dma_wait3A_123, %dma_wait3A_124] : memref<16385x128xi32, #tpu.memory_space<hbm>> -> memref<16385x128xi32, #tpu.memory_space<hbm>>
    tpu.wait_indirect_dma semaphore(%arg6 : memref<!tpu.dma_semaphore, #tpu.memory_space<semaphore_mem>>) src(%dma_wait3A_119 : memref<128x128xi32, #tpu.memory_space<vmem>>) dst(%dma_wait3A_125 : memref<16385x128xi32, #tpu.memory_space<hbm>>)
    %add3A_126 = arith.constant 512 : i32
    %add3A_127 = arith.addi %sub3A, %add3A_126 : i32
    %scan3A_128 = arith.constant 0 : i32
    %scan3A_129 = arith.constant 0 : i32
    %scan3A_130 = arith.constant 0 : i32
    %scan3A_131 = arith.constant 128 : i32
    %scan3A_132 = arith.addi %scan3A_130, %scan3A_131 : i32
    %scan3A_133 = arith.constant 1 : i32
    %scan3A_134 = scf.for %scan3A_274 = %scan3A_130 to %scan3A_132 step %scan3A_133 iter_args(%scan3A_275 = %scan3A_129) -> (i32)  : i32 {
      %add3A_276 = arith.addi %add3A_127, %scan3A_274 : i32
      %broadcast_in_dim3A = vector.broadcast %add3A_276 : i32 to vector<16xi32>
      %swap3A = arith.constant 0 : i32
      %swap3A_277 = arith.constant 0 : i32
      %swap3A_278 = tpu.memref_slice %arg5[%scan3A_128, %swap3A, %swap3A_277] : memref<2x128x128xi32, #tpu.memory_space<vmem>> -> memref<1x128x128xi32, #tpu.memory_space<vmem>>
      %swap3A_279 = tpu.memref_squeeze %swap3A_278 : memref<1x128x128xi32, #tpu.memory_space<vmem>> -> memref<128x128xi32, #tpu.memory_space<vmem>>
      %swap3A_280 = arith.index_cast %scan3A_274 : i32 to index
      %swap3A_281 = arith.constant 0 : index
      %swap3A_282 = tpu.vector_load %swap3A_279[%swap3A_280, %swap3A_281] {strides = array<i32>} : memref<128x128xi32, #tpu.memory_space<vmem>>, vector<1x16xi32>,
      %swap3A_283 = vector.shape_cast %swap3A_282 : vector<1x16xi32> to vector<16xi32>
      %swap3A_284 = vector.shape_cast %broadcast_in_dim3A : vector<16xi32> to vector<1x16xi32>
      tpu.vector_store %swap3A_279[%swap3A_280, %swap3A_281], %swap3A_284 {strides = array<i32>} : memref<128x128xi32, #tpu.memory_space<vmem>>, vector<1x16xi32>,
      %scan3A_285 = arith.constant 0 : i32
      scf.yield %scan3A_285 : i32
    }
    %scan3A_135 = arith.constant 128 : i32
    %dma_start3A_136 = arith.constant 0 : i32
    %dma_start3A_137 = arith.constant 4 : i32
    %dma_start3A_138 = arith.constant 0 : i32
    %dma_start3A_139 = arith.constant 0 : i32
    %dma_start3A_140 = tpu.memref_slice %arg5[%dma_start3A_136, %dma_start3A_138, %dma_start3A_139] : memref<2x128x128xi32, #tpu.memory_space<vmem>> -> memref<1x128x128xi32, #tpu.memory_space<vmem>>
    %dma_start3A_141 = tpu.memref_squeeze %dma_start3A_140 : memref<1x128x128xi32, #tpu.memory_space<vmem>> -> memref<128x128xi32, #tpu.memory_space<vmem>>
    %dma_start3A_142 = arith.constant 0 : i32
    %dma_start3A_143 = tpu.memref_slice %arg4[%dma_start3A_137, %dma_start3A_142] : memref<8x128xi32, #tpu.memory_space<vmem>> -> memref<1x128xi32, #tpu.memory_space<vmem>>
    %dma_start3A_144 = tpu.memref_squeeze %dma_start3A_143 : memref<1x128xi32, #tpu.memory_space<vmem>> -> memref<128xi32, #tpu.memory_space<vmem>>
    %dma_start3A_145 = arith.constant 0 : i32
    %dma_start3A_146 = arith.constant 0 : i32
    %dma_start3A_147 = tpu.memref_slice %arg3[%dma_start3A_145, %dma_start3A_146] : memref<16385x128xi32, #tpu.memory_space<hbm>> -> memref<16385x128xi32, #tpu.memory_space<hbm>>
    tpu.enqueue_indirect_dma source(%dma_start3A_141 : memref<128x128xi32, #tpu.memory_space<vmem>>) target(%dma_start3A_147 : memref<16385x128xi32, #tpu.memory_space<hbm>>) offsets(%dma_start3A_144 : memref<128xi32, #tpu.memory_space<vmem>>) semaphore(%arg6 : memref<!tpu.dma_semaphore, #tpu.memory_space<semaphore_mem>>)
    %dma_wait3A_148 = arith.constant 1 : i32
    %dma_wait3A_149 = arith.constant 3 : i32
    %dma_wait3A_150 = arith.constant 0 : i32
    %dma_wait3A_151 = arith.constant 0 : i32
    %dma_wait3A_152 = tpu.memref_slice %arg5[%dma_wait3A_148, %dma_wait3A_150, %dma_wait3A_151] : memref<2x128x128xi32, #tpu.memory_space<vmem>> -> memref<1x128x128xi32, #tpu.memory_space<vmem>>
    %dma_wait3A_153 = tpu.memref_squeeze %dma_wait3A_152 : memref<1x128x128xi32, #tpu.memory_space<vmem>> -> memref<128x128xi32, #tpu.memory_space<vmem>>
    %dma_wait3A_154 = arith.constant 0 : i32
    %dma_wait3A_155 = tpu.memref_slice %arg4[%dma_wait3A_149, %dma_wait3A_154] : memref<8x128xi32, #tpu.memory_space<vmem>> -> memref<1x128xi32, #tpu.memory_space<vmem>>
    %dma_wait3A_156 = tpu.memref_squeeze %dma_wait3A_155 : memref<1x128xi32, #tpu.memory_space<vmem>> -> memref<128xi32, #tpu.memory_space<vmem>>
    %dma_wait3A_157 = arith.constant 0 : i32
    %dma_wait3A_158 = arith.constant 0 : i32
    %dma_wait3A_159 = tpu.memref_slice %arg3[%dma_wait3A_157, %dma_wait3A_158] : memref<16385x128xi32, #tpu.memory_space<hbm>> -> memref<16385x128xi32, #tpu.memory_space<hbm>>
    tpu.wait_indirect_dma semaphore(%arg6 : memref<!tpu.dma_semaphore, #tpu.memory_space<semaphore_mem>>) src(%dma_wait3A_153 : memref<128x128xi32, #tpu.memory_space<vmem>>) dst(%dma_wait3A_159 : memref<16385x128xi32, #tpu.memory_space<hbm>>)
    %add3A_160 = arith.constant 640 : i32
    %add3A_161 = arith.addi %sub3A, %add3A_160 : i32
    %scan3A_162 = arith.constant 1 : i32
    %scan3A_163 = arith.constant 0 : i32
    %scan3A_164 = arith.constant 0 : i32
    %scan3A_165 = arith.constant 128 : i32
    %scan3A_166 = arith.addi %scan3A_164, %scan3A_165 : i32
    %scan3A_167 = arith.constant 1 : i32
    %scan3A_168 = scf.for %scan3A_274 = %scan3A_164 to %scan3A_166 step %scan3A_167 iter_args(%scan3A_275 = %scan3A_163) -> (i32)  : i32 {
      %add3A_276 = arith.addi %add3A_161, %scan3A_274 : i32
      %broadcast_in_dim3A = vector.broadcast %add3A_276 : i32 to vector<16xi32>
      %swap3A = arith.constant 0 : i32
      %swap3A_277 = arith.constant 0 : i32
      %swap3A_278 = tpu.memref_slice %arg5[%scan3A_162, %swap3A, %swap3A_277] : memref<2x128x128xi32, #tpu.memory_space<vmem>> -> memref<1x128x128xi32, #tpu.memory_space<vmem>>
      %swap3A_279 = tpu.memref_squeeze %swap3A_278 : memref<1x128x128xi32, #tpu.memory_space<vmem>> -> memref<128x128xi32, #tpu.memory_space<vmem>>
      %swap3A_280 = arith.index_cast %scan3A_274 : i32 to index
      %swap3A_281 = arith.constant 0 : index
      %swap3A_282 = tpu.vector_load %swap3A_279[%swap3A_280, %swap3A_281] {strides = array<i32>} : memref<128x128xi32, #tpu.memory_space<vmem>>, vector<1x16xi32>,
      %swap3A_283 = vector.shape_cast %swap3A_282 : vector<1x16xi32> to vector<16xi32>
      %swap3A_284 = vector.shape_cast %broadcast_in_dim3A : vector<16xi32> to vector<1x16xi32>
      tpu.vector_store %swap3A_279[%swap3A_280, %swap3A_281], %swap3A_284 {strides = array<i32>} : memref<128x128xi32, #tpu.memory_space<vmem>>, vector<1x16xi32>,
      %scan3A_285 = arith.constant 0 : i32
      scf.yield %scan3A_285 : i32
    }
    %scan3A_169 = arith.constant 128 : i32
    %dma_start3A_170 = arith.constant 1 : i32
    %dma_start3A_171 = arith.constant 5 : i32
    %dma_start3A_172 = arith.constant 0 : i32
    %dma_start3A_173 = arith.constant 0 : i32
    %dma_start3A_174 = tpu.memref_slice %arg5[%dma_start3A_170, %dma_start3A_172, %dma_start3A_173] : memref<2x128x128xi32, #tpu.memory_space<vmem>> -> memref<1x128x128xi32, #tpu.memory_space<vmem>>
    %dma_start3A_175 = tpu.memref_squeeze %dma_start3A_174 : memref<1x128x128xi32, #tpu.memory_space<vmem>> -> memref<128x128xi32, #tpu.memory_space<vmem>>
    %dma_start3A_176 = arith.constant 0 : i32
    %dma_start3A_177 = tpu.memref_slice %arg4[%dma_start3A_171, %dma_start3A_176] : memref<8x128xi32, #tpu.memory_space<vmem>> -> memref<1x128xi32, #tpu.memory_space<vmem>>
    %dma_start3A_178 = tpu.memref_squeeze %dma_start3A_177 : memref<1x128xi32, #tpu.memory_space<vmem>> -> memref<128xi32, #tpu.memory_space<vmem>>
    %dma_start3A_179 = arith.constant 0 : i32
    %dma_start3A_180 = arith.constant 0 : i32
    %dma_start3A_181 = tpu.memref_slice %arg3[%dma_start3A_179, %dma_start3A_180] : memref<16385x128xi32, #tpu.memory_space<hbm>> -> memref<16385x128xi32, #tpu.memory_space<hbm>>
    tpu.enqueue_indirect_dma source(%dma_start3A_175 : memref<128x128xi32, #tpu.memory_space<vmem>>) target(%dma_start3A_181 : memref<16385x128xi32, #tpu.memory_space<hbm>>) offsets(%dma_start3A_178 : memref<128xi32, #tpu.memory_space<vmem>>) semaphore(%arg6 : memref<!tpu.dma_semaphore, #tpu.memory_space<semaphore_mem>>)
    %dma_wait3A_182 = arith.constant 0 : i32
    %dma_wait3A_183 = arith.constant 4 : i32
    %dma_wait3A_184 = arith.constant 0 : i32
    %dma_wait3A_185 = arith.constant 0 : i32
    %dma_wait3A_186 = tpu.memref_slice %arg5[%dma_wait3A_182, %dma_wait3A_184, %dma_wait3A_185] : memref<2x128x128xi32, #tpu.memory_space<vmem>> -> memref<1x128x128xi32, #tpu.memory_space<vmem>>
    %dma_wait3A_187 = tpu.memref_squeeze %dma_wait3A_186 : memref<1x128x128xi32, #tpu.memory_space<vmem>> -> memref<128x128xi32, #tpu.memory_space<vmem>>
    %dma_wait3A_188 = arith.constant 0 : i32
    %dma_wait3A_189 = tpu.memref_slice %arg4[%dma_wait3A_183, %dma_wait3A_188] : memref<8x128xi32, #tpu.memory_space<vmem>> -> memref<1x128xi32, #tpu.memory_space<vmem>>
    %dma_wait3A_190 = tpu.memref_squeeze %dma_wait3A_189 : memref<1x128xi32, #tpu.memory_space<vmem>> -> memref<128xi32, #tpu.memory_space<vmem>>
    %dma_wait3A_191 = arith.constant 0 : i32
    %dma_wait3A_192 = arith.constant 0 : i32
    %dma_wait3A_193 = tpu.memref_slice %arg3[%dma_wait3A_191, %dma_wait3A_192] : memref<16385x128xi32, #tpu.memory_space<hbm>> -> memref<16385x128xi32, #tpu.memory_space<hbm>>
    tpu.wait_indirect_dma semaphore(%arg6 : memref<!tpu.dma_semaphore, #tpu.memory_space<semaphore_mem>>) src(%dma_wait3A_187 : memref<128x128xi32, #tpu.memory_space<vmem>>) dst(%dma_wait3A_193 : memref<16385x128xi32, #tpu.memory_space<hbm>>)
    %add3A_194 = arith.constant 768 : i32
    %add3A_195 = arith.addi %sub3A, %add3A_194 : i32
    %scan3A_196 = arith.constant 0 : i32
    %scan3A_197 = arith.constant 0 : i32
    %scan3A_198 = arith.constant 0 : i32
    %scan3A_199 = arith.constant 128 : i32
    %scan3A_200 = arith.addi %scan3A_198, %scan3A_199 : i32
    %scan3A_201 = arith.constant 1 : i32
    %scan3A_202 = scf.for %scan3A_274 = %scan3A_198 to %scan3A_200 step %scan3A_201 iter_args(%scan3A_275 = %scan3A_197) -> (i32)  : i32 {
      %add3A_276 = arith.addi %add3A_195, %scan3A_274 : i32
      %broadcast_in_dim3A = vector.broadcast %add3A_276 : i32 to vector<16xi32>
      %swap3A = arith.constant 0 : i32
      %swap3A_277 = arith.constant 0 : i32
      %swap3A_278 = tpu.memref_slice %arg5[%scan3A_196, %swap3A, %swap3A_277] : memref<2x128x128xi32, #tpu.memory_space<vmem>> -> memref<1x128x128xi32, #tpu.memory_space<vmem>>
      %swap3A_279 = tpu.memref_squeeze %swap3A_278 : memref<1x128x128xi32, #tpu.memory_space<vmem>> -> memref<128x128xi32, #tpu.memory_space<vmem>>
      %swap3A_280 = arith.index_cast %scan3A_274 : i32 to index
      %swap3A_281 = arith.constant 0 : index
      %swap3A_282 = tpu.vector_load %swap3A_279[%swap3A_280, %swap3A_281] {strides = array<i32>} : memref<128x128xi32, #tpu.memory_space<vmem>>, vector<1x16xi32>,
      %swap3A_283 = vector.shape_cast %swap3A_282 : vector<1x16xi32> to vector<16xi32>
      %swap3A_284 = vector.shape_cast %broadcast_in_dim3A : vector<16xi32> to vector<1x16xi32>
      tpu.vector_store %swap3A_279[%swap3A_280, %swap3A_281], %swap3A_284 {strides = array<i32>} : memref<128x128xi32, #tpu.memory_space<vmem>>, vector<1x16xi32>,
      %scan3A_285 = arith.constant 0 : i32
      scf.yield %scan3A_285 : i32
    }
    %scan3A_203 = arith.constant 128 : i32
    %dma_start3A_204 = arith.constant 0 : i32
    %dma_start3A_205 = arith.constant 6 : i32
    %dma_start3A_206 = arith.constant 0 : i32
    %dma_start3A_207 = arith.constant 0 : i32
    %dma_start3A_208 = tpu.memref_slice %arg5[%dma_start3A_204, %dma_start3A_206, %dma_start3A_207] : memref<2x128x128xi32, #tpu.memory_space<vmem>> -> memref<1x128x128xi32, #tpu.memory_space<vmem>>
    %dma_start3A_209 = tpu.memref_squeeze %dma_start3A_208 : memref<1x128x128xi32, #tpu.memory_space<vmem>> -> memref<128x128xi32, #tpu.memory_space<vmem>>
    %dma_start3A_210 = arith.constant 0 : i32
    %dma_start3A_211 = tpu.memref_slice %arg4[%dma_start3A_205, %dma_start3A_210] : memref<8x128xi32, #tpu.memory_space<vmem>> -> memref<1x128xi32, #tpu.memory_space<vmem>>
    %dma_start3A_212 = tpu.memref_squeeze %dma_start3A_211 : memref<1x128xi32, #tpu.memory_space<vmem>> -> memref<128xi32, #tpu.memory_space<vmem>>
    %dma_start3A_213 = arith.constant 0 : i32
    %dma_start3A_214 = arith.constant 0 : i32
    %dma_start3A_215 = tpu.memref_slice %arg3[%dma_start3A_213, %dma_start3A_214] : memref<16385x128xi32, #tpu.memory_space<hbm>> -> memref<16385x128xi32, #tpu.memory_space<hbm>>
    tpu.enqueue_indirect_dma source(%dma_start3A_209 : memref<128x128xi32, #tpu.memory_space<vmem>>) target(%dma_start3A_215 : memref<16385x128xi32, #tpu.memory_space<hbm>>) offsets(%dma_start3A_212 : memref<128xi32, #tpu.memory_space<vmem>>) semaphore(%arg6 : memref<!tpu.dma_semaphore, #tpu.memory_space<semaphore_mem>>)
    %dma_wait3A_216 = arith.constant 1 : i32
    %dma_wait3A_217 = arith.constant 5 : i32
    %dma_wait3A_218 = arith.constant 0 : i32
    %dma_wait3A_219 = arith.constant 0 : i32
    %dma_wait3A_220 = tpu.memref_slice %arg5[%dma_wait3A_216, %dma_wait3A_218, %dma_wait3A_219] : memref<2x128x128xi32, #tpu.memory_space<vmem>> -> memref<1x128x128xi32, #tpu.memory_space<vmem>>
    %dma_wait3A_221 = tpu.memref_squeeze %dma_wait3A_220 : memref<1x128x128xi32, #tpu.memory_space<vmem>> -> memref<128x128xi32, #tpu.memory_space<vmem>>
    %dma_wait3A_222 = arith.constant 0 : i32
    %dma_wait3A_223 = tpu.memref_slice %arg4[%dma_wait3A_217, %dma_wait3A_222] : memref<8x128xi32, #tpu.memory_space<vmem>> -> memref<1x128xi32, #tpu.memory_space<vmem>>
    %dma_wait3A_224 = tpu.memref_squeeze %dma_wait3A_223 : memref<1x128xi32, #tpu.memory_space<vmem>> -> memref<128xi32, #tpu.memory_space<vmem>>
    %dma_wait3A_225 = arith.constant 0 : i32
    %dma_wait3A_226 = arith.constant 0 : i32
    %dma_wait3A_227 = tpu.memref_slice %arg3[%dma_wait3A_225, %dma_wait3A_226] : memref<16385x128xi32, #tpu.memory_space<hbm>> -> memref<16385x128xi32, #tpu.memory_space<hbm>>
    tpu.wait_indirect_dma semaphore(%arg6 : memref<!tpu.dma_semaphore, #tpu.memory_space<semaphore_mem>>) src(%dma_wait3A_221 : memref<128x128xi32, #tpu.memory_space<vmem>>) dst(%dma_wait3A_227 : memref<16385x128xi32, #tpu.memory_space<hbm>>)
    %add3A_228 = arith.constant 896 : i32
    %add3A_229 = arith.addi %sub3A, %add3A_228 : i32
    %scan3A_230 = arith.constant 1 : i32
    %scan3A_231 = arith.constant 0 : i32
    %scan3A_232 = arith.constant 0 : i32
    %scan3A_233 = arith.constant 128 : i32
    %scan3A_234 = arith.addi %scan3A_232, %scan3A_233 : i32
    %scan3A_235 = arith.constant 1 : i32
    %scan3A_236 = scf.for %scan3A_274 = %scan3A_232 to %scan3A_234 step %scan3A_235 iter_args(%scan3A_275 = %scan3A_231) -> (i32)  : i32 {
      %add3A_276 = arith.addi %add3A_229, %scan3A_274 : i32
      %broadcast_in_dim3A = vector.broadcast %add3A_276 : i32 to vector<16xi32>
      %swap3A = arith.constant 0 : i32
      %swap3A_277 = arith.constant 0 : i32
      %swap3A_278 = tpu.memref_slice %arg5[%scan3A_230, %swap3A, %swap3A_277] : memref<2x128x128xi32, #tpu.memory_space<vmem>> -> memref<1x128x128xi32, #tpu.memory_space<vmem>>
      %swap3A_279 = tpu.memref_squeeze %swap3A_278 : memref<1x128x128xi32, #tpu.memory_space<vmem>> -> memref<128x128xi32, #tpu.memory_space<vmem>>
      %swap3A_280 = arith.index_cast %scan3A_274 : i32 to index
      %swap3A_281 = arith.constant 0 : index
      %swap3A_282 = tpu.vector_load %swap3A_279[%swap3A_280, %swap3A_281] {strides = array<i32>} : memref<128x128xi32, #tpu.memory_space<vmem>>, vector<1x16xi32>,
      %swap3A_283 = vector.shape_cast %swap3A_282 : vector<1x16xi32> to vector<16xi32>
      %swap3A_284 = vector.shape_cast %broadcast_in_dim3A : vector<16xi32> to vector<1x16xi32>
      tpu.vector_store %swap3A_279[%swap3A_280, %swap3A_281], %swap3A_284 {strides = array<i32>} : memref<128x128xi32, #tpu.memory_space<vmem>>, vector<1x16xi32>,
      %scan3A_285 = arith.constant 0 : i32
      scf.yield %scan3A_285 : i32
    }
    %scan3A_237 = arith.constant 128 : i32
    %dma_start3A_238 = arith.constant 1 : i32
    %dma_start3A_239 = arith.constant 7 : i32
    %dma_start3A_240 = arith.constant 0 : i32
    %dma_start3A_241 = arith.constant 0 : i32
    %dma_start3A_242 = tpu.memref_slice %arg5[%dma_start3A_238, %dma_start3A_240, %dma_start3A_241] : memref<2x128x128xi32, #tpu.memory_space<vmem>> -> memref<1x128x128xi32, #tpu.memory_space<vmem>>
    %dma_start3A_243 = tpu.memref_squeeze %dma_start3A_242 : memref<1x128x128xi32, #tpu.memory_space<vmem>> -> memref<128x128xi32, #tpu.memory_space<vmem>>
    %dma_start3A_244 = arith.constant 0 : i32
    %dma_start3A_245 = tpu.memref_slice %arg4[%dma_start3A_239, %dma_start3A_244] : memref<8x128xi32, #tpu.memory_space<vmem>> -> memref<1x128xi32, #tpu.memory_space<vmem>>
    %dma_start3A_246 = tpu.memref_squeeze %dma_start3A_245 : memref<1x128xi32, #tpu.memory_space<vmem>> -> memref<128xi32, #tpu.memory_space<vmem>>
    %dma_start3A_247 = arith.constant 0 : i32
    %dma_start3A_248 = arith.constant 0 : i32
    %dma_start3A_249 = tpu.memref_slice %arg3[%dma_start3A_247, %dma_start3A_248] : memref<16385x128xi32, #tpu.memory_space<hbm>> -> memref<16385x128xi32, #tpu.memory_space<hbm>>
    tpu.enqueue_indirect_dma source(%dma_start3A_243 : memref<128x128xi32, #tpu.memory_space<vmem>>) target(%dma_start3A_249 : memref<16385x128xi32, #tpu.memory_space<hbm>>) offsets(%dma_start3A_246 : memref<128xi32, #tpu.memory_space<vmem>>) semaphore(%arg6 : memref<!tpu.dma_semaphore, #tpu.memory_space<semaphore_mem>>)
    %dma_wait3A_250 = arith.constant 0 : i32
    %dma_wait3A_251 = arith.constant 6 : i32
    %dma_wait3A_252 = arith.constant 0 : i32
    %dma_wait3A_253 = arith.constant 0 : i32
    %dma_wait3A_254 = tpu.memref_slice %arg5[%dma_wait3A_250, %dma_wait3A_252, %dma_wait3A_253] : memref<2x128x128xi32, #tpu.memory_space<vmem>> -> memref<1x128x128xi32, #tpu.memory_space<vmem>>
    %dma_wait3A_255 = tpu.memref_squeeze %dma_wait3A_254 : memref<1x128x128xi32, #tpu.memory_space<vmem>> -> memref<128x128xi32, #tpu.memory_space<vmem>>
    %dma_wait3A_256 = arith.constant 0 : i32
    %dma_wait3A_257 = tpu.memref_slice %arg4[%dma_wait3A_251, %dma_wait3A_256] : memref<8x128xi32, #tpu.memory_space<vmem>> -> memref<1x128xi32, #tpu.memory_space<vmem>>
    %dma_wait3A_258 = tpu.memref_squeeze %dma_wait3A_257 : memref<1x128xi32, #tpu.memory_space<vmem>> -> memref<128xi32, #tpu.memory_space<vmem>>
    %dma_wait3A_259 = arith.constant 0 : i32
    %dma_wait3A_260 = arith.constant 0 : i32
    %dma_wait3A_261 = tpu.memref_slice %arg3[%dma_wait3A_259, %dma_wait3A_260] : memref<16385x128xi32, #tpu.memory_space<hbm>> -> memref<16385x128xi32, #tpu.memory_space<hbm>>
    tpu.wait_indirect_dma semaphore(%arg6 : memref<!tpu.dma_semaphore, #tpu.memory_space<semaphore_mem>>) src(%dma_wait3A_255 : memref<128x128xi32, #tpu.memory_space<vmem>>) dst(%dma_wait3A_261 : memref<16385x128xi32, #tpu.memory_space<hbm>>)
    %dma_wait3A_262 = arith.constant 1 : i32
    %dma_wait3A_263 = arith.constant 7 : i32
    %dma_wait3A_264 = arith.constant 0 : i32
    %dma_wait3A_265 = arith.constant 0 : i32
    %dma_wait3A_266 = tpu.memref_slice %arg5[%dma_wait3A_262, %dma_wait3A_264, %dma_wait3A_265] : memref<2x128x128xi32, #tpu.memory_space<vmem>> -> memref<1x128x128xi32, #tpu.memory_space<vmem>>
    %dma_wait3A_267 = tpu.memref_squeeze %dma_wait3A_266 : memref<1x128x128xi32, #tpu.memory_space<vmem>> -> memref<128x128xi32, #tpu.memory_space<vmem>>
    %dma_wait3A_268 = arith.constant 0 : i32
    %dma_wait3A_269 = tpu.memref_slice %arg4[%dma_wait3A_263, %dma_wait3A_268] : memref<8x128xi32, #tpu.memory_space<vmem>> -> memref<1x128xi32, #tpu.memory_space<vmem>>
    %dma_wait3A_270 = tpu.memref_squeeze %dma_wait3A_269 : memref<1x128xi32, #tpu.memory_space<vmem>> -> memref<128xi32, #tpu.memory_space<vmem>>
    %dma_wait3A_271 = arith.constant 0 : i32
    %dma_wait3A_272 = arith.constant 0 : i32
    %dma_wait3A_273 = tpu.memref_slice %arg3[%dma_wait3A_271, %dma_wait3A_272] : memref<16385x128xi32, #tpu.memory_space<hbm>> -> memref<16385x128xi32, #tpu.memory_space<hbm>>
    tpu.wait_indirect_dma semaphore(%arg6 : memref<!tpu.dma_semaphore, #tpu.memory_space<semaphore_mem>>) src(%dma_wait3A_267 : memref<128x128xi32, #tpu.memory_space<vmem>>) dst(%dma_wait3A_273 : memref<16385x128xi32, #tpu.memory_space<hbm>>)
    return
  }
}

module attributes {stable_mosaic.version = 14 : i64} {
  func.func @_sel_body(%arg0: i32, %arg1: memref<1x128x128xf32, #tpu.memory_space<vmem>>, %arg2: memref<1x128x128xi32, #tpu.memory_space<vmem>>) attributes {dimension_semantics = [#tpu.dimension_semantics<arbitrary>], iteration_bounds = array<i64: 2>, scalar_prefetch = 0 : i64, scratch_operands = 0 : i64, tpu.core_type = #tpu.core_type<tc>, window_params = [{transform_indices = @transform_0, window_bounds = array<i64: 1, 128, 128>}, {transform_indices = @transform_1, window_bounds = array<i64: 1, 128, 128>}]} {
    %get3A = arith.constant 0 : index
    %get3A_0 = arith.constant 0 : index
    %get3A_1 = arith.constant 0 : index
    %get3A_2 = vector.load %arg1[%get3A, %get3A_0, %get3A_1] : memref<1x128x128xf32, #tpu.memory_space<vmem>>, vector<1x128x128xf32>
    %get3A_3 = vector.shape_cast %get3A_2 : vector<1x128x128xf32> to vector<128x128xf32>
    %bitcast_convert_type3A = tpu.bitcast %get3A_3 : vector<128x128xf32> -> vector<128x128xi32>
    %scan3A = arith.constant 0 : i32
    %scan3A_4 = arith.constant 2130706432 : i32
    %scan3A_5 = arith.constant 0 : i32
    %scan3A_6 = arith.constant 32 : i32
    %scan3A_7 = arith.addi %scan3A_5, %scan3A_6 : i32
    %scan3A_8 = arith.constant 1 : i32
    %scan3A_9:2 = scf.for %scan3A_62 = %scan3A_5 to %scan3A_7 step %scan3A_8 iter_args(%scan3A_63 = %scan3A, %scan3A_64 = %scan3A_4) -> (i32, i32)  : i32 {
      %sub3A_65 = arith.subi %scan3A_64, %scan3A_63 : i32
      %jit3A_66 = arith.constant 2 : i32
      %div3A = arith.divsi %sub3A_65, %jit3A_66 : i32
      %sign3A = arith.constant 0 : i32
      %sign3A_67 = arith.cmpi sgt, %sub3A_65, %sign3A : i32
      %sign3A_68 = arith.extui %sign3A_67 : i1 to i32
      %sign3A_69 = arith.constant 0 : i32
      %sign3A_70 = arith.cmpi slt, %sub3A_65, %sign3A_69 : i32
      %sign3A_71 = arith.extui %sign3A_70 : i1 to i32
      %sign3A_72 = arith.subi %sign3A_68, %sign3A_71 : i32
      %sign3A_73 = arith.constant 0 : i32
      %sign3A_74 = arith.cmpi sgt, %jit3A_66, %sign3A_73 : i32
      %sign3A_75 = arith.extui %sign3A_74 : i1 to i32
      %sign3A_76 = arith.constant 0 : i32
      %sign3A_77 = arith.cmpi slt, %jit3A_66, %sign3A_76 : i32
      %sign3A_78 = arith.extui %sign3A_77 : i1 to i32
      %sign3A_79 = arith.subi %sign3A_75, %sign3A_78 : i32
      %ne3A = arith.cmpi ne, %sign3A_72, %sign3A_79 : i32
      %rem3A = arith.remsi %sub3A_65, %jit3A_66 : i32
      %ne3A_80 = arith.constant 0 : i32
      %ne3A_81 = arith.cmpi ne, %rem3A, %ne3A_80 : i32
      %and3A = arith.andi %ne3A, %ne3A_81 : i1
      %sub3A_82 = arith.constant 1 : i32
      %sub3A_83 = arith.subi %div3A, %sub3A_82 : i32
      %select_n3A_84 = arith.select %and3A, %sub3A_83, %div3A : i32
      %add3A_85 = arith.addi %scan3A_63, %select_n3A_84 : i32
      %ge3A = vector.broadcast %add3A_85 : i32 to vector<128x128xi32>
      %ge3A_86 = arith.cmpi sge, %bitcast_convert_type3A, %ge3A : vector<128x128xi32>
      %convert_element_type3A_87 = arith.extui %ge3A_86 : vector<128x128xi1> to vector<128x128xi32>
      %reduce_sum3A_88 = vector.shape_cast %convert_element_type3A_87 : vector<128x128xi32> to vector<1x128x128xi32>
      %reduce_sum3A_89 = arith.constant dense<0> : vector<1xi32>
      %reduce_sum3A_90 = vector.multi_reduction <add>, %reduce_sum3A_88, %reduce_sum3A_89 [1, 2] : vector<1x128x128xi32> to vector<1xi32>
      %reduce_sum3A_91 = vector.shape_cast %reduce_sum3A_90 : vector<1xi32> to vector<1x1x1xi32>
      %reduce_sum3A_92 = vector.extract %reduce_sum3A_91[0, 0, 0] : i32 from vector<1x1x1xi32>
      %ge3A_93 = arith.constant 8192 : i32
      %ge3A_94 = arith.cmpi sge, %reduce_sum3A_92, %ge3A_93 : i32
      %select_n3A_95 = arith.select %ge3A_94, %add3A_85, %scan3A_63 : i32
      %select_n3A_96 = arith.select %ge3A_94, %scan3A_64, %add3A_85 : i32
      scf.yield %select_n3A_95, %select_n3A_96 : i32, i32
    }
    %gt3A = vector.broadcast %scan3A_9#0 : i32 to vector<128x128xi32>
    %gt3A_10 = arith.cmpi sgt, %bitcast_convert_type3A, %gt3A : vector<128x128xi32>
    %convert_element_type3A = arith.extui %gt3A_10 : vector<128x128xi1> to vector<128x128xi32>
    %convert_element_type3A_11 = arith.sitofp %convert_element_type3A : vector<128x128xi32> to vector<128x128xf32>
    %eq3A = vector.broadcast %scan3A_9#0 : i32 to vector<128x128xi32>
    %eq3A_12 = arith.cmpi eq, %bitcast_convert_type3A, %eq3A : vector<128x128xi32>
    %convert_element_type3A_13 = arith.extui %eq3A_12 : vector<128x128xi1> to vector<128x128xi32>
    %convert_element_type3A_14 = arith.sitofp %convert_element_type3A_13 : vector<128x128xi32> to vector<128x128xf32>
    %reduce_sum3A = vector.shape_cast %convert_element_type3A_11 : vector<128x128xf32> to vector<1x128x128xf32>
    %reduce_sum3A_15 = arith.constant dense<0.000000e+00> : vector<1xf32>
    %reduce_sum3A_16 = vector.multi_reduction <add>, %reduce_sum3A, %reduce_sum3A_15 [1, 2] : vector<1x128x128xf32> to vector<1xf32>
    %reduce_sum3A_17 = vector.shape_cast %reduce_sum3A_16 : vector<1xf32> to vector<1x1x1xf32>
    %reduce_sum3A_18 = vector.extract %reduce_sum3A_17[0, 0, 0] : f32 from vector<1x1x1xf32>
    %sub3A = arith.constant 8.192000e+03 : f32
    %sub3A_19 = arith.subf %sub3A, %reduce_sum3A_18 : f32
    %iota3A = tpu.iota {dimensions = array<i32: 0>} : vector<128x128xi32>
    %iota3A_20 = tpu.iota {dimensions = array<i32: 1>} : vector<128x128xi32>
    %le3A = arith.cmpi sle, %iota3A, %iota3A_20 : vector<128x128xi32>
    %convert_element_type3A_21 = arith.extui %le3A : vector<128x128xi1> to vector<128x128xi32>
    %convert_element_type3A_22 = arith.sitofp %convert_element_type3A_21 : vector<128x128xi32> to vector<128x128xf32>
    %lt3A = arith.cmpi slt, %iota3A_20, %iota3A : vector<128x128xi32>
    %convert_element_type3A_23 = arith.extui %lt3A : vector<128x128xi1> to vector<128x128xi32>
    %convert_element_type3A_24 = arith.sitofp %convert_element_type3A_23 : vector<128x128xi32> to vector<128x128xf32>
    %broadcast_in_dim3A = arith.constant 1.000000e+00 : f32
    %broadcast_in_dim3A_25 = vector.broadcast %broadcast_in_dim3A : f32 to vector<128x1xf32>
    %dot_general3A = arith.constant dense<0.000000e+00> : vector<128x128xf32>
    %dot_general3A_26 = tpu.matmul %convert_element_type3A_14, %convert_element_type3A_22, %dot_general3A {dimension_numbers = #tpu.dot_dimension_numbers<[1], [0], [0], [1], [0, 0, 1, 1], [], []>, precision = #tpu.contract_precision<fp32>, transpose_lhs_hint = false} : vector<128x128xf32>, vector<128x128xf32>, vector<128x128xf32> -> vector<128x128xf32>
    %dot_general3A_27 = arith.constant dense<0.000000e+00> : vector<128x1xf32>
    %dot_general3A_28 = tpu.matmul %convert_element_type3A_14, %broadcast_in_dim3A_25, %dot_general3A_27 {dimension_numbers = #tpu.dot_dimension_numbers<[1], [0], [0], [1], [0, 0, 1, 1], [], []>, precision = #tpu.contract_precision<fp32>, transpose_lhs_hint = false} : vector<128x128xf32>, vector<128x1xf32>, vector<128x1xf32> -> vector<128x1xf32>
    %dot_general3A_29 = arith.constant dense<0.000000e+00> : vector<128x1xf32>
    %dot_general3A_30 = tpu.matmul %convert_element_type3A_24, %dot_general3A_28, %dot_general3A_29 {dimension_numbers = #tpu.dot_dimension_numbers<[1], [0], [0], [1], [0, 0, 1, 1], [], []>, precision = #tpu.contract_precision<fp32>, transpose_lhs_hint = false} : vector<128x128xf32>, vector<128x1xf32>, vector<128x1xf32> -> vector<128x1xf32>
    %add3A = vector.broadcast %dot_general3A_30 : vector<128x1xf32> to vector<128x128xf32>
    %add3A_31 = arith.addf %dot_general3A_26, %add3A : vector<128x128xf32>
    %sub3A_32 = arith.subf %add3A_31, %convert_element_type3A_14 : vector<128x128xf32>
    %lt3A_33 = vector.broadcast %sub3A_19 : f32 to vector<128x128xf32>
    %lt3A_34 = arith.cmpf olt, %sub3A_32, %lt3A_33 : vector<128x128xf32>
    %convert_element_type3A_35 = arith.extui %lt3A_34 : vector<128x128xi1> to vector<128x128xi32>
    %convert_element_type3A_36 = arith.sitofp %convert_element_type3A_35 : vector<128x128xi32> to vector<128x128xf32>
    %mul3A = arith.mulf %convert_element_type3A_14, %convert_element_type3A_36 : vector<128x128xf32>
    %add3A_37 = arith.addf %convert_element_type3A_11, %mul3A : vector<128x128xf32>
    %dot_general3A_38 = arith.constant dense<0.000000e+00> : vector<128x128xf32>
    %dot_general3A_39 = tpu.matmul %add3A_37, %convert_element_type3A_22, %dot_general3A_38 {dimension_numbers = #tpu.dot_dimension_numbers<[1], [0], [0], [1], [0, 0, 1, 1], [], []>, precision = #tpu.contract_precision<fp32>, transpose_lhs_hint = false} : vector<128x128xf32>, vector<128x128xf32>, vector<128x128xf32> -> vector<128x128xf32>
    %dot_general3A_40 = arith.constant dense<0.000000e+00> : vector<128x1xf32>
    %dot_general3A_41 = tpu.matmul %add3A_37, %broadcast_in_dim3A_25, %dot_general3A_40 {dimension_numbers = #tpu.dot_dimension_numbers<[1], [0], [0], [1], [0, 0, 1, 1], [], []>, precision = #tpu.contract_precision<fp32>, transpose_lhs_hint = false} : vector<128x128xf32>, vector<128x1xf32>, vector<128x1xf32> -> vector<128x1xf32>
    %dot_general3A_42 = arith.constant dense<0.000000e+00> : vector<128x1xf32>
    %dot_general3A_43 = tpu.matmul %convert_element_type3A_24, %dot_general3A_41, %dot_general3A_42 {dimension_numbers = #tpu.dot_dimension_numbers<[1], [0], [0], [1], [0, 0, 1, 1], [], []>, precision = #tpu.contract_precision<fp32>, transpose_lhs_hint = false} : vector<128x128xf32>, vector<128x1xf32>, vector<128x1xf32> -> vector<128x1xf32>
    %add3A_44 = vector.broadcast %dot_general3A_43 : vector<128x1xf32> to vector<128x128xf32>
    %add3A_45 = arith.addf %dot_general3A_39, %add3A_44 : vector<128x128xf32>
    %sub3A_46 = arith.subf %add3A_45, %add3A_37 : vector<128x128xf32>
    %gt3A_47 = arith.constant 0.000000e+00 : f32
    %gt3A_48 = vector.broadcast %gt3A_47 : f32 to vector<128x128xf32>
    %gt3A_49 = arith.cmpf ogt, %add3A_37, %gt3A_48 : vector<128x128xf32>
    %convert_element_type3A_50 = arith.sitofp %arg0 : i32 to f32
    %mul3A_51 = arith.constant 8.192000e+03 : f32
    %mul3A_52 = arith.mulf %mul3A_51, %convert_element_type3A_50 : f32
    %add3A_53 = vector.broadcast %mul3A_52 : f32 to vector<128x128xf32>
    %add3A_54 = arith.addf %sub3A_46, %add3A_53 : vector<128x128xf32>
    %jit3A = arith.constant 1.638400e+04 : f32
    %broadcast_in_dim3A_55 = vector.broadcast %jit3A : f32 to vector<128x128xf32>
    %select_n3A = arith.select %gt3A_49, %add3A_54, %broadcast_in_dim3A_55 : vector<128x128xi1>, vector<128x128xf32>
    %convert_element_type3A_56 = arith.fptosi %select_n3A : vector<128x128xf32> to vector<128x128xi32>
    %swap3A = arith.constant 0 : index
    %swap3A_57 = arith.constant 0 : index
    %swap3A_58 = arith.constant 0 : index
    %swap3A_59 = vector.load %arg2[%swap3A, %swap3A_57, %swap3A_58] : memref<1x128x128xi32, #tpu.memory_space<vmem>>, vector<1x128x128xi32>
    %swap3A_60 = vector.shape_cast %swap3A_59 : vector<1x128x128xi32> to vector<128x128xi32>
    %swap3A_61 = vector.shape_cast %convert_element_type3A_56 : vector<128x128xi32> to vector<1x128x128xi32>
    tpu.vector_store %arg2[%swap3A, %swap3A_57, %swap3A_58], %swap3A_61 {strides = array<i32>} : memref<1x128x128xi32, #tpu.memory_space<vmem>>, vector<1x128x128xi32>,
    return
  }
  func.func @transform_0(%arg0: i32) -> (i32, i32, i32) {
    %c0_i32 = arith.constant 0 : i32
    %c0_i32_0 = arith.constant 0 : i32
    %c0_i32_1 = arith.constant 0 : i32
    return %arg0, %c0_i32, %c0_i32_0 : i32, i32, i32
  }
  func.func @transform_1(%arg0: i32) -> (i32, i32, i32) {
    %c0_i32 = arith.constant 0 : i32
    %c0_i32_0 = arith.constant 0 : i32
    %c0_i32_1 = arith.constant 0 : i32
    return %arg0, %c0_i32, %c0_i32_0 : i32, i32, i32
  }
}

module attributes {stable_mosaic.version = 14 : i64} {
  func.func @_tr_body(%arg0: i32, %arg1: i32, %arg2: memref<1x8x96x512xf32, #tpu.memory_space<vmem>>, %arg3: memref<1x512x768xf32, #tpu.memory_space<vmem>>) attributes {dimension_semantics = [#tpu.dimension_semantics<arbitrary>, #tpu.dimension_semantics<arbitrary>], iteration_bounds = array<i64: 2, 32>, scalar_prefetch = 0 : i64, scratch_operands = 0 : i64, tpu.core_type = #tpu.core_type<tc>, window_params = [{transform_indices = @transform_0, window_bounds = array<i64: 1, 8, 96, 512>}, {transform_indices = @transform_1, window_bounds = array<i64: 1, 512, 768>}]} {
    %get3A = arith.constant 0 : index
    %get3A_0 = arith.constant 0 : index
    %get3A_1 = arith.constant 0 : index
    %get3A_2 = arith.constant 0 : index
    %get3A_3 = vector.load %arg2[%get3A, %get3A_0, %get3A_1, %get3A_2] : memref<1x8x96x512xf32, #tpu.memory_space<vmem>>, vector<1x8x96x512xf32>
    %get3A_4 = vector.shape_cast %get3A_3 : vector<1x8x96x512xf32> to vector<8x96x512xf32>
    %reshape3A = vector.shape_cast %get3A_4 : vector<8x96x512xf32> to vector<768x512xf32>
    %transpose3A = tpu.transpose %reshape3A, [1, 0] : vector<768x512xf32> -> vector<512x768xf32>
    %swap3A = arith.constant 0 : index
    %swap3A_5 = arith.constant 0 : index
    %swap3A_6 = arith.constant 0 : index
    %swap3A_7 = vector.load %arg3[%swap3A, %swap3A_5, %swap3A_6] : memref<1x512x768xf32, #tpu.memory_space<vmem>>, vector<1x512x768xf32>
    %swap3A_8 = vector.shape_cast %swap3A_7 : vector<1x512x768xf32> to vector<512x768xf32>
    %swap3A_9 = vector.shape_cast %transpose3A : vector<512x768xf32> to vector<1x512x768xf32>
    tpu.vector_store %arg3[%swap3A, %swap3A_5, %swap3A_6], %swap3A_9 {strides = array<i32>} : memref<1x512x768xf32, #tpu.memory_space<vmem>>, vector<1x512x768xf32>,
    return
  }
  func.func @transform_0(%arg0: i32, %arg1: i32) -> (i32, i32, i32, i32) {
    %c0_i32 = arith.constant 0 : i32
    %c0_i32_0 = arith.constant 0 : i32
    %c0_i32_1 = arith.constant 0 : i32
    return %arg0, %c0_i32, %c0_i32_0, %arg1 : i32, i32, i32, i32
  }
  func.func @transform_1(%arg0: i32, %arg1: i32) -> (i32, i32, i32) {
    %c0_i32 = arith.constant 0 : i32
    %c0_i32_0 = arith.constant 0 : i32
    return %arg0, %arg1, %c0_i32 : i32, i32, i32
  }
}

</mosaic_0001>

<sc_bundles>
// kernel: kernel.6.cloned.1.call-start
scs
__scs_entry_jumppad:
0x0: {  	(pc) =	sbr.rel $0x88, $3  }
0x1: {  	(tag) =	ssettag $0x0;
	lr =	simm.s32 $0x1  }
0x2: {  	[smem:$0x3F98] =	sst lr;
	_ =	strace $0xD0000000  }
0x3: {  	_ = 	snop  }
0x4: {  	_ = 	snop  }
0x5: {  	_ = 	snop  }
0x6: {  	_ = 	snop  }
0x7: {  	_ = 	snop  }
__scs_overlays_trampoline_lowered:
0x8: {  	[smem:$0x3FA7] =	sst s0  }
0x9: {  	[smem:$0x3FA8] =	sst s1  }
0xa: {  	[smem:$0x3FA9] =	sst s2  }
0xb: {  	[smem:$0x3FAA] =	sst s3  }
0xc: {  	[smem:$0x3FAB] =	sst s4  }
0xd: {  	[smem:$0x3FAC] =	sst s5  }
0xe: {  	[smem:$0x3FAD] =	sst s6  }
0xf: {  	[smem:$0x3FAE] =	sst s7  }
0x10: {  	[smem:$0x3FAF] =	sst s8  }
0x11: {  	[smem:$0x3FB0] =	sst s9;
	s0 =	simm.s32 @!p0 $0x0  }
0x12: {  	s1 =	sld [smem:$0x3F96];
	s0 =	simm.s32 @p0 $0x1  }
0x13: {  	[smem:$0x3FB1] =	sst s0;
	s0 =	simm.s32 @!p1 $0x0  }
0x14: {  	s2 =	sld [smem:$0x3F95];
	s0 =	simm.s32 @p1 $0x1  }
0x15: {  	[smem:$0x3FB2] =	sst s0;
	s0 =	simm.s32 @!p2 $0x0  }
0x16: {  	s3 =	sld [smem:$0x3FDB];
	s0 =	simm.s32 @p2 $0x1  }
0x17: {  	s4 =	simm.s32 $0x1BF5;
	[smem:$0x3FB4] =	sst s0  }
0x18: {  	s0 =	sld [smem:$0x3F97];
	_ =	swait.ge [sflag:s4], $0x0  }
0x19: {  	s7 =	sld [smem:$0x3F98]  }
0x1a: {  	s8 =	sadd.s32 $0xFFFFE003, lr  }
0x1b: {  	s9 =	sadd.s32 $0xFFFFFEF7, lr;
	s5 =	simm.s32 $0xFFFFFFFF;
	p2 =	slt.u32 s8, $0xFFFFF086  }
0x1c: {  	p1 =	slt.u32 s9, $0xF7A;
	s5 =	simm.s32 @!p2 $0x0  }
0x1d: {  	s5 =	simm.s32 @p1 $0x1;
	p0 =	seq.s32 s7, s2  }
0x1e: {  	s7 =	smul.u32 @!p0 $0xF7A, s2;
	p2 =	seq.s32 @!p0 s5, $0x0  }
0x1f: {  	s9 =	smul.u32 $0xF7A, s1;
	s8 =	simm.s32 @!p0 $0x1BF5;
	p2 =	por !p2, p0  }
0x20: {  	[sflag:s8] =	ssyncset.s32 @!p0 $0xFFFFF086;
	s6 =	sadd.s32 @!p0 s3, s7;
	s7 =	simm.s32 @!p0 $0x108  }
0x21: {  	s3 =	sadd.s32 s3, s9;
	s6 =	sadd.s32 @!p0 $0x88, s6;
	s7 =	simm.s32 @p2 $0x1082  }
0x22: {  	[simem:s7], [sflag:s8] =	dma.local @!p0 [hbm:s6], $0xF7A  }
0x23: {  	s9 =	sor.u32 $0xD0000000, s2;
	s6 =	simm.s32 $0x108;
	_ =	swait.ge @!p0 [sflag:s8], $0x0  }
0x24: {  	s3 =	sadd.s32 $0x88, s3;
	s6 =	simm.s32 @!p1 $0x1082;
	[sflag:s4] =	ssyncset.s32 $0xFFFFF086  }
0x25: {  	[simem:s6], [sflag:s4] =	dma.local [hbm:s3], $0xF7A  }
0x26: {  	[smem:$0x3F98] =	sst s1;
	(tag) =	ssettag s2;
	_ =	strace s9  }
0x27: {  	s1 =	sld [smem:$0x3FA8]  }
0x28: {  	s2 =	sld [smem:$0x3FA9]  }
0x29: {  	s4 =	sld [smem:$0x3FAB]  }
0x2a: {  	p0 =	seq.s32 s5, $0x0;
	s5 =	sld [smem:$0x3FAC]  }
0x2b: {  	s6 =	sld [smem:$0x3FAD]  }
0x2c: {  	s7 =	sld [smem:$0x3FAE]  }
0x2d: {  	s3 =	simm.s32 $0x108;
	s8 =	sld [smem:$0x3FAF]  }
0x2e: {  	s3 =	simm.s32 @!p0 $0x1082;
	s9 =	sld [smem:$0x3FB0]  }
0x2f: {  	lr =	sadd.s32 s0, s3;
	s0 =	sld [smem:$0x3FA7]  }
0x30: {  	s3 =	sld [smem:$0x3FAA]  }
0x31: {  	[smem:$0x3FB3] =	sst s10  }
0x32: {  	s10 =	sld [smem:$0x3FB1];
	_ =	sdelay $0x3  }
0x33: {  	p0 =	seq.s32 s10, $0x1;
	s10 =	sld [smem:$0x3FB3];
	_ =	sdelay $0x3  }
0x34: {  	[smem:$0x3FB3] =	sst s10  }
0x35: {  	s10 =	sld [smem:$0x3FB2];
	_ =	sdelay $0x3  }
0x36: {  	p1 =	seq.s32 s10, $0x1;
	s10 =	sld [smem:$0x3FB3];
	_ =	sdelay $0x3  }
0x37: {  	[smem:$0x3FB3] =	sst s10  }
0x38: {  	s10 =	sld [smem:$0x3FB4]  }
0x39: {  	_ = 	snop;
	(pc) =	sbr.ind lr, $3  }
0x3a: {  	_ = 	snop  }
0x3b: {  	_ = 	snop  }
0x3c: {  	p2 =	seq.s32 s10, $0x1;
	s10 =	sld [smem:$0x3FB3]  }
0x3d: {  	_ =	shalt  }
0x3e: {  	_ =	shalt  }
0x3f: {  	_ =	shalt  }
0x40: {  	_ =	shalt  }
0x41: {  	_ =	shalt  }
0x42: {  	_ =	shalt  }
0x43: {  	_ =	shalt  }
0x44: {  	_ =	shalt  }
0x45: {  	_ =	shalt  }
0x46: {  	_ =	shalt  }
0x47: {  	_ =	shalt  }
0x48: {  	_ =	shalt  }
0x49: {  	_ =	shalt  }
0x4a: {  	_ =	shalt  }
0x4b: {  	_ =	shalt  }
0x4c: {  	_ =	shalt  }
0x4d: {  	_ =	shalt  }
0x4e: {  	_ =	shalt  }
0x4f: {  	_ =	shalt  }
0x50: {  	_ =	shalt  }
0x51: {  	_ =	shalt  }
0x52: {  	_ =	shalt  }
0x53: {  	_ =	shalt  }
0x54: {  	_ =	shalt  }
0x55: {  	_ =	shalt  }
0x56: {  	_ =	shalt  }
0x57: {  	_ =	shalt  }
0x58: {  	_ =	shalt  }
0x59: {  	_ =	shalt  }
0x5a: {  	_ =	shalt  }
0x5b: {  	_ =	shalt  }
0x5c: {  	_ =	shalt  }
0x5d: {  	_ =	shalt  }
0x5e: {  	_ =	shalt  }
0x5f: {  	_ =	shalt  }
0x60: {  	_ =	shalt  }
0x61: {  	_ =	shalt  }
0x62: {  	_ =	shalt  }
0x63: {  	_ =	shalt  }
0x64: {  	_ =	shalt  }
0x65: {  	_ =	shalt  }
0x66: {  	_ =	shalt  }
0x67: {  	_ =	shalt  }
0x68: {  	_ =	shalt  }
0x69: {  	_ =	shalt  }
0x6a: {  	_ =	shalt  }
0x6b: {  	_ =	shalt  }
0x6c: {  	_ =	shalt  }
0x6d: {  	_ =	shalt  }
0x6e: {  	_ =	shalt  }
0x6f: {  	_ =	shalt  }
0x70: {  	_ =	shalt  }
0x71: {  	_ =	shalt  }
0x72: {  	_ =	shalt  }
0x73: {  	_ =	shalt  }
0x74: {  	_ =	shalt  }
0x75: {  	_ =	shalt  }
0x76: {  	_ =	shalt  }
0x77: {  	_ =	shalt  }
0x78: {  	_ =	shalt  }
0x79: {  	_ =	shalt  }
0x7a: {  	_ =	shalt  }
0x7b: {  	_ =	shalt  }
0x7c: {  	_ =	shalt  }
0x7d: {  	_ =	shalt  }
0x7e: {  	_ =	shalt  }
0x7f: {  	_ =	shalt  }
0x80: {  	_ =	shalt  }
0x81: {  	_ =	shalt  }
0x82: {  	_ =	shalt  }
0x83: {  	_ =	shalt  }
0x84: {  	_ =	shalt  }
0x85: {  	_ =	shalt  }
0x86: {  	_ =	shalt  }
0x87: {  	_ =	shalt  }
.Lfunc_end0:
.L_simem_size_0:
called_computation.1_lowered:
.L_overlay_start_0:
0x88: {  	s2 =	sld [smem:$0x3FD9]  }
0x89: {  	s3 =	sld [smem:$0x3FFE];
	_ =	sdelay $0x1  }
0x8a: {  	s1 =	srdreg.scid  }
0x8b: {  	s0 =	sand.u32 $0x1, s1  }
0x8c: {  	s14 =	sshll.u32 s0, $0xA;
	s2 =	sadd.s32 s3, s2  }
0x8d: {  	s2 =	sadd.s32 s2, s14  }
0x8e: {  	[smem:$0x3FBF] =	sst s2  }
0x8f: {  	_ = 	snop  }
0x90: {  	s2 =	sld [smem:$0x3FD0];
	_ =	sdelay $0x2  }
0x91: {  	s15 =	simm.s32 $0xA;
	s4 =	simm.s32 $0x10  }
0x92: {  	[smem:s4], [sflag:s15] =	dma.local [hbm:s2], $0x1  }
0x93: {  	_ =	swait.eq [sflag:s15], $0x1  }
0x94: {  	[sflag:s15] =	ssyncset.done $0x0  }
0x95: {  	[sflag:s15] =	ssyncadd.s32 $0xFFFFFFFF  }
0x96: {  	s16 =	sld [smem:$0x10];
	(tm) =	ssettm $0x1  }
0x97: {  	s17 =	sld [smem:$0x3FFB];
	_ =	sdelay $0x3  }
0x98: {  	_ =	strace s17  }
0x99: {  	s3 =	sld [smem:$0x3FFC];
	_ =	sdelay $0x3  }
0x9a: {  	_ =	strace s3  }
0x9b: {  	s3 =	sld [smem:$0x3FFD];
	_ =	sdelay $0x3  }
0x9c: {  	_ =	strace s3  }
0x9d: {  	_ =	strace $0x8FFFFFFF  }
0x9e: {  	s18 =	sld [smem:$0x3FDB];
	_ =	sdelay $0x1  }
0x9f: {  	s19 =	simm.s32 $_scs_section_size  }
0xa0: {  	s5 =	simm.s32 $_size__tile_overlayer_lowered;
	s6 =	simm.s32 $_tile_overlayer_lowered  }
0xa1: {  	s22 =	simm.s32 $0x1BFF;
	s21 =	sshll.u32 s6, $0x1;
	s3 =	sadd.s32 s19, s18  }
0xa2: {  	s7 =	simm.s32 $0x0;
	s20 =	sshll.u32 s5, $0x1;
	s5 =	sadd.s32 s21, s3  }
0xa3: {  	[timem:s7], [sflag:s22] =	dma.local [hbm:s5], s20  }
0xa4: {  	_ =	swait.ge [sflag:s22], s20  }
0xa5: {  	s4 =	ssub.s32 $0x0, s20;
	[sflag:s22] =	ssyncset.done $0x0  }
0xa6: {  	[sflag:s22] =	ssyncadd.s32 s4;
	_ =	sdelay $0x1  }
0xa7: {  	s23 =	simm.s32 $0x1B8B  }
0xa8: {  	_ =	swait.ge [sflag:s23], $0x1  }
0xa9: {  	[sflag:s23] =	ssyncset.done $0x0  }
0xaa: {  	s25 =	simm.s32 $0x1B8E;
	s24 =	sld [smem:$0x3FFE];
	[sflag:s23] =	ssyncadd.s32 $0xFFFFFFFF  }
0xab: {  	s26 =	simm.s32 $execute0_lowered;
	[smem:$0x3FD2] =	sst s25  }
0xac: {  	s5 =	sshll.u32 s26, $0x1;
	_ =	strace $0x80000046;
	[dreg:$0x1] =	wrdreg $0xFFFFFFFF  }
0xad: {  	s28 =	simm.s32 $_size_execute0_lowered;
	s3 =	sadd.s32 s3, s5;
	[dreg:$0x0] =	wrdreg $0x0  }
0xae: {  	s5 =	sshll.u32 s28, $0x1;
	[dreg:$0x2] =	wrdreg s3  }
0xaf: {  	[dreg:$0x3] =	wrdreg s5  }
0xb0: {  	[dreg:$0x4] =	wrdreg $0xC0  }
0xb1: {  	_ =	task [dreg:s7], $0x5FFFF  }
0xb2: {  	[dreg:$0x1] =	wrdreg $0xFFFFFFFF  }
0xb3: {  	[dreg:$0x0] =	wrdreg $0x60  }
0xb4: {  	[dreg:$0x2] =	wrdreg s24  }
0xb5: {  	[dreg:$0x3] =	wrdreg s16  }
0xb6: {  	[dreg:$0x4] =	wrdreg $0x9  }
0xb7: {  	_ =	task.clear_ibuf [dreg:s7], $0x5FFFF;
	_ =	strace $0x90000046  }
0xb8: {  	s29 =	simm.s32 $0x9;
	_ =	strace $0x80000048  }
0xb9: {  	_ =	swait.ge [sflag:s29], $0x1  }
0xba: {  	[sflag:s29] =	ssyncadd.s32 $0xFFFFFFFF  }
0xbb: {  	_ =	strace $0x90000048  }
0xbc: {  	_ =	sfence  }
0xbd: {  	s30 =	sld [smem:$0x0];
	_ =	sdelay $0x2  }
0xbe: {  	s31 =	sshll.u32 s1, $0xD;
	s1 =	sshrl.u32 s1, $0x2  }
0xbf: {  	s3 =	sand.u32 $0x4000, s31;
	s1 =	sadd.s32 s1, s30  }
0xc0: {  	s0 =	sor.u32 s3, s0;
	s1 =	sshll.u32 s1, $0x11  }
0xc1: {  	s0 =	sor.u32 s1, s0  }
0xc2: {  	s0 =	sadd.s32 $0x8F2B, s0  }
0xc3: {  	[sflag:s0] =	ssyncadd.remote.s32 $0x1  }
0xc4: {  	_ =	sfence.sel $0xFFFF  }
0xc5: {  	[dreg:$0x0] =	wrdreg $0xFFFFFFFF;
	(pc) =	sbr.abs _section_cstart, $3  }
0xc6: {  	[dreg:$0x1] =	wrdreg $0xFFFFFFFF  }
0xc7: {  	_ =	task.clear_ibuf [dreg:s7], $0x2FFFF;
	_ =	strace $0x9FFFFFFF  }
0xc8: {  	(tm) =	ssettm $0x7FFFFFFF  }
0xc9: {  	_ =	shalt  }
tec
execute0_lowered:
.L_overlay_start_1:
0x0: {  	(tag) =	ssettag $0x1  }
0x1: {  	s5 =	rddreg [dreg:$0x0]  }
0x2: {  	s1 =	rddreg [dreg:$0x1]  }
0x3: {  	s0 =	rddreg [dreg:$0x2];
	s2 =	simm.s32 $0x0  }
0x4: {  	s3 =	srdreg.scid;
	s8 =	simm.s32 $0xFFFFC000;
	s14 =	simm.s32 $0x2  }
0x5: {  	s15 =	simm.s32 $0x80;
	s16 =	simm.s32 $0x400;
	s17 =	simm.s32 $0x4400  }
0x6: {  	s18 =	simm.s32 $0x1;
	s19 =	simm.s32 $0x100;
	s20 =	simm.s32 $0x180  }
0x7: {  	s21 =	simm.s32 $0x200;
	s22 =	simm.s32 $0x280;
	s23 =	simm.s32 $0x300  }
0x8: {  	s24 =	simm.s32 $0x380;
	s25 =	simm.s32 $0x0;
	[smem:$0x7FF] =	sst s2  }
0x9: {  	s4 =	sand.u32 $0x1, s3;
	s3 =	stileid.u32;
	_ =	strace $0x80000047  }
0xa: {  	s6 =	ssub.s32 $0x2, s4;
	p0 =	sgt.u32 s3, $0x7;
	s9 =	sshll.u32 s3, $0x8  }
0xb: {  	s10 =	sshll.u32 s3, $0xB;
	s11 =	sshll.u32 s4, $0x7;
	s8 =	simm.s32 @!p0 $0x0  }
0xc: {  	s4 =	sshll.u32 s4, $0xA;
	s7 =	sshrl.u32 s6, $0x1;
	s8 =	sadd.s32 s10, s8  }
0xd: {  	s31 =	sor.u32 s11, s9;
	s6 =	ssub.s32 s6, s7;
	s4 =	sor.u32 s4, s8  }
0xe: {  	s5 =	sadd.s32 s5, s31;
	s6 =	smax.u32 s6, $0x1;
	s7 =	sor.u32 $0x80, s4  }
0xf: {  	s8 =	sor.u32 $0x100, s4;
	s9 =	sor.u32 $0x180, s4;
	s10 =	sor.u32 $0x200, s4  }
0x10: {  	s11 =	sor.u32 $0x280, s4;
	s12 =	sor.u32 $0x300, s4;
	s13 =	sor.u32 $0x380, s4  }
.LBB2_1:
0x11: {  	[tilespmem:s2], [sflag:$0x2] =	stream.linear.gather [hbm4b:s5+s2], $0x400, $0x38;
	[tilespmem:$0x8400] =	vst v63  }
0x12: {  	_ =	swait.ge [sflag:s14], $0x400  }
0x13: {  	s26 =	simm.s32 $0x200;
	[sflag:s14] =	ssyncset.done $0x0  }
0x14: {  	v0 =	vmov s4;
	s29 =	simm.s32 $0x0;
	s28 =	smov.u32 s4;
	[sflag:s14] =	ssyncadd.s32 $0xFFFFFC00  }
.LBB2_2:
0x15: {  	p0 =	sne.s32 s26, $0xFE00  }
0x16: {  	[tilespmem:s29+$0x400] =	vst v0;
	s28 =	sadd.s32 $0x1, s28;
	s29 =	smov.u32 s26;
	s26 =	sadd.s32 $0x200, s26  }
.Ltmp0:
0x17: {  	(pc) =	sbr.rel @p0 .LBB2_2-.Ltmp0, $2  }
0x18: {  	_ =	sdelay $0x2  }
0x19: {  	v0 =	vmov s28;
	s29 =	sshra.s32 s29, $0x2  }
0x1a: {  	[tilespmem:s29+$0x400] =	vst v0;
	s26 =	simm.s32 $0x0  }
0x1b: {  	[hbm4b:s1+s15] =	stream.indirect.scatter [tilespmem:s16], [sflag:$0x1], $0x80, s26, s15, $0xb8;
	[tilespmem:$0x8400] =	vst v63  }
0x1c: {  	v0 =	vmov s7;
	s29 =	simm.s32 $0x0;
	s28 =	smov.u32 s7;
	s26 =	simm.s32 $0x200  }
.LBB2_4:
0x1d: {  	p0 =	sne.s32 s26, $0xFE00  }
0x1e: {  	[tilespmem:s29+$0x4400] =	vst v0;
	s28 =	sadd.s32 $0x1, s28;
	s29 =	smov.u32 s26;
	s26 =	sadd.s32 $0x200, s26  }
.Ltmp1:
0x1f: {  	(pc) =	sbr.rel @p0 .LBB2_4-.Ltmp1, $2  }
0x20: {  	_ =	sdelay $0x2  }
0x21: {  	v0 =	vmov s28;
	s29 =	sshra.s32 s29, $0x2  }
0x22: {  	[tilespmem:s29+$0x4400] =	vst v0  }
0x23: {  	[hbm4b:s1+s15] =	stream.indirect.scatter [tilespmem:s17], [sflag:$0x1], $0x80, s15, s15, $0xb8;
	[tilespmem:$0x8400] =	vst v63  }
0x24: {  	_ =	swait.ge [sflag:s18], $0x4000  }
0x25: {  	s26 =	simm.s32 $0x200;
	[sflag:s18] =	ssyncset.done $0x0  }
0x26: {  	v0 =	vmov s8;
	s29 =	simm.s32 $0x0;
	s28 =	smov.u32 s8;
	[sflag:s18] =	ssyncadd.s32 $0xFFFFC000  }
.LBB2_6:
0x27: {  	p0 =	sne.s32 s26, $0xFE00  }
0x28: {  	[tilespmem:s29+$0x400] =	vst v0;
	s28 =	sadd.s32 $0x1, s28;
	s29 =	smov.u32 s26;
	s26 =	sadd.s32 $0x200, s26  }
.Ltmp2:
0x29: {  	(pc) =	sbr.rel @p0 .LBB2_6-.Ltmp2, $2  }
0x2a: {  	_ =	sdelay $0x2  }
0x2b: {  	v0 =	vmov s28;
	s29 =	sshra.s32 s29, $0x2  }
0x2c: {  	[tilespmem:s29+$0x400] =	vst v0  }
0x2d: {  	[hbm4b:s1+s15] =	stream.indirect.scatter [tilespmem:s16], [sflag:$0x1], $0x80, s19, s15, $0xb8;
	[tilespmem:$0x8400] =	vst v63  }
0x2e: {  	_ =	swait.ge [sflag:s18], $0x4000  }
0x2f: {  	s26 =	simm.s32 $0x200;
	[sflag:s18] =	ssyncset.done $0x0  }
0x30: {  	v0 =	vmov s9;
	s29 =	simm.s32 $0x0;
	s28 =	smov.u32 s9;
	[sflag:s18] =	ssyncadd.s32 $0xFFFFC000  }
.LBB2_8:
0x31: {  	p0 =	sne.s32 s26, $0xFE00  }
0x32: {  	[tilespmem:s29+$0x4400] =	vst v0;
	s28 =	sadd.s32 $0x1, s28;
	s29 =	smov.u32 s26;
	s26 =	sadd.s32 $0x200, s26  }
.Ltmp3:
0x33: {  	(pc) =	sbr.rel @p0 .LBB2_8-.Ltmp3, $2  }
0x34: {  	_ =	sdelay $0x2  }
0x35: {  	v0 =	vmov s28;
	s29 =	sshra.s32 s29, $0x2  }
0x36: {  	[tilespmem:s29+$0x4400] =	vst v0  }
0x37: {  	[hbm4b:s1+s15] =	stream.indirect.scatter [tilespmem:s17], [sflag:$0x1], $0x80, s20, s15, $0xb8;
	[tilespmem:$0x8400] =	vst v63  }
0x38: {  	_ =	swait.ge [sflag:s18], $0x4000  }
0x39: {  	s26 =	simm.s32 $0x200;
	[sflag:s18] =	ssyncset.done $0x0  }
0x3a: {  	v0 =	vmov s10;
	s29 =	simm.s32 $0x0;
	s28 =	smov.u32 s10;
	[sflag:s18] =	ssyncadd.s32 $0xFFFFC000  }
.LBB2_10:
0x3b: {  	p0 =	sne.s32 s26, $0xFE00  }
0x3c: {  	[tilespmem:s29+$0x400] =	vst v0;
	s28 =	sadd.s32 $0x1, s28;
	s29 =	smov.u32 s26;
	s26 =	sadd.s32 $0x200, s26  }
.Ltmp4:
0x3d: {  	(pc) =	sbr.rel @p0 .LBB2_10-.Ltmp4, $2  }
0x3e: {  	_ =	sdelay $0x2  }
0x3f: {  	v0 =	vmov s28;
	s29 =	sshra.s32 s29, $0x2  }
0x40: {  	[tilespmem:s29+$0x400] =	vst v0  }
0x41: {  	[hbm4b:s1+s15] =	stream.indirect.scatter [tilespmem:s16], [sflag:$0x1], $0x80, s21, s15, $0xb8;
	[tilespmem:$0x8400] =	vst v63  }
0x42: {  	_ =	swait.ge [sflag:s18], $0x4000  }
0x43: {  	s26 =	simm.s32 $0x200;
	[sflag:s18] =	ssyncset.done $0x0  }
0x44: {  	v0 =	vmov s11;
	s29 =	simm.s32 $0x0;
	s28 =	smov.u32 s11;
	[sflag:s18] =	ssyncadd.s32 $0xFFFFC000  }
.LBB2_12:
0x45: {  	p0 =	sne.s32 s26, $0xFE00  }
0x46: {  	[tilespmem:s29+$0x4400] =	vst v0;
	s28 =	sadd.s32 $0x1, s28;
	s29 =	smov.u32 s26;
	s26 =	sadd.s32 $0x200, s26  }
.Ltmp5:
0x47: {  	(pc) =	sbr.rel @p0 .LBB2_12-.Ltmp5, $2  }
0x48: {  	_ =	sdelay $0x2  }
0x49: {  	v0 =	vmov s28;
	s29 =	sshra.s32 s29, $0x2  }
0x4a: {  	[tilespmem:s29+$0x4400] =	vst v0  }
0x4b: {  	[hbm4b:s1+s15] =	stream.indirect.scatter [tilespmem:s17], [sflag:$0x1], $0x80, s22, s15, $0xb8;
	[tilespmem:$0x8400] =	vst v63  }
0x4c: {  	_ =	swait.ge [sflag:s18], $0x4000  }
0x4d: {  	s26 =	simm.s32 $0x200;
	[sflag:s18] =	ssyncset.done $0x0  }
0x4e: {  	v0 =	vmov s12;
	s29 =	simm.s32 $0x0;
	s28 =	smov.u32 s12;
	[sflag:s18] =	ssyncadd.s32 $0xFFFFC000  }
.LBB2_14:
0x4f: {  	p0 =	sne.s32 s26, $0xFE00  }
0x50: {  	[tilespmem:s29+$0x400] =	vst v0;
	s28 =	sadd.s32 $0x1, s28;
	s29 =	smov.u32 s26;
	s26 =	sadd.s32 $0x200, s26  }
.Ltmp6:
0x51: {  	(pc) =	sbr.rel @p0 .LBB2_14-.Ltmp6, $2  }
0x52: {  	_ =	sdelay $0x2  }
0x53: {  	v0 =	vmov s28;
	s29 =	sshra.s32 s29, $0x2  }
0x54: {  	[tilespmem:s29+$0x400] =	vst v0  }
0x55: {  	[hbm4b:s1+s15] =	stream.indirect.scatter [tilespmem:s16], [sflag:$0x1], $0x80, s23, s15, $0xb8;
	[tilespmem:$0x8400] =	vst v63  }
0x56: {  	_ =	swait.ge [sflag:s18], $0x4000  }
0x57: {  	s26 =	simm.s32 $0x200;
	[sflag:s18] =	ssyncset.done $0x0  }
0x58: {  	v0 =	vmov s13;
	s29 =	simm.s32 $0x0;
	s28 =	smov.u32 s13;
	[sflag:s18] =	ssyncadd.s32 $0xFFFFC000  }
.LBB2_16:
0x59: {  	p0 =	sne.s32 s26, $0xFE00  }
0x5a: {  	[tilespmem:s29+$0x4400] =	vst v0;
	s28 =	sadd.s32 $0x1, s28;
	s29 =	smov.u32 s26;
	s26 =	sadd.s32 $0x200, s26  }
.Ltmp7:
0x5b: {  	(pc) =	sbr.rel @p0 .LBB2_16-.Ltmp7, $2  }
0x5c: {  	_ =	sdelay $0x2  }
0x5d: {  	v0 =	vmov s28;
	s29 =	sshra.s32 s29, $0x2  }
0x5e: {  	[tilespmem:s29+$0x4400] =	vst v0;
	s25 =	sadd.s32 $0x1, s25  }
0x5f: {  	[hbm4b:s1+s15] =	stream.indirect.scatter [tilespmem:s17], [sflag:$0x1], $0x80, s24, s15, $0xb8;
	[tilespmem:$0x8400] =	vst v63  }
0x60: {  	p0 =	sne.s32 s25, s6;
	_ =	swait.ge [sflag:s18], $0x4000  }
.Ltmp8:
0x61: {  	[sflag:s18] =	ssyncset.done $0x0;
	(pc) =	sbr.rel @p0 .LBB2_1-.Ltmp8, $4  }
0x62: {  	[sflag:s18] =	ssyncadd.s32 $0xFFFFC000  }
0x63: {  	_ =	swait.ge [sflag:s18], $0x4000  }
0x64: {  	[sflag:s18] =	ssyncset.done $0x0  }
0x65: {  	[sflag:s18] =	ssyncadd.s32 $0xFFFFC000  }
0x66: {  	_ =	sfence.sel $0x180000  }
0x67: {  	[bflag:$0x0] =	sbarrier.arrive $0xFFFF  }
0x68: {  	p0 =	sne.s32 s3, $0x0;
	_ =	strace $0x90000047  }
0x69: {  	s0 =	sadd.s32 @!p0 $0x100000, s0;
	[bflag:$0x2] =	sbarrier.arrive $0xFFFF  }
0x6a: {  	[sflag:s0] =	ssyncadd.tile.s32 @!p0 $0x1;
	_ =	shalt  }
.Lfunc_end2:
_tile_overlayer_lowered:
.L_overlay_start_2:
0x6b: {  	(tag) =	ssettag $0x2  }
0x6c: {  	s0 =	rddreg [dreg:$0x0];
	s2 =	stileid.u32  }
0x6d: {  	s1 =	rddreg [dreg:$0x1];
	p0 =	sne.s32 s2, $0x0  }
0x6e: {  	s3 =	rddreg [dreg:$0x2];
	[bflag:$0x3] =	sbarrier.arrive $0xFFFF;
	s2 =	simm.s32 @!p0 $0x1C02  }
0x6f: {  	[timem:s3], [sflag:s2] =	dma.local @!p0 [hbm:s0], s1  }
0x70: {  	s0 =	simm.s32 @!p0 $0x2  }
0x71: {  	_ =	swait.ge @!p0 [sflag:s0], s1  }
0x72: {  	s1 =	ssub.s32 @!p0 $0x0, s1;
	[sflag:s0] =	ssyncset.done @!p0 $0x0  }
0x73: {  	[sflag:s0] =	ssyncadd.s32 @!p0 s1  }
0x74: {  	[bflag:$0x3] =	sbarrier.arrive $0xFFFF  }
0x75: {  	_ =	shalt  }

// kernel: kernel.9.cloned.1.call-start
scs
__scs_entry_jumppad:
0x0: {  	(pc) =	sbr.rel $0x88, $3  }
0x1: {  	(tag) =	ssettag $0x0;
	lr =	simm.s32 $0x1  }
0x2: {  	[smem:$0x3F98] =	sst lr;
	_ =	strace $0xD0000000  }
0x3: {  	_ = 	snop  }
0x4: {  	_ = 	snop  }
0x5: {  	_ = 	snop  }
0x6: {  	_ = 	snop  }
0x7: {  	_ = 	snop  }
__scs_overlays_trampoline_lowered:
0x8: {  	[smem:$0x3FA7] =	sst s0  }
0x9: {  	[smem:$0x3FA8] =	sst s1  }
0xa: {  	[smem:$0x3FA9] =	sst s2  }
0xb: {  	[smem:$0x3FAA] =	sst s3  }
0xc: {  	[smem:$0x3FAB] =	sst s4  }
0xd: {  	[smem:$0x3FAC] =	sst s5  }
0xe: {  	[smem:$0x3FAD] =	sst s6  }
0xf: {  	[smem:$0x3FAE] =	sst s7  }
0x10: {  	[smem:$0x3FAF] =	sst s8  }
0x11: {  	[smem:$0x3FB0] =	sst s9;
	s0 =	simm.s32 @!p0 $0x0  }
0x12: {  	s1 =	sld [smem:$0x3F96];
	s0 =	simm.s32 @p0 $0x1  }
0x13: {  	[smem:$0x3FB1] =	sst s0;
	s0 =	simm.s32 @!p1 $0x0  }
0x14: {  	s2 =	sld [smem:$0x3F95];
	s0 =	simm.s32 @p1 $0x1  }
0x15: {  	[smem:$0x3FB2] =	sst s0;
	s0 =	simm.s32 @!p2 $0x0  }
0x16: {  	s3 =	sld [smem:$0x3FDB];
	s0 =	simm.s32 @p2 $0x1  }
0x17: {  	s4 =	simm.s32 $0x1BF5;
	[smem:$0x3FB4] =	sst s0  }
0x18: {  	s0 =	sld [smem:$0x3F97];
	_ =	swait.ge [sflag:s4], $0x0  }
0x19: {  	s7 =	sld [smem:$0x3F98]  }
0x1a: {  	s8 =	sadd.s32 $0xFFFFE003, lr  }
0x1b: {  	s9 =	sadd.s32 $0xFFFFFEF7, lr;
	s5 =	simm.s32 $0xFFFFFFFF;
	p2 =	slt.u32 s8, $0xFFFFF086  }
0x1c: {  	p1 =	slt.u32 s9, $0xF7A;
	s5 =	simm.s32 @!p2 $0x0  }
0x1d: {  	s5 =	simm.s32 @p1 $0x1;
	p0 =	seq.s32 s7, s2  }
0x1e: {  	s7 =	smul.u32 @!p0 $0xF7A, s2;
	p2 =	seq.s32 @!p0 s5, $0x0  }
0x1f: {  	s9 =	smul.u32 $0xF7A, s1;
	s8 =	simm.s32 @!p0 $0x1BF5;
	p2 =	por !p2, p0  }
0x20: {  	[sflag:s8] =	ssyncset.s32 @!p0 $0xFFFFF086;
	s6 =	sadd.s32 @!p0 s3, s7;
	s7 =	simm.s32 @!p0 $0x108  }
0x21: {  	s3 =	sadd.s32 s3, s9;
	s6 =	sadd.s32 @!p0 $0x88, s6;
	s7 =	simm.s32 @p2 $0x1082  }
0x22: {  	[simem:s7], [sflag:s8] =	dma.local @!p0 [hbm:s6], $0xF7A  }
0x23: {  	s9 =	sor.u32 $0xD0000000, s2;
	s6 =	simm.s32 $0x108;
	_ =	swait.ge @!p0 [sflag:s8], $0x0  }
0x24: {  	s3 =	sadd.s32 $0x88, s3;
	s6 =	simm.s32 @!p1 $0x1082;
	[sflag:s4] =	ssyncset.s32 $0xFFFFF086  }
0x25: {  	[simem:s6], [sflag:s4] =	dma.local [hbm:s3], $0xF7A  }
0x26: {  	[smem:$0x3F98] =	sst s1;
	(tag) =	ssettag s2;
	_ =	strace s9  }
0x27: {  	s1 =	sld [smem:$0x3FA8]  }
0x28: {  	s2 =	sld [smem:$0x3FA9]  }
0x29: {  	s4 =	sld [smem:$0x3FAB]  }
0x2a: {  	p0 =	seq.s32 s5, $0x0;
	s5 =	sld [smem:$0x3FAC]  }
0x2b: {  	s6 =	sld [smem:$0x3FAD]  }
0x2c: {  	s7 =	sld [smem:$0x3FAE]  }
0x2d: {  	s3 =	simm.s32 $0x108;
	s8 =	sld [smem:$0x3FAF]  }
0x2e: {  	s3 =	simm.s32 @!p0 $0x1082;
	s9 =	sld [smem:$0x3FB0]  }
0x2f: {  	lr =	sadd.s32 s0, s3;
	s0 =	sld [smem:$0x3FA7]  }
0x30: {  	s3 =	sld [smem:$0x3FAA]  }
0x31: {  	[smem:$0x3FB3] =	sst s10  }
0x32: {  	s10 =	sld [smem:$0x3FB1];
	_ =	sdelay $0x3  }
0x33: {  	p0 =	seq.s32 s10, $0x1;
	s10 =	sld [smem:$0x3FB3];
	_ =	sdelay $0x3  }
0x34: {  	[smem:$0x3FB3] =	sst s10  }
0x35: {  	s10 =	sld [smem:$0x3FB2];
	_ =	sdelay $0x3  }
0x36: {  	p1 =	seq.s32 s10, $0x1;
	s10 =	sld [smem:$0x3FB3];
	_ =	sdelay $0x3  }
0x37: {  	[smem:$0x3FB3] =	sst s10  }
0x38: {  	s10 =	sld [smem:$0x3FB4]  }
0x39: {  	_ = 	snop;
	(pc) =	sbr.ind lr, $3  }
0x3a: {  	_ = 	snop  }
0x3b: {  	_ = 	snop  }
0x3c: {  	p2 =	seq.s32 s10, $0x1;
	s10 =	sld [smem:$0x3FB3]  }
0x3d: {  	_ =	shalt  }
0x3e: {  	_ =	shalt  }
0x3f: {  	_ =	shalt  }
0x40: {  	_ =	shalt  }
0x41: {  	_ =	shalt  }
0x42: {  	_ =	shalt  }
0x43: {  	_ =	shalt  }
0x44: {  	_ =	shalt  }
0x45: {  	_ =	shalt  }
0x46: {  	_ =	shalt  }
0x47: {  	_ =	shalt  }
0x48: {  	_ =	shalt  }
0x49: {  	_ =	shalt  }
0x4a: {  	_ =	shalt  }
0x4b: {  	_ =	shalt  }
0x4c: {  	_ =	shalt  }
0x4d: {  	_ =	shalt  }
0x4e: {  	_ =	shalt  }
0x4f: {  	_ =	shalt  }
0x50: {  	_ =	shalt  }
0x51: {  	_ =	shalt  }
0x52: {  	_ =	shalt  }
0x53: {  	_ =	shalt  }
0x54: {  	_ =	shalt  }
0x55: {  	_ =	shalt  }
0x56: {  	_ =	shalt  }
0x57: {  	_ =	shalt  }
0x58: {  	_ =	shalt  }
0x59: {  	_ =	shalt  }
0x5a: {  	_ =	shalt  }
0x5b: {  	_ =	shalt  }
0x5c: {  	_ =	shalt  }
0x5d: {  	_ =	shalt  }
0x5e: {  	_ =	shalt  }
0x5f: {  	_ =	shalt  }
0x60: {  	_ =	shalt  }
0x61: {  	_ =	shalt  }
0x62: {  	_ =	shalt  }
0x63: {  	_ =	shalt  }
0x64: {  	_ =	shalt  }
0x65: {  	_ =	shalt  }
0x66: {  	_ =	shalt  }
0x67: {  	_ =	shalt  }
0x68: {  	_ =	shalt  }
0x69: {  	_ =	shalt  }
0x6a: {  	_ =	shalt  }
0x6b: {  	_ =	shalt  }
0x6c: {  	_ =	shalt  }
0x6d: {  	_ =	shalt  }
0x6e: {  	_ =	shalt  }
0x6f: {  	_ =	shalt  }
0x70: {  	_ =	shalt  }
0x71: {  	_ =	shalt  }
0x72: {  	_ =	shalt  }
0x73: {  	_ =	shalt  }
0x74: {  	_ =	shalt  }
0x75: {  	_ =	shalt  }
0x76: {  	_ =	shalt  }
0x77: {  	_ =	shalt  }
0x78: {  	_ =	shalt  }
0x79: {  	_ =	shalt  }
0x7a: {  	_ =	shalt  }
0x7b: {  	_ =	shalt  }
0x7c: {  	_ =	shalt  }
0x7d: {  	_ =	shalt  }
0x7e: {  	_ =	shalt  }
0x7f: {  	_ =	shalt  }
0x80: {  	_ =	shalt  }
0x81: {  	_ =	shalt  }
0x82: {  	_ =	shalt  }
0x83: {  	_ =	shalt  }
0x84: {  	_ =	shalt  }
0x85: {  	_ =	shalt  }
0x86: {  	_ =	shalt  }
0x87: {  	_ =	shalt  }
.Lfunc_end0:
.L_simem_size_0:
called_computation.2_lowered:
.L_overlay_start_0:
0x88: {  	s2 =	sld [smem:$0x3FD9]  }
0x89: {  	s3 =	sld [smem:$0x3FFE];
	_ =	sdelay $0x1  }
0x8a: {  	s1 =	srdreg.scid  }
0x8b: {  	s0 =	sand.u32 $0x1, s1  }
0x8c: {  	s14 =	sshll.u32 s0, $0xA;
	s2 =	sadd.s32 s3, s2  }
0x8d: {  	s2 =	sadd.s32 s2, s14  }
0x8e: {  	[smem:$0x3FBF] =	sst s2  }
0x8f: {  	_ = 	snop  }
0x90: {  	s2 =	sld [smem:$0x3FD0];
	_ =	sdelay $0x2  }
0x91: {  	s15 =	simm.s32 $0xA;
	s4 =	simm.s32 $0x10  }
0x92: {  	[smem:s4], [sflag:s15] =	dma.local [hbm:s2], $0x1  }
0x93: {  	_ =	swait.eq [sflag:s15], $0x1  }
0x94: {  	[sflag:s15] =	ssyncset.done $0x0  }
0x95: {  	[sflag:s15] =	ssyncadd.s32 $0xFFFFFFFF  }
0x96: {  	s16 =	sld [smem:$0x10];
	(tm) =	ssettm $0x1  }
0x97: {  	s17 =	sld [smem:$0x3FFB];
	_ =	sdelay $0x3  }
0x98: {  	_ =	strace s17  }
0x99: {  	s3 =	sld [smem:$0x3FFC];
	_ =	sdelay $0x3  }
0x9a: {  	_ =	strace s3  }
0x9b: {  	s3 =	sld [smem:$0x3FFD];
	_ =	sdelay $0x3  }
0x9c: {  	_ =	strace s3  }
0x9d: {  	_ =	strace $0x8FFFFFFF  }
0x9e: {  	s18 =	sld [smem:$0x3FDB];
	_ =	sdelay $0x1  }
0x9f: {  	s19 =	simm.s32 $_scs_section_size  }
0xa0: {  	s5 =	simm.s32 $_size__tile_overlayer_lowered;
	s6 =	simm.s32 $_tile_overlayer_lowered  }
0xa1: {  	s22 =	simm.s32 $0x1BFF;
	s21 =	sshll.u32 s6, $0x1;
	s3 =	sadd.s32 s19, s18  }
0xa2: {  	s7 =	simm.s32 $0x0;
	s20 =	sshll.u32 s5, $0x1;
	s5 =	sadd.s32 s21, s3  }
0xa3: {  	[timem:s7], [sflag:s22] =	dma.local [hbm:s5], s20  }
0xa4: {  	_ =	swait.ge [sflag:s22], s20  }
0xa5: {  	s4 =	ssub.s32 $0x0, s20;
	[sflag:s22] =	ssyncset.done $0x0  }
0xa6: {  	[sflag:s22] =	ssyncadd.s32 s4;
	_ =	sdelay $0x1  }
0xa7: {  	s23 =	simm.s32 $0x1B8B  }
0xa8: {  	_ =	swait.ge [sflag:s23], $0x1  }
0xa9: {  	[sflag:s23] =	ssyncset.done $0x0  }
0xaa: {  	s25 =	simm.s32 $0x1B8E;
	s24 =	sld [smem:$0x3FFE];
	[sflag:s23] =	ssyncadd.s32 $0xFFFFFFFF  }
0xab: {  	s26 =	simm.s32 $execute0_lowered;
	[smem:$0x3FD2] =	sst s25  }
0xac: {  	s5 =	sshll.u32 s26, $0x1;
	_ =	strace $0x80000049;
	[dreg:$0x1] =	wrdreg $0xFFFFFFFF  }
0xad: {  	s28 =	simm.s32 $_size_execute0_lowered;
	s3 =	sadd.s32 s3, s5;
	[dreg:$0x0] =	wrdreg $0x0  }
0xae: {  	s5 =	sshll.u32 s28, $0x1;
	[dreg:$0x2] =	wrdreg s3  }
0xaf: {  	[dreg:$0x3] =	wrdreg s5  }
0xb0: {  	[dreg:$0x4] =	wrdreg $0xC0  }
0xb1: {  	_ =	task [dreg:s7], $0x5FFFF  }
0xb2: {  	[dreg:$0x1] =	wrdreg $0xFFFFFFFF  }
0xb3: {  	[dreg:$0x0] =	wrdreg $0x60  }
0xb4: {  	[dreg:$0x2] =	wrdreg s24  }
0xb5: {  	[dreg:$0x3] =	wrdreg s16  }
0xb6: {  	[dreg:$0x4] =	wrdreg $0x9  }
0xb7: {  	_ =	task.clear_ibuf [dreg:s7], $0x5FFFF;
	_ =	strace $0x90000049  }
0xb8: {  	s29 =	simm.s32 $0x9;
	_ =	strace $0x8000004B  }
0xb9: {  	_ =	swait.ge [sflag:s29], $0x1  }
0xba: {  	[sflag:s29] =	ssyncadd.s32 $0xFFFFFFFF  }
0xbb: {  	_ =	strace $0x9000004B  }
0xbc: {  	_ =	sfence  }
0xbd: {  	s30 =	sld [smem:$0x0];
	_ =	sdelay $0x2  }
0xbe: {  	s31 =	sshll.u32 s1, $0xD;
	s1 =	sshrl.u32 s1, $0x2  }
0xbf: {  	s3 =	sand.u32 $0x4000, s31;
	s1 =	sadd.s32 s1, s30  }
0xc0: {  	s0 =	sor.u32 s3, s0;
	s1 =	sshll.u32 s1, $0x11  }
0xc1: {  	s0 =	sor.u32 s1, s0  }
0xc2: {  	s0 =	sadd.s32 $0x8F2B, s0  }
0xc3: {  	[sflag:s0] =	ssyncadd.remote.s32 $0x1  }
0xc4: {  	_ =	sfence.sel $0xFFFF  }
0xc5: {  	[dreg:$0x0] =	wrdreg $0xFFFFFFFF;
	(pc) =	sbr.abs _section_cstart, $3  }
0xc6: {  	[dreg:$0x1] =	wrdreg $0xFFFFFFFF  }
0xc7: {  	_ =	task.clear_ibuf [dreg:s7], $0x2FFFF;
	_ =	strace $0x9FFFFFFF  }
0xc8: {  	(tm) =	ssettm $0x7FFFFFFF  }
0xc9: {  	_ =	shalt  }
tec
execute0_lowered:
.L_overlay_start_1:
0x0: {  	(tag) =	ssettag $0x1  }
0x1: {  	s0 =	srdreg.scid  }
0x2: {  	s2 =	stileid.u32;
	s1 =	rddreg [dreg:$0x0]  }
0x3: {  	s3 =	rddreg [dreg:$0x1];
	s0 =	sand.u32 $0x1, s0;
	s2 =	sshll.u32 s2, $0x1  }
0x4: {  	s10 =	simm.s32 $0x2;
	s4 =	sor.u32 s0, s2;
	s2 =	simm.s32 $0x0  }
0x5: {  	s0 =	ssub.s32 $0x2, s0;
	s5 =	smul.u32 $0xC000, s4;
	s6 =	sshll.u32 s4, $0x7  }
0x6: {  	[smem:$0x7FF] =	sst s2;
	s4 =	smul.u32 $0x60000, s4;
	s6 =	sadd.s32 s1, s6  }
0x7: {  	_ =	strace $0x8000004A;
	s7 =	sadd.s32 s3, s5;
	[dreg:$0x3] =	wrdreg s6  }
0x8: {  	s4 =	sshrl.u32 s4, $0x3;
	s5 =	sadd.s32 $0x1800, s7;
	[dreg:$0xb] =	wrdreg s7  }
0x9: {  	s25 =	sadd.s32 $0x3000, s7;
	s3 =	sadd.s32 s3, s4;
	[dreg:$0x4] =	wrdreg s5  }
0xa: {  	s29 =	sshrl.u32 s0, $0x1;
	[dreg:$0x5] =	wrdreg s25;
	s26 =	sadd.s32 $0x4800, s3  }
0xb: {  	s0 =	ssub.s32 s0, s29;
	s28 =	sadd.s32 $0x6000, s3;
	[dreg:$0x6] =	wrdreg s26  }
0xc: {  	s6 =	sadd.s32 $0x301200, s1;
	s30 =	sadd.s32 $0x7800, s3;
	[dreg:$0x7] =	wrdreg s28  }
0xd: {  	v2 =	vlaneseq.u32;
	s4 =	sadd.s32 $0x301000, s1;
	s31 =	sadd.s32 $0x9000, s3;
	[dreg:$0x8] =	wrdreg s30  }
0xe: {  	vm0 =	vmmov $0xffff;
	v1 =	vshrl.u32 v2, $0x3;
	s7 =	smax.u32 s0, $0x1;
	s3 =	sadd.s32 $0xA800, s3;
	[dreg:$0x9] =	wrdreg s31  }
0xf: {  	v0 =	vand.u32 $0x7, v2;
	v2 =	vor.u32 $0x8, v2;
	v1 =	vmul.u32 $0x8, v1;
	s5 =	sadd.s32 $0x301100, s1;
	[dreg:$0xa] =	wrdreg s3;
	s3 =	simm.s32 $0x1  }
.LBB2_1:
0x10: {  	s11 =	rddreg [dreg:$0x3];
	s28 =	simm.s32 $0x3  }
0x11: {  	[tilespmem:s2], [sflag:$0x3] =	stream.linear.gather [hbm4b:s11+s2], $0x400, $0x38;
	[tilespmem:$0x18400] =	vst v63  }
0x12: {  	_ =	swait.ge [sflag:s28], $0x400  }
0x13: {  	[sflag:s28] =	ssyncset.done $0x0  }
0x14: {  	[sflag:s28] =	ssyncadd.s32 $0xFFFFFC00  }
0x15: {  	v3 =	vld [tilespmem:$0x0];
	_ =	sdelay $0x4  }
0x16: {  	v4 =	vshrl.u32 v3, $0x3  }
0x17: {  	v4 =	vmul.u32 $0x30, v4  }
0x18: {  	v3 =	vand.u32 $0x7, v3  }
0x19: {  	v3 =	vor.u32 v3, v4  }
0x1a: {  	v4 =	vperm.xlane v3, v0;
	_ =	sdelay $0x1  }
0x1b: {  	v4 =	vadd.s32 v1, v4;
	_ =	sdelay $0x3  }
0x1c: {  	s0 =	simm.s32 $0x400;
	v3 =	vperm.xlane v3, v2  }
0x1d: {  	[tilespmem:s0], [sflag:$0x1] =	stream.indirect_vreg.gather [hbm4b:s4+s2], $0x80, v4, vm0, $0xb8;
	[tilespmem:$0x18400] =	vst v63  }
0x1e: {  	s29 =	simm.s32 $0xC00;
	v3 =	vadd.s32 v1, v3  }
0x1f: {  	[tilespmem:s29], [sflag:$0x1] =	stream.indirect_vreg.gather [hbm4b:s5+s2], $0x80, v4, vm0, $0xb8;
	[tilespmem:$0x18400] =	vst v63  }
0x20: {  	s30 =	simm.s32 $0x1400  }
0x21: {  	[tilespmem:s30], [sflag:$0x1] =	stream.indirect_vreg.gather [hbm4b:s6+s2], $0x80, v4, vm0, $0xb8;
	[tilespmem:$0x18400] =	vst v63  }
0x22: {  	s31 =	simm.s32 $0x1C00  }
0x23: {  	[tilespmem:s31], [sflag:$0x1] =	stream.indirect_vreg.gather [hbm4b:s4+s2], $0x80, v3, vm0, $0xb8;
	[tilespmem:$0x18400] =	vst v63  }
0x24: {  	s1 =	simm.s32 $0x2400  }
0x25: {  	[tilespmem:s1], [sflag:$0x1] =	stream.indirect_vreg.gather [hbm4b:s5+s2], $0x80, v3, vm0, $0xb8;
	[tilespmem:$0x18400] =	vst v63  }
0x26: {  	s8 =	simm.s32 $0x2C00  }
0x27: {  	[tilespmem:s8], [sflag:$0x1] =	stream.indirect_vreg.gather [hbm4b:s6+s2], $0x80, v3, vm0, $0xb8;
	[tilespmem:$0x18400] =	vst v63  }
0x28: {  	v3 =	vld [tilespmem:$0x10];
	_ =	sdelay $0x4  }
0x29: {  	v33 =	vshrl.u32 v3, $0x3  }
0x2a: {  	v4 =	vmul.u32 $0x30, v33  }
0x2b: {  	v3 =	vand.u32 $0x7, v3  }
0x2c: {  	v3 =	vor.u32 v3, v4  }
0x2d: {  	v4 =	vperm.xlane v3, v0;
	_ =	sdelay $0x1  }
0x2e: {  	v4 =	vadd.s32 v1, v4;
	_ =	sdelay $0x3  }
0x2f: {  	s11 =	simm.s32 $0x3400;
	v3 =	vperm.xlane v3, v2  }
0x30: {  	[tilespmem:s11], [sflag:$0x1] =	stream.indirect_vreg.gather [hbm4b:s4+s2], $0x80, v4, vm0, $0xb8;
	[tilespmem:$0x18400] =	vst v63  }
0x31: {  	s12 =	simm.s32 $0x3C00;
	v3 =	vadd.s32 v1, v3  }
0x32: {  	[tilespmem:s12], [sflag:$0x1] =	stream.indirect_vreg.gather [hbm4b:s5+s2], $0x80, v4, vm0, $0xb8;
	[tilespmem:$0x18400] =	vst v63  }
0x33: {  	s14 =	simm.s32 $0x4400  }
0x34: {  	[tilespmem:s14], [sflag:$0x1] =	stream.indirect_vreg.gather [hbm4b:s6+s2], $0x80, v4, vm0, $0xb8;
	[tilespmem:$0x18400] =	vst v63  }
0x35: {  	s15 =	simm.s32 $0x4C00  }
0x36: {  	[tilespmem:s15], [sflag:$0x1] =	stream.indirect_vreg.gather [hbm4b:s4+s2], $0x80, v3, vm0, $0xb8;
	[tilespmem:$0x18400] =	vst v63  }
0x37: {  	s18 =	simm.s32 $0x5400  }
0x38: {  	[tilespmem:s18], [sflag:$0x1] =	stream.indirect_vreg.gather [hbm4b:s5+s2], $0x80, v3, vm0, $0xb8;
	[tilespmem:$0x18400] =	vst v63  }
0x39: {  	s19 =	simm.s32 $0x5C00  }
0x3a: {  	[tilespmem:s19], [sflag:$0x1] =	stream.indirect_vreg.gather [hbm4b:s6+s2], $0x80, v3, vm0, $0xb8;
	[tilespmem:$0x18400] =	vst v63  }
0x3b: {  	v3 =	vld [tilespmem:$0x20];
	_ =	sdelay $0x4  }
0x3c: {  	v34 =	vshrl.u32 v3, $0x3  }
0x3d: {  	v4 =	vmul.u32 $0x30, v34  }
0x3e: {  	v3 =	vand.u32 $0x7, v3  }
0x3f: {  	v3 =	vor.u32 v3, v4  }
0x40: {  	v4 =	vperm.xlane v3, v0;
	_ =	sdelay $0x1  }
0x41: {  	v4 =	vadd.s32 v1, v4;
	_ =	sdelay $0x3  }
0x42: {  	s22 =	simm.s32 $0x6400;
	v3 =	vperm.xlane v3, v2  }
0x43: {  	[tilespmem:s22], [sflag:$0x1] =	stream.indirect_vreg.gather [hbm4b:s4+s2], $0x80, v4, vm0, $0xb8;
	[tilespmem:$0x18400] =	vst v63  }
0x44: {  	s23 =	simm.s32 $0x6C00;
	v3 =	vadd.s32 v1, v3  }
0x45: {  	[tilespmem:s23], [sflag:$0x1] =	stream.indirect_vreg.gather [hbm4b:s5+s2], $0x80, v4, vm0, $0xb8;
	[tilespmem:$0x18400] =	vst v63  }
0x46: {  	s26 =	simm.s32 $0x7400  }
0x47: {  	[tilespmem:s26], [sflag:$0x1] =	stream.indirect_vreg.gather [hbm4b:s6+s2], $0x80, v4, vm0, $0xb8;
	[tilespmem:$0x18400] =	vst v63  }
0x48: {  	s31 =	simm.s32 $0x7C00  }
0x49: {  	[tilespmem:s31], [sflag:$0x1] =	stream.indirect_vreg.gather [hbm4b:s4+s2], $0x80, v3, vm0, $0xb8;
	[tilespmem:$0x18400] =	vst v63  }
0x4a: {  	s1 =	simm.s32 $0x8400  }
0x4b: {  	[tilespmem:s1], [sflag:$0x1] =	stream.indirect_vreg.gather [hbm4b:s5+s2], $0x80, v3, vm0, $0xb8;
	[tilespmem:$0x18400] =	vst v63  }
0x4c: {  	s8 =	simm.s32 $0x8C00  }
0x4d: {  	[tilespmem:s8], [sflag:$0x1] =	stream.indirect_vreg.gather [hbm4b:s6+s2], $0x80, v3, vm0, $0xb8;
	[tilespmem:$0x18400] =	vst v63  }
0x4e: {  	v3 =	vld [tilespmem:$0x30];
	_ =	sdelay $0x4  }
0x4f: {  	v35 =	vshrl.u32 v3, $0x3  }
0x50: {  	v4 =	vmul.u32 $0x30, v35  }
0x51: {  	v3 =	vand.u32 $0x7, v3  }
0x52: {  	v3 =	vor.u32 v3, v4  }
0x53: {  	v4 =	vperm.xlane v3, v0;
	_ =	sdelay $0x1  }
0x54: {  	v4 =	vadd.s32 v1, v4;
	_ =	sdelay $0x3  }
0x55: {  	s11 =	simm.s32 $0x9400;
	v3 =	vperm.xlane v3, v2  }
0x56: {  	[tilespmem:s11], [sflag:$0x1] =	stream.indirect_vreg.gather [hbm4b:s4+s2], $0x80, v4, vm0, $0xb8;
	[tilespmem:$0x18400] =	vst v63  }
0x57: {  	s14 =	simm.s32 $0x9C00;
	v3 =	vadd.s32 v1, v3  }
0x58: {  	[tilespmem:s14], [sflag:$0x1] =	stream.indirect_vreg.gather [hbm4b:s5+s2], $0x80, v4, vm0, $0xb8;
	[tilespmem:$0x18400] =	vst v63  }
0x59: {  	s15 =	simm.s32 $0xA400  }
0x5a: {  	[tilespmem:s15], [sflag:$0x1] =	stream.indirect_vreg.gather [hbm4b:s6+s2], $0x80, v4, vm0, $0xb8;
	[tilespmem:$0x18400] =	vst v63  }
0x5b: {  	s18 =	simm.s32 $0xAC00  }
0x5c: {  	[tilespmem:s18], [sflag:$0x1] =	stream.indirect_vreg.gather [hbm4b:s4+s2], $0x80, v3, vm0, $0xb8;
	[tilespmem:$0x18400] =	vst v63  }
0x5d: {  	s19 =	simm.s32 $0xB400  }
0x5e: {  	[tilespmem:s19], [sflag:$0x1] =	stream.indirect_vreg.gather [hbm4b:s5+s2], $0x80, v3, vm0, $0xb8;
	[tilespmem:$0x18400] =	vst v63  }
0x5f: {  	s22 =	simm.s32 $0xBC00  }
0x60: {  	[tilespmem:s22], [sflag:$0x1] =	stream.indirect_vreg.gather [hbm4b:s6+s2], $0x80, v3, vm0, $0xb8;
	[tilespmem:$0x18400] =	vst v63  }
0x61: {  	_ =	swait.ge [sflag:s3], $0xC000  }
0x62: {  	[sflag:s3] =	ssyncset.done $0x0  }
0x63: {  	[sflag:s3] =	ssyncadd.s32 $0xFFFF4000  }
0x64: {  	v3 =	vld [tilespmem:$0x80];
	_ =	sdelay $0x4  }
0x65: {  	v36 =	vshrl.u32 v3, $0x3  }
0x66: {  	v4 =	vmul.u32 $0x30, v36  }
0x67: {  	v3 =	vand.u32 $0x7, v3  }
0x68: {  	v3 =	vor.u32 v3, v4  }
0x69: {  	v4 =	vperm.xlane v3, v0;
	_ =	sdelay $0x1  }
0x6a: {  	v4 =	vadd.s32 v1, v4;
	_ =	sdelay $0x3  }
0x6b: {  	s23 =	simm.s32 $0xC400;
	v3 =	vperm.xlane v3, v2  }
0x6c: {  	[tilespmem:s23], [sflag:$0x1] =	stream.indirect_vreg.gather [hbm4b:s4+s2], $0x80, v4, vm0, $0xb8;
	[tilespmem:$0x18400] =	vst v63  }
0x6d: {  	s8 =	simm.s32 $0xCC00;
	v3 =	vadd.s32 v1, v3  }
0x6e: {  	[tilespmem:s8], [sflag:$0x1] =	stream.indirect_vreg.gather [hbm4b:s5+s2], $0x80, v4, vm0, $0xb8;
	[tilespmem:$0x18400] =	vst v63  }
0x6f: {  	s11 =	simm.s32 $0xD400  }
0x70: {  	[tilespmem:s11], [sflag:$0x1] =	stream.indirect_vreg.gather [hbm4b:s6+s2], $0x80, v4, vm0, $0xb8;
	[tilespmem:$0x18400] =	vst v63  }
0x71: {  	s14 =	simm.s32 $0xDC00  }
0x72: {  	[tilespmem:s14], [sflag:$0x1] =	stream.indirect_vreg.gather [hbm4b:s4+s2], $0x80, v3, vm0, $0xb8;
	[tilespmem:$0x18400] =	vst v63  }
0x73: {  	s15 =	simm.s32 $0xE400  }
0x74: {  	[tilespmem:s15], [sflag:$0x1] =	stream.indirect_vreg.gather [hbm4b:s5+s2], $0x80, v3, vm0, $0xb8;
	[tilespmem:$0x18400] =	vst v63  }
0x75: {  	s18 =	simm.s32 $0xEC00  }
0x76: {  	[tilespmem:s18], [sflag:$0x1] =	stream.indirect_vreg.gather [hbm4b:s6+s2], $0x80, v3, vm0, $0xb8;
	[tilespmem:$0x18400] =	vst v63  }
0x77: {  	v3 =	vld [tilespmem:$0x90];
	_ =	sdelay $0x4  }
0x78: {  	v37 =	vshrl.u32 v3, $0x3  }
0x79: {  	v4 =	vmul.u32 $0x30, v37  }
0x7a: {  	v3 =	vand.u32 $0x7, v3  }
0x7b: {  	v3 =	vor.u32 v3, v4  }
0x7c: {  	v4 =	vperm.xlane v3, v0;
	_ =	sdelay $0x1  }
0x7d: {  	v4 =	vadd.s32 v1, v4;
	_ =	sdelay $0x3  }
0x7e: {  	s19 =	simm.s32 $0xF400;
	v3 =	vperm.xlane v3, v2  }
0x7f: {  	[tilespmem:s19], [sflag:$0x1] =	stream.indirect_vreg.gather [hbm4b:s4+s2], $0x80, v4, vm0, $0xb8;
	[tilespmem:$0x18400] =	vst v63  }
0x80: {  	s22 =	simm.s32 $0xFC00;
	v3 =	vadd.s32 v1, v3  }
0x81: {  	[tilespmem:s22], [sflag:$0x1] =	stream.indirect_vreg.gather [hbm4b:s5+s2], $0x80, v4, vm0, $0xb8;
	[tilespmem:$0x18400] =	vst v63  }
0x82: {  	s23 =	simm.s32 $0x10400  }
0x83: {  	[tilespmem:s23], [sflag:$0x1] =	stream.indirect_vreg.gather [hbm4b:s6+s2], $0x80, v4, vm0, $0xb8;
	[tilespmem:$0x18400] =	vst v63  }
0x84: {  	s8 =	simm.s32 $0x10C00  }
0x85: {  	[tilespmem:s8], [sflag:$0x1] =	stream.indirect_vreg.gather [hbm4b:s4+s2], $0x80, v3, vm0, $0xb8;
	[tilespmem:$0x18400] =	vst v63  }
0x86: {  	s11 =	simm.s32 $0x11400  }
0x87: {  	[tilespmem:s11], [sflag:$0x1] =	stream.indirect_vreg.gather [hbm4b:s5+s2], $0x80, v3, vm0, $0xb8;
	[tilespmem:$0x18400] =	vst v63  }
0x88: {  	s18 =	simm.s32 $0x11C00  }
0x89: {  	[tilespmem:s18], [sflag:$0x1] =	stream.indirect_vreg.gather [hbm4b:s6+s2], $0x80, v3, vm0, $0xb8;
	[tilespmem:$0x18400] =	vst v63  }
0x8a: {  	v3 =	vld [tilespmem:$0xA0];
	_ =	sdelay $0x4  }
0x8b: {  	v38 =	vshrl.u32 v3, $0x3  }
0x8c: {  	v4 =	vmul.u32 $0x30, v38  }
0x8d: {  	v3 =	vand.u32 $0x7, v3  }
0x8e: {  	v3 =	vor.u32 v3, v4  }
0x8f: {  	v4 =	vperm.xlane v3, v0;
	_ =	sdelay $0x1  }
0x90: {  	v4 =	vadd.s32 v1, v4;
	_ =	sdelay $0x3  }
0x91: {  	s19 =	simm.s32 $0x12400;
	v3 =	vperm.xlane v3, v2  }
0x92: {  	[tilespmem:s19], [sflag:$0x1] =	stream.indirect_vreg.gather [hbm4b:s4+s2], $0x80, v4, vm0, $0xb8;
	[tilespmem:$0x18400] =	vst v63  }
0x93: {  	s22 =	simm.s32 $0x12C00;
	v3 =	vadd.s32 v1, v3  }
0x94: {  	[tilespmem:s22], [sflag:$0x1] =	stream.indirect_vreg.gather [hbm4b:s5+s2], $0x80, v4, vm0, $0xb8;
	[tilespmem:$0x18400] =	vst v63  }
0x95: {  	s23 =	simm.s32 $0x13400  }
0x96: {  	[tilespmem:s23], [sflag:$0x1] =	stream.indirect_vreg.gather [hbm4b:s6+s2], $0x80, v4, vm0, $0xb8;
	[tilespmem:$0x18400] =	vst v63  }
0x97: {  	s8 =	simm.s32 $0x13C00  }
0x98: {  	[tilespmem:s8], [sflag:$0x1] =	stream.indirect_vreg.gather [hbm4b:s4+s2], $0x80, v3, vm0, $0xb8;
	[tilespmem:$0x18400] =	vst v63  }
0x99: {  	s11 =	simm.s32 $0x14400  }
0x9a: {  	[tilespmem:s11], [sflag:$0x1] =	stream.indirect_vreg.gather [hbm4b:s5+s2], $0x80, v3, vm0, $0xb8;
	[tilespmem:$0x18400] =	vst v63  }
0x9b: {  	s22 =	simm.s32 $0x14C00  }
0x9c: {  	[tilespmem:s22], [sflag:$0x1] =	stream.indirect_vreg.gather [hbm4b:s6+s2], $0x80, v3, vm0, $0xb8;
	[tilespmem:$0x18400] =	vst v63  }
0x9d: {  	v3 =	vld [tilespmem:$0xB0];
	_ =	sdelay $0x4  }
0x9e: {  	v39 =	vshrl.u32 v3, $0x3  }
0x9f: {  	v4 =	vmul.u32 $0x30, v39  }
0xa0: {  	v3 =	vand.u32 $0x7, v3  }
0xa1: {  	v3 =	vor.u32 v3, v4  }
0xa2: {  	v4 =	vperm.xlane v3, v0;
	_ =	sdelay $0x1  }
0xa3: {  	v4 =	vadd.s32 v1, v4;
	_ =	sdelay $0x3  }
0xa4: {  	s23 =	simm.s32 $0x15400;
	v3 =	vperm.xlane v3, v2  }
0xa5: {  	[tilespmem:s23], [sflag:$0x1] =	stream.indirect_vreg.gather [hbm4b:s4+s2], $0x80, v4, vm0, $0xb8;
	[tilespmem:$0x18400] =	vst v63  }
0xa6: {  	s8 =	simm.s32 $0x15C00;
	v3 =	vadd.s32 v1, v3  }
0xa7: {  	[tilespmem:s8], [sflag:$0x1] =	stream.indirect_vreg.gather [hbm4b:s5+s2], $0x80, v4, vm0, $0xb8;
	[tilespmem:$0x18400] =	vst v63  }
0xa8: {  	s11 =	simm.s32 $0x16400  }
0xa9: {  	[tilespmem:s11], [sflag:$0x1] =	stream.indirect_vreg.gather [hbm4b:s6+s2], $0x80, v4, vm0, $0xb8;
	[tilespmem:$0x18400] =	vst v63  }
0xaa: {  	s8 =	simm.s32 $0x16C00  }
0xab: {  	[tilespmem:s8], [sflag:$0x1] =	stream.indirect_vreg.gather [hbm4b:s4+s2], $0x80, v3, vm0, $0xb8;
	[tilespmem:$0x18400] =	vst v63  }
0xac: {  	s11 =	simm.s32 $0x17400  }
0xad: {  	[tilespmem:s11], [sflag:$0x1] =	stream.indirect_vreg.gather [hbm4b:s5+s2], $0x80, v3, vm0, $0xb8;
	[tilespmem:$0x18400] =	vst v63  }
0xae: {  	s8 =	simm.s32 $0x17C00  }
0xaf: {  	[tilespmem:s8], [sflag:$0x1] =	stream.indirect_vreg.gather [hbm4b:s6+s2], $0x80, v3, vm0, $0xb8;
	[tilespmem:$0x18400] =	vst v63  }
0xb0: {  	s0 =	rddreg [dreg:$0xb];
	s8 =	simm.s32 $0x400  }
0xb1: {  	[hbm4b:s0+s2] =	stream.linear.scatter [tilespmem:s8], [sflag:$0x2], $0xC000, $0x38;
	[tilespmem:$0x18400] =	vst v63  }
0xb2: {  	_ =	swait.ge [sflag:s3], $0xC000  }
0xb3: {  	[sflag:s3] =	ssyncset.done $0x0  }
0xb4: {  	[sflag:s3] =	ssyncadd.s32 $0xFFFF4000  }
0xb5: {  	_ =	swait.ge [sflag:s10], $0xC000  }
0xb6: {  	[sflag:s10] =	ssyncset.done $0x0  }
0xb7: {  	[sflag:s10] =	ssyncadd.s32 $0xFFFF4000  }
0xb8: {  	v3 =	vld [tilespmem:$0x100];
	_ =	sdelay $0x4  }
0xb9: {  	v40 =	vshrl.u32 v3, $0x3  }
0xba: {  	v4 =	vmul.u32 $0x30, v40  }
0xbb: {  	v3 =	vand.u32 $0x7, v3  }
0xbc: {  	v3 =	vor.u32 v3, v4  }
0xbd: {  	v4 =	vperm.xlane v3, v0;
	_ =	sdelay $0x1  }
0xbe: {  	v4 =	vadd.s32 v1, v4;
	_ =	sdelay $0x3  }
0xbf: {  	v3 =	vperm.xlane v3, v2  }
0xc0: {  	[tilespmem:s8], [sflag:$0x1] =	stream.indirect_vreg.gather [hbm4b:s4+s2], $0x80, v4, vm0, $0xb8;
	[tilespmem:$0x18400] =	vst v63  }
0xc1: {  	s9 =	simm.s32 $0xC00;
	v3 =	vadd.s32 v1, v3  }
0xc2: {  	[tilespmem:s9], [sflag:$0x1] =	stream.indirect_vreg.gather [hbm4b:s5+s2], $0x80, v4, vm0, $0xb8;
	[tilespmem:$0x18400] =	vst v63  }
0xc3: {  	s13 =	simm.s32 $0x1400  }
0xc4: {  	[tilespmem:s13], [sflag:$0x1] =	stream.indirect_vreg.gather [hbm4b:s6+s2], $0x80, v4, vm0, $0xb8;
	[tilespmem:$0x18400] =	vst v63  }
0xc5: {  	s16 =	simm.s32 $0x1C00  }
0xc6: {  	[tilespmem:s16], [sflag:$0x1] =	stream.indirect_vreg.gather [hbm4b:s4+s2], $0x80, v3, vm0, $0xb8;
	[tilespmem:$0x18400] =	vst v63  }
0xc7: {  	s17 =	simm.s32 $0x2400  }
0xc8: {  	[tilespmem:s17], [sflag:$0x1] =	stream.indirect_vreg.gather [hbm4b:s5+s2], $0x80, v3, vm0, $0xb8;
	[tilespmem:$0x18400] =	vst v63  }
0xc9: {  	s25 =	simm.s32 $0x2C00  }
0xca: {  	[tilespmem:s25], [sflag:$0x1] =	stream.indirect_vreg.gather [hbm4b:s6+s2], $0x80, v3, vm0, $0xb8;
	[tilespmem:$0x18400] =	vst v63  }
0xcb: {  	v3 =	vld [tilespmem:$0x110];
	_ =	sdelay $0x4  }
0xcc: {  	v41 =	vshrl.u32 v3, $0x3  }
0xcd: {  	v4 =	vmul.u32 $0x30, v41  }
0xce: {  	v3 =	vand.u32 $0x7, v3  }
0xcf: {  	v3 =	vor.u32 v3, v4  }
0xd0: {  	v4 =	vperm.xlane v3, v0;
	_ =	sdelay $0x1  }
0xd1: {  	v4 =	vadd.s32 v1, v4;
	_ =	sdelay $0x3  }
0xd2: {  	s28 =	simm.s32 $0x3400;
	v3 =	vperm.xlane v3, v2  }
0xd3: {  	[tilespmem:s28], [sflag:$0x1] =	stream.indirect_vreg.gather [hbm4b:s4+s2], $0x80, v4, vm0, $0xb8;
	[tilespmem:$0x18400] =	vst v63  }
0xd4: {  	s20 =	simm.s32 $0x3C00;
	v3 =	vadd.s32 v1, v3  }
0xd5: {  	[tilespmem:s20], [sflag:$0x1] =	stream.indirect_vreg.gather [hbm4b:s5+s2], $0x80, v4, vm0, $0xb8;
	[tilespmem:$0x18400] =	vst v63  }
0xd6: {  	s21 =	simm.s32 $0x4400  }
0xd7: {  	[tilespmem:s21], [sflag:$0x1] =	stream.indirect_vreg.gather [hbm4b:s6+s2], $0x80, v4, vm0, $0xb8;
	[tilespmem:$0x18400] =	vst v63  }
0xd8: {  	s24 =	simm.s32 $0x4C00  }
0xd9: {  	[tilespmem:s24], [sflag:$0x1] =	stream.indirect_vreg.gather [hbm4b:s4+s2], $0x80, v3, vm0, $0xb8;
	[tilespmem:$0x18400] =	vst v63  }
0xda: {  	s25 =	simm.s32 $0x5400  }
0xdb: {  	[tilespmem:s25], [sflag:$0x1] =	stream.indirect_vreg.gather [hbm4b:s5+s2], $0x80, v3, vm0, $0xb8;
	[tilespmem:$0x18400] =	vst v63  }
0xdc: {  	s29 =	simm.s32 $0x5C00  }
0xdd: {  	[tilespmem:s29], [sflag:$0x1] =	stream.indirect_vreg.gather [hbm4b:s6+s2], $0x80, v3, vm0, $0xb8;
	[tilespmem:$0x18400] =	vst v63  }
0xde: {  	v3 =	vld [tilespmem:$0x120];
	_ =	sdelay $0x4  }
0xdf: {  	v42 =	vshrl.u32 v3, $0x3  }
0xe0: {  	v4 =	vmul.u32 $0x30, v42  }
0xe1: {  	v3 =	vand.u32 $0x7, v3  }
0xe2: {  	v3 =	vor.u32 v3, v4  }
0xe3: {  	v4 =	vperm.xlane v3, v0;
	_ =	sdelay $0x1  }
0xe4: {  	v4 =	vadd.s32 v1, v4;
	_ =	sdelay $0x3  }
0xe5: {  	s30 =	simm.s32 $0x6400;
	v3 =	vperm.xlane v3, v2  }
0xe6: {  	[tilespmem:s30], [sflag:$0x1] =	stream.indirect_vreg.gather [hbm4b:s4+s2], $0x80, v4, vm0, $0xb8;
	[tilespmem:$0x18400] =	vst v63  }
0xe7: {  	s28 =	simm.s32 $0x6C00;
	v3 =	vadd.s32 v1, v3  }
0xe8: {  	[tilespmem:s28], [sflag:$0x1] =	stream.indirect_vreg.gather [hbm4b:s5+s2], $0x80, v4, vm0, $0xb8;
	[tilespmem:$0x18400] =	vst v63  }
0xe9: {  	s29 =	simm.s32 $0x7400  }
0xea: {  	[tilespmem:s29], [sflag:$0x1] =	stream.indirect_vreg.gather [hbm4b:s6+s2], $0x80, v4, vm0, $0xb8;
	[tilespmem:$0x18400] =	vst v63  }
0xeb: {  	s30 =	simm.s32 $0x7C00  }
0xec: {  	[tilespmem:s30], [sflag:$0x1] =	stream.indirect_vreg.gather [hbm4b:s4+s2], $0x80, v3, vm0, $0xb8;
	[tilespmem:$0x18400] =	vst v63  }
0xed: {  	s12 =	simm.s32 $0x8400  }
0xee: {  	[tilespmem:s12], [sflag:$0x1] =	stream.indirect_vreg.gather [hbm4b:s5+s2], $0x80, v3, vm0, $0xb8;
	[tilespmem:$0x18400] =	vst v63  }
0xef: {  	s31 =	simm.s32 $0x8C00  }
0xf0: {  	[tilespmem:s31], [sflag:$0x1] =	stream.indirect_vreg.gather [hbm4b:s6+s2], $0x80, v3, vm0, $0xb8;
	[tilespmem:$0x18400] =	vst v63  }
0xf1: {  	v3 =	vld [tilespmem:$0x130];
	_ =	sdelay $0x4  }
0xf2: {  	v43 =	vshrl.u32 v3, $0x3  }
0xf3: {  	v4 =	vmul.u32 $0x30, v43  }
0xf4: {  	v3 =	vand.u32 $0x7, v3  }
0xf5: {  	v3 =	vor.u32 v3, v4  }
0xf6: {  	v4 =	vperm.xlane v3, v0;
	_ =	sdelay $0x1  }
0xf7: {  	v4 =	vadd.s32 v1, v4;
	_ =	sdelay $0x3  }
0xf8: {  	s8 =	simm.s32 $0x9400;
	v3 =	vperm.xlane v3, v2  }
0xf9: {  	[tilespmem:s8], [sflag:$0x1] =	stream.indirect_vreg.gather [hbm4b:s4+s2], $0x80, v4, vm0, $0xb8;
	[tilespmem:$0x18400] =	vst v63  }
0xfa: {  	s26 =	simm.s32 $0x9C00;
	v3 =	vadd.s32 v1, v3  }
0xfb: {  	[tilespmem:s26], [sflag:$0x1] =	stream.indirect_vreg.gather [hbm4b:s5+s2], $0x80, v4, vm0, $0xb8;
	[tilespmem:$0x18400] =	vst v63  }
0xfc: {  	s31 =	simm.s32 $0xA400  }
0xfd: {  	[tilespmem:s31], [sflag:$0x1] =	stream.indirect_vreg.gather [hbm4b:s6+s2], $0x80, v4, vm0, $0xb8;
	[tilespmem:$0x18400] =	vst v63  }
0xfe: {  	s26 =	simm.s32 $0xAC00  }
0xff: {  	[tilespmem:s26], [sflag:$0x1] =	stream.indirect_vreg.gather [hbm4b:s4+s2], $0x80, v3, vm0, $0xb8;
	[tilespmem:$0x18400] =	vst v63  }
0x100: {  	s12 =	simm.s32 $0xB400  }
0x101: {  	[tilespmem:s12], [sflag:$0x1] =	stream.indirect_vreg.gather [hbm4b:s5+s2], $0x80, v3, vm0, $0xb8;
	[tilespmem:$0x18400] =	vst v63  }
0x102: {  	s1 =	simm.s32 $0xBC00  }
0x103: {  	[tilespmem:s1], [sflag:$0x1] =	stream.indirect_vreg.gather [hbm4b:s6+s2], $0x80, v3, vm0, $0xb8;
	[tilespmem:$0x18400] =	vst v63  }
0x104: {  	s0 =	rddreg [dreg:$0x4];
	s1 =	simm.s32 $0xC400  }
0x105: {  	[hbm4b:s0+s2] =	stream.linear.scatter [tilespmem:s1], [sflag:$0x2], $0xC000, $0x38;
	[tilespmem:$0x18400] =	vst v63  }
0x106: {  	_ =	swait.ge [sflag:s3], $0xC000  }
0x107: {  	[sflag:s3] =	ssyncset.done $0x0  }
0x108: {  	[sflag:s3] =	ssyncadd.s32 $0xFFFF4000  }
0x109: {  	_ =	swait.ge [sflag:s10], $0xC000  }
0x10a: {  	[sflag:s10] =	ssyncset.done $0x0  }
0x10b: {  	[sflag:s10] =	ssyncadd.s32 $0xFFFF4000  }
0x10c: {  	v3 =	vld [tilespmem:$0x180];
	_ =	sdelay $0x4  }
0x10d: {  	v44 =	vshrl.u32 v3, $0x3  }
0x10e: {  	v4 =	vmul.u32 $0x30, v44  }
0x10f: {  	v3 =	vand.u32 $0x7, v3  }
0x110: {  	v3 =	vor.u32 v3, v4  }
0x111: {  	v4 =	vperm.xlane v3, v0;
	_ =	sdelay $0x1  }
0x112: {  	v4 =	vadd.s32 v1, v4;
	_ =	sdelay $0x3  }
0x113: {  	v3 =	vperm.xlane v3, v2  }
0x114: {  	[tilespmem:s1], [sflag:$0x1] =	stream.indirect_vreg.gather [hbm4b:s4+s2], $0x80, v4, vm0, $0xb8;
	[tilespmem:$0x18400] =	vst v63  }
0x115: {  	s9 =	simm.s32 $0xCC00;
	v3 =	vadd.s32 v1, v3  }
0x116: {  	[tilespmem:s9], [sflag:$0x1] =	stream.indirect_vreg.gather [hbm4b:s5+s2], $0x80, v4, vm0, $0xb8;
	[tilespmem:$0x18400] =	vst v63  }
0x117: {  	s1 =	simm.s32 $0xD400  }
0x118: {  	[tilespmem:s1], [sflag:$0x1] =	stream.indirect_vreg.gather [hbm4b:s6+s2], $0x80, v4, vm0, $0xb8;
	[tilespmem:$0x18400] =	vst v63  }
0x119: {  	s9 =	simm.s32 $0xDC00  }
0x11a: {  	[tilespmem:s9], [sflag:$0x1] =	stream.indirect_vreg.gather [hbm4b:s4+s2], $0x80, v3, vm0, $0xb8;
	[tilespmem:$0x18400] =	vst v63  }
0x11b: {  	s13 =	simm.s32 $0xE400  }
0x11c: {  	[tilespmem:s13], [sflag:$0x1] =	stream.indirect_vreg.gather [hbm4b:s5+s2], $0x80, v3, vm0, $0xb8;
	[tilespmem:$0x18400] =	vst v63  }
0x11d: {  	s14 =	simm.s32 $0xEC00  }
0x11e: {  	[tilespmem:s14], [sflag:$0x1] =	stream.indirect_vreg.gather [hbm4b:s6+s2], $0x80, v3, vm0, $0xb8;
	[tilespmem:$0x18400] =	vst v63  }
0x11f: {  	v3 =	vld [tilespmem:$0x190];
	_ =	sdelay $0x4  }
0x120: {  	v45 =	vshrl.u32 v3, $0x3  }
0x121: {  	v4 =	vmul.u32 $0x30, v45  }
0x122: {  	v3 =	vand.u32 $0x7, v3  }
0x123: {  	v3 =	vor.u32 v3, v4  }
0x124: {  	v4 =	vperm.xlane v3, v0;
	_ =	sdelay $0x1  }
0x125: {  	v4 =	vadd.s32 v1, v4;
	_ =	sdelay $0x3  }
0x126: {  	s15 =	simm.s32 $0xF400;
	v3 =	vperm.xlane v3, v2  }
0x127: {  	[tilespmem:s15], [sflag:$0x1] =	stream.indirect_vreg.gather [hbm4b:s4+s2], $0x80, v4, vm0, $0xb8;
	[tilespmem:$0x18400] =	vst v63  }
0x128: {  	s14 =	simm.s32 $0xFC00;
	v3 =	vadd.s32 v1, v3  }
0x129: {  	[tilespmem:s14], [sflag:$0x1] =	stream.indirect_vreg.gather [hbm4b:s5+s2], $0x80, v4, vm0, $0xb8;
	[tilespmem:$0x18400] =	vst v63  }
0x12a: {  	s15 =	simm.s32 $0x10400  }
0x12b: {  	[tilespmem:s15], [sflag:$0x1] =	stream.indirect_vreg.gather [hbm4b:s6+s2], $0x80, v4, vm0, $0xb8;
	[tilespmem:$0x18400] =	vst v63  }
0x12c: {  	s16 =	simm.s32 $0x10C00  }
0x12d: {  	[tilespmem:s16], [sflag:$0x1] =	stream.indirect_vreg.gather [hbm4b:s4+s2], $0x80, v3, vm0, $0xb8;
	[tilespmem:$0x18400] =	vst v63  }
0x12e: {  	s17 =	simm.s32 $0x11400  }
0x12f: {  	[tilespmem:s17], [sflag:$0x1] =	stream.indirect_vreg.gather [hbm4b:s5+s2], $0x80, v3, vm0, $0xb8;
	[tilespmem:$0x18400] =	vst v63  }
0x130: {  	s18 =	simm.s32 $0x11C00  }
0x131: {  	[tilespmem:s18], [sflag:$0x1] =	stream.indirect_vreg.gather [hbm4b:s6+s2], $0x80, v3, vm0, $0xb8;
	[tilespmem:$0x18400] =	vst v63  }
0x132: {  	v3 =	vld [tilespmem:$0x1A0];
	_ =	sdelay $0x4  }
0x133: {  	v46 =	vshrl.u32 v3, $0x3  }
0x134: {  	v4 =	vmul.u32 $0x30, v46  }
0x135: {  	v3 =	vand.u32 $0x7, v3  }
0x136: {  	v3 =	vor.u32 v3, v4  }
0x137: {  	v4 =	vperm.xlane v3, v0;
	_ =	sdelay $0x1  }
0x138: {  	v4 =	vadd.s32 v1, v4;
	_ =	sdelay $0x3  }
0x139: {  	s19 =	simm.s32 $0x12400;
	v3 =	vperm.xlane v3, v2  }
0x13a: {  	[tilespmem:s19], [sflag:$0x1] =	stream.indirect_vreg.gather [hbm4b:s4+s2], $0x80, v4, vm0, $0xb8;
	[tilespmem:$0x18400] =	vst v63  }
0x13b: {  	s18 =	simm.s32 $0x12C00;
	v3 =	vadd.s32 v1, v3  }
0x13c: {  	[tilespmem:s18], [sflag:$0x1] =	stream.indirect_vreg.gather [hbm4b:s5+s2], $0x80, v4, vm0, $0xb8;
	[tilespmem:$0x18400] =	vst v63  }
0x13d: {  	s19 =	simm.s32 $0x13400  }
0x13e: {  	[tilespmem:s19], [sflag:$0x1] =	stream.indirect_vreg.gather [hbm4b:s6+s2], $0x80, v4, vm0, $0xb8;
	[tilespmem:$0x18400] =	vst v63  }
0x13f: {  	s20 =	simm.s32 $0x13C00  }
0x140: {  	[tilespmem:s20], [sflag:$0x1] =	stream.indirect_vreg.gather [hbm4b:s4+s2], $0x80, v3, vm0, $0xb8;
	[tilespmem:$0x18400] =	vst v63  }
0x141: {  	s21 =	simm.s32 $0x14400  }
0x142: {  	[tilespmem:s21], [sflag:$0x1] =	stream.indirect_vreg.gather [hbm4b:s5+s2], $0x80, v3, vm0, $0xb8;
	[tilespmem:$0x18400] =	vst v63  }
0x143: {  	s22 =	simm.s32 $0x14C00  }
0x144: {  	[tilespmem:s22], [sflag:$0x1] =	stream.indirect_vreg.gather [hbm4b:s6+s2], $0x80, v3, vm0, $0xb8;
	[tilespmem:$0x18400] =	vst v63  }
0x145: {  	v3 =	vld [tilespmem:$0x1B0];
	_ =	sdelay $0x4  }
0x146: {  	v47 =	vshrl.u32 v3, $0x3  }
0x147: {  	v4 =	vmul.u32 $0x30, v47  }
0x148: {  	v3 =	vand.u32 $0x7, v3  }
0x149: {  	v3 =	vor.u32 v3, v4  }
0x14a: {  	v4 =	vperm.xlane v3, v0;
	_ =	sdelay $0x1  }
0x14b: {  	v4 =	vadd.s32 v1, v4;
	_ =	sdelay $0x3  }
0x14c: {  	s23 =	simm.s32 $0x15400;
	v3 =	vperm.xlane v3, v2  }
0x14d: {  	[tilespmem:s23], [sflag:$0x1] =	stream.indirect_vreg.gather [hbm4b:s4+s2], $0x80, v4, vm0, $0xb8;
	[tilespmem:$0x18400] =	vst v63  }
0x14e: {  	s22 =	simm.s32 $0x15C00;
	v3 =	vadd.s32 v1, v3  }
0x14f: {  	[tilespmem:s22], [sflag:$0x1] =	stream.indirect_vreg.gather [hbm4b:s5+s2], $0x80, v4, vm0, $0xb8;
	[tilespmem:$0x18400] =	vst v63  }
0x150: {  	s23 =	simm.s32 $0x16400  }
0x151: {  	[tilespmem:s23], [sflag:$0x1] =	stream.indirect_vreg.gather [hbm4b:s6+s2], $0x80, v4, vm0, $0xb8;
	[tilespmem:$0x18400] =	vst v63  }
0x152: {  	s24 =	simm.s32 $0x16C00  }
0x153: {  	[tilespmem:s24], [sflag:$0x1] =	stream.indirect_vreg.gather [hbm4b:s4+s2], $0x80, v3, vm0, $0xb8;
	[tilespmem:$0x18400] =	vst v63  }
0x154: {  	s11 =	simm.s32 $0x17400  }
0x155: {  	[tilespmem:s11], [sflag:$0x1] =	stream.indirect_vreg.gather [hbm4b:s5+s2], $0x80, v3, vm0, $0xb8;
	[tilespmem:$0x18400] =	vst v63  }
0x156: {  	s0 =	simm.s32 $0x17C00  }
0x157: {  	[tilespmem:s0], [sflag:$0x1] =	stream.indirect_vreg.gather [hbm4b:s6+s2], $0x80, v3, vm0, $0xb8;
	[tilespmem:$0x18400] =	vst v63  }
0x158: {  	s11 =	rddreg [dreg:$0x5];
	s0 =	simm.s32 $0x400  }
0x159: {  	[hbm4b:s11+s2] =	stream.linear.scatter [tilespmem:s0], [sflag:$0x2], $0xC000, $0x38;
	[tilespmem:$0x18400] =	vst v63  }
0x15a: {  	_ =	swait.ge [sflag:s3], $0xC000  }
0x15b: {  	[sflag:s3] =	ssyncset.done $0x0  }
0x15c: {  	[sflag:s3] =	ssyncadd.s32 $0xFFFF4000  }
0x15d: {  	_ =	swait.ge [sflag:s10], $0xC000  }
0x15e: {  	[sflag:s10] =	ssyncset.done $0x0  }
0x15f: {  	[sflag:s10] =	ssyncadd.s32 $0xFFFF4000  }
0x160: {  	v3 =	vld [tilespmem:$0x200];
	_ =	sdelay $0x4  }
0x161: {  	v48 =	vshrl.u32 v3, $0x3  }
0x162: {  	v4 =	vmul.u32 $0x30, v48  }
0x163: {  	v3 =	vand.u32 $0x7, v3  }
0x164: {  	v3 =	vor.u32 v3, v4  }
0x165: {  	v4 =	vperm.xlane v3, v0;
	_ =	sdelay $0x1  }
0x166: {  	v4 =	vadd.s32 v1, v4;
	_ =	sdelay $0x3  }
0x167: {  	v3 =	vperm.xlane v3, v2  }
0x168: {  	[tilespmem:s0], [sflag:$0x1] =	stream.indirect_vreg.gather [hbm4b:s4+s2], $0x80, v4, vm0, $0xb8;
	[tilespmem:$0x18400] =	vst v63  }
0x169: {  	s11 =	simm.s32 $0xC00;
	v3 =	vadd.s32 v1, v3  }
0x16a: {  	[tilespmem:s11], [sflag:$0x1] =	stream.indirect_vreg.gather [hbm4b:s5+s2], $0x80, v4, vm0, $0xb8;
	[tilespmem:$0x18400] =	vst v63  }
0x16b: {  	s11 =	simm.s32 $0x1400  }
0x16c: {  	[tilespmem:s11], [sflag:$0x1] =	stream.indirect_vreg.gather [hbm4b:s6+s2], $0x80, v4, vm0, $0xb8;
	[tilespmem:$0x18400] =	vst v63  }
0x16d: {  	s11 =	simm.s32 $0x1C00  }
0x16e: {  	[tilespmem:s11], [sflag:$0x1] =	stream.indirect_vreg.gather [hbm4b:s4+s2], $0x80, v3, vm0, $0xb8;
	[tilespmem:$0x18400] =	vst v63  }
0x16f: {  	s11 =	simm.s32 $0x2400  }
0x170: {  	[tilespmem:s11], [sflag:$0x1] =	stream.indirect_vreg.gather [hbm4b:s5+s2], $0x80, v3, vm0, $0xb8;
	[tilespmem:$0x18400] =	vst v63  }
0x171: {  	s11 =	simm.s32 $0x2C00  }
0x172: {  	[tilespmem:s11], [sflag:$0x1] =	stream.indirect_vreg.gather [hbm4b:s6+s2], $0x80, v3, vm0, $0xb8;
	[tilespmem:$0x18400] =	vst v63  }
0x173: {  	v3 =	vld [tilespmem:$0x210];
	_ =	sdelay $0x4  }
0x174: {  	v49 =	vshrl.u32 v3, $0x3  }
0x175: {  	v4 =	vmul.u32 $0x30, v49  }
0x176: {  	v3 =	vand.u32 $0x7, v3  }
0x177: {  	v3 =	vor.u32 v3, v4  }
0x178: {  	v4 =	vperm.xlane v3, v0;
	_ =	sdelay $0x1  }
0x179: {  	v4 =	vadd.s32 v1, v4;
	_ =	sdelay $0x3  }
0x17a: {  	s11 =	simm.s32 $0x3400;
	v3 =	vperm.xlane v3, v2  }
0x17b: {  	[tilespmem:s11], [sflag:$0x1] =	stream.indirect_vreg.gather [hbm4b:s4+s2], $0x80, v4, vm0, $0xb8;
	[tilespmem:$0x18400] =	vst v63  }
0x17c: {  	v3 =	vadd.s32 v1, v3;
	s11 =	simm.s32 $0x3C00  }
0x17d: {  	[tilespmem:s11], [sflag:$0x1] =	stream.indirect_vreg.gather [hbm4b:s5+s2], $0x80, v4, vm0, $0xb8;
	[tilespmem:$0x18400] =	vst v63  }
0x17e: {  	s11 =	simm.s32 $0x4400  }
0x17f: {  	[tilespmem:s11], [sflag:$0x1] =	stream.indirect_vreg.gather [hbm4b:s6+s2], $0x80, v4, vm0, $0xb8;
	[tilespmem:$0x18400] =	vst v63  }
0x180: {  	s11 =	simm.s32 $0x4C00  }
0x181: {  	[tilespmem:s11], [sflag:$0x1] =	stream.indirect_vreg.gather [hbm4b:s4+s2], $0x80, v3, vm0, $0xb8;
	[tilespmem:$0x18400] =	vst v63  }
0x182: {  	_ = 	snop  }
0x183: {  	[tilespmem:s25], [sflag:$0x1] =	stream.indirect_vreg.gather [hbm4b:s5+s2], $0x80, v3, vm0, $0xb8;
	[tilespmem:$0x18400] =	vst v63  }
0x184: {  	s11 =	simm.s32 $0x5C00  }
0x185: {  	[tilespmem:s11], [sflag:$0x1] =	stream.indirect_vreg.gather [hbm4b:s6+s2], $0x80, v3, vm0, $0xb8;
	[tilespmem:$0x18400] =	vst v63  }
0x186: {  	v3 =	vld [tilespmem:$0x220];
	_ =	sdelay $0x4  }
0x187: {  	v50 =	vshrl.u32 v3, $0x3  }
0x188: {  	v4 =	vmul.u32 $0x30, v50  }
0x189: {  	v3 =	vand.u32 $0x7, v3  }
0x18a: {  	v3 =	vor.u32 v3, v4  }
0x18b: {  	v4 =	vperm.xlane v3, v0;
	_ =	sdelay $0x1  }
0x18c: {  	v4 =	vadd.s32 v1, v4;
	_ =	sdelay $0x3  }
0x18d: {  	s11 =	simm.s32 $0x6400;
	v3 =	vperm.xlane v3, v2  }
0x18e: {  	[tilespmem:s11], [sflag:$0x1] =	stream.indirect_vreg.gather [hbm4b:s4+s2], $0x80, v4, vm0, $0xb8;
	[tilespmem:$0x18400] =	vst v63  }
0x18f: {  	v3 =	vadd.s32 v1, v3  }
0x190: {  	[tilespmem:s28], [sflag:$0x1] =	stream.indirect_vreg.gather [hbm4b:s5+s2], $0x80, v4, vm0, $0xb8;
	[tilespmem:$0x18400] =	vst v63  }
0x191: {  	_ = 	snop  }
0x192: {  	[tilespmem:s29], [sflag:$0x1] =	stream.indirect_vreg.gather [hbm4b:s6+s2], $0x80, v4, vm0, $0xb8;
	[tilespmem:$0x18400] =	vst v63  }
0x193: {  	_ = 	snop  }
0x194: {  	[tilespmem:s30], [sflag:$0x1] =	stream.indirect_vreg.gather [hbm4b:s4+s2], $0x80, v3, vm0, $0xb8;
	[tilespmem:$0x18400] =	vst v63  }
0x195: {  	s11 =	simm.s32 $0x8400  }
0x196: {  	[tilespmem:s11], [sflag:$0x1] =	stream.indirect_vreg.gather [hbm4b:s5+s2], $0x80, v3, vm0, $0xb8;
	[tilespmem:$0x18400] =	vst v63  }
0x197: {  	s30 =	simm.s32 $0x8C00  }
0x198: {  	[tilespmem:s30], [sflag:$0x1] =	stream.indirect_vreg.gather [hbm4b:s6+s2], $0x80, v3, vm0, $0xb8;
	[tilespmem:$0x18400] =	vst v63  }
0x199: {  	v3 =	vld [tilespmem:$0x230];
	_ =	sdelay $0x4  }
0x19a: {  	v51 =	vshrl.u32 v3, $0x3  }
0x19b: {  	v4 =	vmul.u32 $0x30, v51  }
0x19c: {  	v3 =	vand.u32 $0x7, v3  }
0x19d: {  	v3 =	vor.u32 v3, v4  }
0x19e: {  	v4 =	vperm.xlane v3, v0;
	_ =	sdelay $0x1  }
0x19f: {  	v4 =	vadd.s32 v1, v4;
	_ =	sdelay $0x3  }
0x1a0: {  	v3 =	vperm.xlane v3, v2  }
0x1a1: {  	[tilespmem:s8], [sflag:$0x1] =	stream.indirect_vreg.gather [hbm4b:s4+s2], $0x80, v4, vm0, $0xb8;
	[tilespmem:$0x18400] =	vst v63  }
0x1a2: {  	s11 =	simm.s32 $0x9C00;
	v3 =	vadd.s32 v1, v3  }
0x1a3: {  	[tilespmem:s11], [sflag:$0x1] =	stream.indirect_vreg.gather [hbm4b:s5+s2], $0x80, v4, vm0, $0xb8;
	[tilespmem:$0x18400] =	vst v63  }
0x1a4: {  	_ = 	snop  }
0x1a5: {  	[tilespmem:s31], [sflag:$0x1] =	stream.indirect_vreg.gather [hbm4b:s6+s2], $0x80, v4, vm0, $0xb8;
	[tilespmem:$0x18400] =	vst v63  }
0x1a6: {  	_ = 	snop  }
0x1a7: {  	[tilespmem:s26], [sflag:$0x1] =	stream.indirect_vreg.gather [hbm4b:s4+s2], $0x80, v3, vm0, $0xb8;
	[tilespmem:$0x18400] =	vst v63  }
0x1a8: {  	_ = 	snop  }
0x1a9: {  	[tilespmem:s12], [sflag:$0x1] =	stream.indirect_vreg.gather [hbm4b:s5+s2], $0x80, v3, vm0, $0xb8;
	[tilespmem:$0x18400] =	vst v63  }
0x1aa: {  	s26 =	simm.s32 $0xBC00  }
0x1ab: {  	[tilespmem:s26], [sflag:$0x1] =	stream.indirect_vreg.gather [hbm4b:s6+s2], $0x80, v3, vm0, $0xb8;
	[tilespmem:$0x18400] =	vst v63  }
0x1ac: {  	s8 =	simm.s32 $0xC400;
	s11 =	rddreg [dreg:$0x6]  }
0x1ad: {  	[hbm4b:s11+s2] =	stream.linear.scatter [tilespmem:s8], [sflag:$0x2], $0xC000, $0x38;
	[tilespmem:$0x18400] =	vst v63  }
0x1ae: {  	_ =	swait.ge [sflag:s3], $0xC000  }
0x1af: {  	[sflag:s3] =	ssyncset.done $0x0  }
0x1b0: {  	[sflag:s3] =	ssyncadd.s32 $0xFFFF4000  }
0x1b1: {  	_ =	swait.ge [sflag:s10], $0xC000  }
0x1b2: {  	[sflag:s10] =	ssyncset.done $0x0  }
0x1b3: {  	[sflag:s10] =	ssyncadd.s32 $0xFFFF4000  }
0x1b4: {  	v3 =	vld [tilespmem:$0x280];
	_ =	sdelay $0x4  }
0x1b5: {  	v52 =	vshrl.u32 v3, $0x3  }
0x1b6: {  	v4 =	vmul.u32 $0x30, v52  }
0x1b7: {  	v3 =	vand.u32 $0x7, v3  }
0x1b8: {  	v3 =	vor.u32 v3, v4  }
0x1b9: {  	v4 =	vperm.xlane v3, v0;
	_ =	sdelay $0x1  }
0x1ba: {  	v4 =	vadd.s32 v1, v4;
	_ =	sdelay $0x3  }
0x1bb: {  	v3 =	vperm.xlane v3, v2  }
0x1bc: {  	[tilespmem:s8], [sflag:$0x1] =	stream.indirect_vreg.gather [hbm4b:s4+s2], $0x80, v4, vm0, $0xb8;
	[tilespmem:$0x18400] =	vst v63  }
0x1bd: {  	s26 =	simm.s32 $0xCC00;
	v3 =	vadd.s32 v1, v3  }
0x1be: {  	[tilespmem:s26], [sflag:$0x1] =	stream.indirect_vreg.gather [hbm4b:s5+s2], $0x80, v4, vm0, $0xb8;
	[tilespmem:$0x18400] =	vst v63  }
0x1bf: {  	_ = 	snop  }
0x1c0: {  	[tilespmem:s1], [sflag:$0x1] =	stream.indirect_vreg.gather [hbm4b:s6+s2], $0x80, v4, vm0, $0xb8;
	[tilespmem:$0x18400] =	vst v63  }
0x1c1: {  	_ = 	snop  }
0x1c2: {  	[tilespmem:s9], [sflag:$0x1] =	stream.indirect_vreg.gather [hbm4b:s4+s2], $0x80, v3, vm0, $0xb8;
	[tilespmem:$0x18400] =	vst v63  }
0x1c3: {  	_ = 	snop  }
0x1c4: {  	[tilespmem:s13], [sflag:$0x1] =	stream.indirect_vreg.gather [hbm4b:s5+s2], $0x80, v3, vm0, $0xb8;
	[tilespmem:$0x18400] =	vst v63  }
0x1c5: {  	s11 =	simm.s32 $0xEC00  }
0x1c6: {  	[tilespmem:s11], [sflag:$0x1] =	stream.indirect_vreg.gather [hbm4b:s6+s2], $0x80, v3, vm0, $0xb8;
	[tilespmem:$0x18400] =	vst v63  }
0x1c7: {  	v3 =	vld [tilespmem:$0x290];
	_ =	sdelay $0x4  }
0x1c8: {  	v53 =	vshrl.u32 v3, $0x3  }
0x1c9: {  	v4 =	vmul.u32 $0x30, v53  }
0x1ca: {  	v3 =	vand.u32 $0x7, v3  }
0x1cb: {  	v3 =	vor.u32 v3, v4  }
0x1cc: {  	v4 =	vperm.xlane v3, v0;
	_ =	sdelay $0x1  }
0x1cd: {  	v4 =	vadd.s32 v1, v4;
	_ =	sdelay $0x3  }
0x1ce: {  	s13 =	simm.s32 $0xF400;
	v3 =	vperm.xlane v3, v2  }
0x1cf: {  	[tilespmem:s13], [sflag:$0x1] =	stream.indirect_vreg.gather [hbm4b:s4+s2], $0x80, v4, vm0, $0xb8;
	[tilespmem:$0x18400] =	vst v63  }
0x1d0: {  	v3 =	vadd.s32 v1, v3  }
0x1d1: {  	[tilespmem:s14], [sflag:$0x1] =	stream.indirect_vreg.gather [hbm4b:s5+s2], $0x80, v4, vm0, $0xb8;
	[tilespmem:$0x18400] =	vst v63  }
0x1d2: {  	_ = 	snop  }
0x1d3: {  	[tilespmem:s15], [sflag:$0x1] =	stream.indirect_vreg.gather [hbm4b:s6+s2], $0x80, v4, vm0, $0xb8;
	[tilespmem:$0x18400] =	vst v63  }
0x1d4: {  	_ = 	snop  }
0x1d5: {  	[tilespmem:s16], [sflag:$0x1] =	stream.indirect_vreg.gather [hbm4b:s4+s2], $0x80, v3, vm0, $0xb8;
	[tilespmem:$0x18400] =	vst v63  }
0x1d6: {  	_ = 	snop  }
0x1d7: {  	[tilespmem:s17], [sflag:$0x1] =	stream.indirect_vreg.gather [hbm4b:s5+s2], $0x80, v3, vm0, $0xb8;
	[tilespmem:$0x18400] =	vst v63  }
0x1d8: {  	s17 =	simm.s32 $0x11C00  }
0x1d9: {  	[tilespmem:s17], [sflag:$0x1] =	stream.indirect_vreg.gather [hbm4b:s6+s2], $0x80, v3, vm0, $0xb8;
	[tilespmem:$0x18400] =	vst v63  }
0x1da: {  	v3 =	vld [tilespmem:$0x2A0];
	_ =	sdelay $0x4  }
0x1db: {  	v54 =	vshrl.u32 v3, $0x3  }
0x1dc: {  	v4 =	vmul.u32 $0x30, v54  }
0x1dd: {  	v3 =	vand.u32 $0x7, v3  }
0x1de: {  	v3 =	vor.u32 v3, v4  }
0x1df: {  	v4 =	vperm.xlane v3, v0;
	_ =	sdelay $0x1  }
0x1e0: {  	v4 =	vadd.s32 v1, v4;
	_ =	sdelay $0x3  }
0x1e1: {  	s1 =	simm.s32 $0x12400;
	v3 =	vperm.xlane v3, v2  }
0x1e2: {  	[tilespmem:s1], [sflag:$0x1] =	stream.indirect_vreg.gather [hbm4b:s4+s2], $0x80, v4, vm0, $0xb8;
	[tilespmem:$0x18400] =	vst v63  }
0x1e3: {  	v3 =	vadd.s32 v1, v3  }
0x1e4: {  	[tilespmem:s18], [sflag:$0x1] =	stream.indirect_vreg.gather [hbm4b:s5+s2], $0x80, v4, vm0, $0xb8;
	[tilespmem:$0x18400] =	vst v63  }
0x1e5: {  	_ = 	snop  }
0x1e6: {  	[tilespmem:s19], [sflag:$0x1] =	stream.indirect_vreg.gather [hbm4b:s6+s2], $0x80, v4, vm0, $0xb8;
	[tilespmem:$0x18400] =	vst v63  }
0x1e7: {  	_ = 	snop  }
0x1e8: {  	[tilespmem:s20], [sflag:$0x1] =	stream.indirect_vreg.gather [hbm4b:s4+s2], $0x80, v3, vm0, $0xb8;
	[tilespmem:$0x18400] =	vst v63  }
0x1e9: {  	_ = 	snop  }
0x1ea: {  	[tilespmem:s21], [sflag:$0x1] =	stream.indirect_vreg.gather [hbm4b:s5+s2], $0x80, v3, vm0, $0xb8;
	[tilespmem:$0x18400] =	vst v63  }
0x1eb: {  	s11 =	simm.s32 $0x14C00  }
0x1ec: {  	[tilespmem:s11], [sflag:$0x1] =	stream.indirect_vreg.gather [hbm4b:s6+s2], $0x80, v3, vm0, $0xb8;
	[tilespmem:$0x18400] =	vst v63  }
0x1ed: {  	v3 =	vld [tilespmem:$0x2B0];
	_ =	sdelay $0x4  }
0x1ee: {  	v55 =	vshrl.u32 v3, $0x3  }
0x1ef: {  	v4 =	vmul.u32 $0x30, v55  }
0x1f0: {  	v3 =	vand.u32 $0x7, v3  }
0x1f1: {  	v3 =	vor.u32 v3, v4  }
0x1f2: {  	v4 =	vperm.xlane v3, v0;
	_ =	sdelay $0x1  }
0x1f3: {  	v4 =	vadd.s32 v1, v4;
	_ =	sdelay $0x3  }
0x1f4: {  	s21 =	simm.s32 $0x15400;
	v3 =	vperm.xlane v3, v2  }
0x1f5: {  	[tilespmem:s21], [sflag:$0x1] =	stream.indirect_vreg.gather [hbm4b:s4+s2], $0x80, v4, vm0, $0xb8;
	[tilespmem:$0x18400] =	vst v63  }
0x1f6: {  	v3 =	vadd.s32 v1, v3  }
0x1f7: {  	[tilespmem:s22], [sflag:$0x1] =	stream.indirect_vreg.gather [hbm4b:s5+s2], $0x80, v4, vm0, $0xb8;
	[tilespmem:$0x18400] =	vst v63  }
0x1f8: {  	_ = 	snop  }
0x1f9: {  	[tilespmem:s23], [sflag:$0x1] =	stream.indirect_vreg.gather [hbm4b:s6+s2], $0x80, v4, vm0, $0xb8;
	[tilespmem:$0x18400] =	vst v63  }
0x1fa: {  	_ = 	snop  }
0x1fb: {  	[tilespmem:s24], [sflag:$0x1] =	stream.indirect_vreg.gather [hbm4b:s4+s2], $0x80, v3, vm0, $0xb8;
	[tilespmem:$0x18400] =	vst v63  }
0x1fc: {  	s0 =	simm.s32 $0x17400  }
0x1fd: {  	[tilespmem:s0], [sflag:$0x1] =	stream.indirect_vreg.gather [hbm4b:s5+s2], $0x80, v3, vm0, $0xb8;
	[tilespmem:$0x18400] =	vst v63  }
0x1fe: {  	s24 =	simm.s32 $0x17C00  }
0x1ff: {  	[tilespmem:s24], [sflag:$0x1] =	stream.indirect_vreg.gather [hbm4b:s6+s2], $0x80, v3, vm0, $0xb8;
	[tilespmem:$0x18400] =	vst v63  }
0x200: {  	s1 =	simm.s32 $0x400;
	s11 =	rddreg [dreg:$0x7]  }
0x201: {  	[hbm4b:s11+s2] =	stream.linear.scatter [tilespmem:s1], [sflag:$0x2], $0xC000, $0x38;
	[tilespmem:$0x18400] =	vst v63  }
0x202: {  	_ =	swait.ge [sflag:s3], $0xC000  }
0x203: {  	[sflag:s3] =	ssyncset.done $0x0  }
0x204: {  	[sflag:s3] =	ssyncadd.s32 $0xFFFF4000  }
0x205: {  	_ =	swait.ge [sflag:s10], $0xC000  }
0x206: {  	[sflag:s10] =	ssyncset.done $0x0  }
0x207: {  	[sflag:s10] =	ssyncadd.s32 $0xFFFF4000  }
0x208: {  	v3 =	vld [tilespmem:$0x300];
	_ =	sdelay $0x4  }
0x209: {  	v56 =	vshrl.u32 v3, $0x3  }
0x20a: {  	v4 =	vmul.u32 $0x30, v56  }
0x20b: {  	v3 =	vand.u32 $0x7, v3  }
0x20c: {  	v3 =	vor.u32 v3, v4  }
0x20d: {  	v4 =	vperm.xlane v3, v0;
	_ =	sdelay $0x1  }
0x20e: {  	v4 =	vadd.s32 v1, v4;
	_ =	sdelay $0x3  }
0x20f: {  	v3 =	vperm.xlane v3, v2  }
0x210: {  	[tilespmem:s1], [sflag:$0x1] =	stream.indirect_vreg.gather [hbm4b:s4+s2], $0x80, v4, vm0, $0xb8;
	[tilespmem:$0x18400] =	vst v63  }
0x211: {  	s11 =	simm.s32 $0xC00;
	v3 =	vadd.s32 v1, v3  }
0x212: {  	[tilespmem:s11], [sflag:$0x1] =	stream.indirect_vreg.gather [hbm4b:s5+s2], $0x80, v4, vm0, $0xb8;
	[tilespmem:$0x18400] =	vst v63  }
0x213: {  	s11 =	simm.s32 $0x1400  }
0x214: {  	[tilespmem:s11], [sflag:$0x1] =	stream.indirect_vreg.gather [hbm4b:s6+s2], $0x80, v4, vm0, $0xb8;
	[tilespmem:$0x18400] =	vst v63  }
0x215: {  	s11 =	simm.s32 $0x1C00  }
0x216: {  	[tilespmem:s11], [sflag:$0x1] =	stream.indirect_vreg.gather [hbm4b:s4+s2], $0x80, v3, vm0, $0xb8;
	[tilespmem:$0x18400] =	vst v63  }
0x217: {  	s11 =	simm.s32 $0x2400  }
0x218: {  	[tilespmem:s11], [sflag:$0x1] =	stream.indirect_vreg.gather [hbm4b:s5+s2], $0x80, v3, vm0, $0xb8;
	[tilespmem:$0x18400] =	vst v63  }
0x219: {  	s11 =	simm.s32 $0x2C00  }
0x21a: {  	[tilespmem:s11], [sflag:$0x1] =	stream.indirect_vreg.gather [hbm4b:s6+s2], $0x80, v3, vm0, $0xb8;
	[tilespmem:$0x18400] =	vst v63  }
0x21b: {  	v3 =	vld [tilespmem:$0x310];
	_ =	sdelay $0x4  }
0x21c: {  	v57 =	vshrl.u32 v3, $0x3  }
0x21d: {  	v4 =	vmul.u32 $0x30, v57  }
0x21e: {  	v3 =	vand.u32 $0x7, v3  }
0x21f: {  	v3 =	vor.u32 v3, v4  }
0x220: {  	v4 =	vperm.xlane v3, v0;
	_ =	sdelay $0x1  }
0x221: {  	v4 =	vadd.s32 v1, v4;
	_ =	sdelay $0x3  }
0x222: {  	s11 =	simm.s32 $0x3400;
	v3 =	vperm.xlane v3, v2  }
0x223: {  	[tilespmem:s11], [sflag:$0x1] =	stream.indirect_vreg.gather [hbm4b:s4+s2], $0x80, v4, vm0, $0xb8;
	[tilespmem:$0x18400] =	vst v63  }
0x224: {  	v3 =	vadd.s32 v1, v3;
	s11 =	simm.s32 $0x3C00  }
0x225: {  	[tilespmem:s11], [sflag:$0x1] =	stream.indirect_vreg.gather [hbm4b:s5+s2], $0x80, v4, vm0, $0xb8;
	[tilespmem:$0x18400] =	vst v63  }
0x226: {  	s11 =	simm.s32 $0x4400  }
0x227: {  	[tilespmem:s11], [sflag:$0x1] =	stream.indirect_vreg.gather [hbm4b:s6+s2], $0x80, v4, vm0, $0xb8;
	[tilespmem:$0x18400] =	vst v63  }
0x228: {  	s11 =	simm.s32 $0x4C00  }
0x229: {  	[tilespmem:s11], [sflag:$0x1] =	stream.indirect_vreg.gather [hbm4b:s4+s2], $0x80, v3, vm0, $0xb8;
	[tilespmem:$0x18400] =	vst v63  }
0x22a: {  	s25 =	simm.s32 $0x5400  }
0x22b: {  	[tilespmem:s25], [sflag:$0x1] =	stream.indirect_vreg.gather [hbm4b:s5+s2], $0x80, v3, vm0, $0xb8;
	[tilespmem:$0x18400] =	vst v63  }
0x22c: {  	s25 =	simm.s32 $0x5C00  }
0x22d: {  	[tilespmem:s25], [sflag:$0x1] =	stream.indirect_vreg.gather [hbm4b:s6+s2], $0x80, v3, vm0, $0xb8;
	[tilespmem:$0x18400] =	vst v63  }
0x22e: {  	v3 =	vld [tilespmem:$0x320];
	_ =	sdelay $0x4  }
0x22f: {  	v58 =	vshrl.u32 v3, $0x3  }
0x230: {  	v4 =	vmul.u32 $0x30, v58  }
0x231: {  	v3 =	vand.u32 $0x7, v3  }
0x232: {  	v3 =	vor.u32 v3, v4  }
0x233: {  	v4 =	vperm.xlane v3, v0;
	_ =	sdelay $0x1  }
0x234: {  	v4 =	vadd.s32 v1, v4;
	_ =	sdelay $0x3  }
0x235: {  	s25 =	simm.s32 $0x6400;
	v3 =	vperm.xlane v3, v2  }
0x236: {  	[tilespmem:s25], [sflag:$0x1] =	stream.indirect_vreg.gather [hbm4b:s4+s2], $0x80, v4, vm0, $0xb8;
	[tilespmem:$0x18400] =	vst v63  }
0x237: {  	v3 =	vadd.s32 v1, v3;
	s25 =	simm.s32 $0x6C00  }
0x238: {  	[tilespmem:s25], [sflag:$0x1] =	stream.indirect_vreg.gather [hbm4b:s5+s2], $0x80, v4, vm0, $0xb8;
	[tilespmem:$0x18400] =	vst v63  }
0x239: {  	s28 =	simm.s32 $0x7400  }
0x23a: {  	[tilespmem:s28], [sflag:$0x1] =	stream.indirect_vreg.gather [hbm4b:s6+s2], $0x80, v4, vm0, $0xb8;
	[tilespmem:$0x18400] =	vst v63  }
0x23b: {  	s29 =	simm.s32 $0x7C00  }
0x23c: {  	[tilespmem:s29], [sflag:$0x1] =	stream.indirect_vreg.gather [hbm4b:s4+s2], $0x80, v3, vm0, $0xb8;
	[tilespmem:$0x18400] =	vst v63  }
0x23d: {  	s25 =	simm.s32 $0x8400  }
0x23e: {  	[tilespmem:s25], [sflag:$0x1] =	stream.indirect_vreg.gather [hbm4b:s5+s2], $0x80, v3, vm0, $0xb8;
	[tilespmem:$0x18400] =	vst v63  }
0x23f: {  	s28 =	simm.s32 $0x8C00  }
0x240: {  	[tilespmem:s28], [sflag:$0x1] =	stream.indirect_vreg.gather [hbm4b:s6+s2], $0x80, v3, vm0, $0xb8;
	[tilespmem:$0x18400] =	vst v63  }
0x241: {  	v3 =	vld [tilespmem:$0x330];
	_ =	sdelay $0x4  }
0x242: {  	v59 =	vshrl.u32 v3, $0x3  }
0x243: {  	v4 =	vmul.u32 $0x30, v59  }
0x244: {  	v3 =	vand.u32 $0x7, v3  }
0x245: {  	v3 =	vor.u32 v3, v4  }
0x246: {  	v4 =	vperm.xlane v3, v0;
	_ =	sdelay $0x1  }
0x247: {  	v4 =	vadd.s32 v1, v4;
	_ =	sdelay $0x3  }
0x248: {  	s29 =	simm.s32 $0x9400;
	v3 =	vperm.xlane v3, v2  }
0x249: {  	[tilespmem:s29], [sflag:$0x1] =	stream.indirect_vreg.gather [hbm4b:s4+s2], $0x80, v4, vm0, $0xb8;
	[tilespmem:$0x18400] =	vst v63  }
0x24a: {  	s25 =	simm.s32 $0x9C00;
	v3 =	vadd.s32 v1, v3  }
0x24b: {  	[tilespmem:s25], [sflag:$0x1] =	stream.indirect_vreg.gather [hbm4b:s5+s2], $0x80, v4, vm0, $0xb8;
	[tilespmem:$0x18400] =	vst v63  }
0x24c: {  	s30 =	simm.s32 $0xA400  }
0x24d: {  	[tilespmem:s30], [sflag:$0x1] =	stream.indirect_vreg.gather [hbm4b:s6+s2], $0x80, v4, vm0, $0xb8;
	[tilespmem:$0x18400] =	vst v63  }
0x24e: {  	s31 =	simm.s32 $0xAC00  }
0x24f: {  	[tilespmem:s31], [sflag:$0x1] =	stream.indirect_vreg.gather [hbm4b:s4+s2], $0x80, v3, vm0, $0xb8;
	[tilespmem:$0x18400] =	vst v63  }
0x250: {  	s12 =	simm.s32 $0xB400  }
0x251: {  	[tilespmem:s12], [sflag:$0x1] =	stream.indirect_vreg.gather [hbm4b:s5+s2], $0x80, v3, vm0, $0xb8;
	[tilespmem:$0x18400] =	vst v63  }
0x252: {  	s29 =	simm.s32 $0xBC00  }
0x253: {  	[tilespmem:s29], [sflag:$0x1] =	stream.indirect_vreg.gather [hbm4b:s6+s2], $0x80, v3, vm0, $0xb8;
	[tilespmem:$0x18400] =	vst v63  }
0x254: {  	s8 =	simm.s32 $0xC400;
	s28 =	rddreg [dreg:$0x8]  }
0x255: {  	[hbm4b:s28+s2] =	stream.linear.scatter [tilespmem:s8], [sflag:$0x2], $0xC000, $0x38;
	[tilespmem:$0x18400] =	vst v63  }
0x256: {  	_ =	swait.ge [sflag:s3], $0xC000  }
0x257: {  	[sflag:s3] =	ssyncset.done $0x0  }
0x258: {  	[sflag:s3] =	ssyncadd.s32 $0xFFFF4000  }
0x259: {  	_ =	swait.ge [sflag:s10], $0xC000  }
0x25a: {  	[sflag:s10] =	ssyncset.done $0x0  }
0x25b: {  	[sflag:s10] =	ssyncadd.s32 $0xFFFF4000  }
0x25c: {  	v3 =	vld [tilespmem:$0x380];
	_ =	sdelay $0x4  }
0x25d: {  	v60 =	vshrl.u32 v3, $0x3  }
0x25e: {  	v4 =	vmul.u32 $0x30, v60  }
0x25f: {  	v3 =	vand.u32 $0x7, v3  }
0x260: {  	v3 =	vor.u32 v3, v4  }
0x261: {  	v4 =	vperm.xlane v3, v0;
	_ =	sdelay $0x1  }
0x262: {  	v4 =	vadd.s32 v1, v4;
	_ =	sdelay $0x3  }
0x263: {  	v3 =	vperm.xlane v3, v2  }
0x264: {  	[tilespmem:s8], [sflag:$0x1] =	stream.indirect_vreg.gather [hbm4b:s4+s2], $0x80, v4, vm0, $0xb8;
	[tilespmem:$0x18400] =	vst v63  }
0x265: {  	s30 =	simm.s32 $0xCC00;
	v3 =	vadd.s32 v1, v3  }
0x266: {  	[tilespmem:s30], [sflag:$0x1] =	stream.indirect_vreg.gather [hbm4b:s5+s2], $0x80, v4, vm0, $0xb8;
	[tilespmem:$0x18400] =	vst v63  }
0x267: {  	s31 =	simm.s32 $0xD400  }
0x268: {  	[tilespmem:s31], [sflag:$0x1] =	stream.indirect_vreg.gather [hbm4b:s6+s2], $0x80, v4, vm0, $0xb8;
	[tilespmem:$0x18400] =	vst v63  }
0x269: {  	s9 =	simm.s32 $0xDC00  }
0x26a: {  	[tilespmem:s9], [sflag:$0x1] =	stream.indirect_vreg.gather [hbm4b:s4+s2], $0x80, v3, vm0, $0xb8;
	[tilespmem:$0x18400] =	vst v63  }
0x26b: {  	s26 =	simm.s32 $0xE400  }
0x26c: {  	[tilespmem:s26], [sflag:$0x1] =	stream.indirect_vreg.gather [hbm4b:s5+s2], $0x80, v3, vm0, $0xb8;
	[tilespmem:$0x18400] =	vst v63  }
0x26d: {  	s11 =	simm.s32 $0xEC00  }
0x26e: {  	[tilespmem:s11], [sflag:$0x1] =	stream.indirect_vreg.gather [hbm4b:s6+s2], $0x80, v3, vm0, $0xb8;
	[tilespmem:$0x18400] =	vst v63  }
0x26f: {  	v3 =	vld [tilespmem:$0x390];
	_ =	sdelay $0x4  }
0x270: {  	v61 =	vshrl.u32 v3, $0x3  }
0x271: {  	v4 =	vmul.u32 $0x30, v61  }
0x272: {  	v3 =	vand.u32 $0x7, v3  }
0x273: {  	v3 =	vor.u32 v3, v4  }
0x274: {  	v4 =	vperm.xlane v3, v0;
	_ =	sdelay $0x1  }
0x275: {  	v4 =	vadd.s32 v1, v4;
	_ =	sdelay $0x3  }
0x276: {  	s12 =	simm.s32 $0xF400;
	v3 =	vperm.xlane v3, v2  }
0x277: {  	[tilespmem:s12], [sflag:$0x1] =	stream.indirect_vreg.gather [hbm4b:s4+s2], $0x80, v4, vm0, $0xb8;
	[tilespmem:$0x18400] =	vst v63  }
0x278: {  	s13 =	simm.s32 $0xFC00;
	v3 =	vadd.s32 v1, v3  }
0x279: {  	[tilespmem:s13], [sflag:$0x1] =	stream.indirect_vreg.gather [hbm4b:s5+s2], $0x80, v4, vm0, $0xb8;
	[tilespmem:$0x18400] =	vst v63  }
0x27a: {  	s14 =	simm.s32 $0x10400  }
0x27b: {  	[tilespmem:s14], [sflag:$0x1] =	stream.indirect_vreg.gather [hbm4b:s6+s2], $0x80, v4, vm0, $0xb8;
	[tilespmem:$0x18400] =	vst v63  }
0x27c: {  	s15 =	simm.s32 $0x10C00  }
0x27d: {  	[tilespmem:s15], [sflag:$0x1] =	stream.indirect_vreg.gather [hbm4b:s4+s2], $0x80, v3, vm0, $0xb8;
	[tilespmem:$0x18400] =	vst v63  }
0x27e: {  	s16 =	simm.s32 $0x11400  }
0x27f: {  	[tilespmem:s16], [sflag:$0x1] =	stream.indirect_vreg.gather [hbm4b:s5+s2], $0x80, v3, vm0, $0xb8;
	[tilespmem:$0x18400] =	vst v63  }
0x280: {  	s25 =	simm.s32 $0x11C00  }
0x281: {  	[tilespmem:s25], [sflag:$0x1] =	stream.indirect_vreg.gather [hbm4b:s6+s2], $0x80, v3, vm0, $0xb8;
	[tilespmem:$0x18400] =	vst v63  }
0x282: {  	v3 =	vld [tilespmem:$0x3A0];
	_ =	sdelay $0x4  }
0x283: {  	v62 =	vshrl.u32 v3, $0x3  }
0x284: {  	v4 =	vmul.u32 $0x30, v62  }
0x285: {  	v3 =	vand.u32 $0x7, v3  }
0x286: {  	v3 =	vor.u32 v3, v4  }
0x287: {  	v4 =	vperm.xlane v3, v0;
	_ =	sdelay $0x1  }
0x288: {  	v4 =	vadd.s32 v1, v4;
	_ =	sdelay $0x3  }
0x289: {  	s26 =	simm.s32 $0x12400;
	v3 =	vperm.xlane v3, v2  }
0x28a: {  	[tilespmem:s26], [sflag:$0x1] =	stream.indirect_vreg.gather [hbm4b:s4+s2], $0x80, v4, vm0, $0xb8;
	[tilespmem:$0x18400] =	vst v63  }
0x28b: {  	s17 =	simm.s32 $0x12C00;
	v3 =	vadd.s32 v1, v3  }
0x28c: {  	[tilespmem:s17], [sflag:$0x1] =	stream.indirect_vreg.gather [hbm4b:s5+s2], $0x80, v4, vm0, $0xb8;
	[tilespmem:$0x18400] =	vst v63  }
0x28d: {  	s18 =	simm.s32 $0x13400  }
0x28e: {  	[tilespmem:s18], [sflag:$0x1] =	stream.indirect_vreg.gather [hbm4b:s6+s2], $0x80, v4, vm0, $0xb8;
	[tilespmem:$0x18400] =	vst v63  }
0x28f: {  	s19 =	simm.s32 $0x13C00  }
0x290: {  	[tilespmem:s19], [sflag:$0x1] =	stream.indirect_vreg.gather [hbm4b:s4+s2], $0x80, v3, vm0, $0xb8;
	[tilespmem:$0x18400] =	vst v63  }
0x291: {  	s20 =	simm.s32 $0x14400  }
0x292: {  	[tilespmem:s20], [sflag:$0x1] =	stream.indirect_vreg.gather [hbm4b:s5+s2], $0x80, v3, vm0, $0xb8;
	[tilespmem:$0x18400] =	vst v63  }
0x293: {  	s28 =	simm.s32 $0x14C00  }
0x294: {  	[tilespmem:s28], [sflag:$0x1] =	stream.indirect_vreg.gather [hbm4b:s6+s2], $0x80, v3, vm0, $0xb8;
	[tilespmem:$0x18400] =	vst v63  }
0x295: {  	v3 =	vld [tilespmem:$0x3B0];
	_ =	sdelay $0x4  }
0x296: {  	v63 =	vshrl.u32 v3, $0x3  }
0x297: {  	v4 =	vmul.u32 $0x30, v63  }
0x298: {  	v3 =	vand.u32 $0x7, v3  }
0x299: {  	v3 =	vor.u32 v3, v4  }
0x29a: {  	v4 =	vperm.xlane v3, v0;
	_ =	sdelay $0x1  }
0x29b: {  	v4 =	vadd.s32 v1, v4;
	_ =	sdelay $0x3  }
0x29c: {  	s29 =	simm.s32 $0x15400;
	v3 =	vperm.xlane v3, v2  }
0x29d: {  	[tilespmem:s29], [sflag:$0x1] =	stream.indirect_vreg.gather [hbm4b:s4+s2], $0x80, v4, vm0, $0xb8;
	[tilespmem:$0x18400] =	vst v63  }
0x29e: {  	s21 =	simm.s32 $0x15C00;
	v3 =	vadd.s32 v1, v3  }
0x29f: {  	[tilespmem:s21], [sflag:$0x1] =	stream.indirect_vreg.gather [hbm4b:s5+s2], $0x80, v4, vm0, $0xb8;
	[tilespmem:$0x18400] =	vst v63  }
0x2a0: {  	s22 =	simm.s32 $0x16400  }
0x2a1: {  	[tilespmem:s22], [sflag:$0x1] =	stream.indirect_vreg.gather [hbm4b:s6+s2], $0x80, v4, vm0, $0xb8;
	[tilespmem:$0x18400] =	vst v63  }
0x2a2: {  	s23 =	simm.s32 $0x16C00  }
0x2a3: {  	[tilespmem:s23], [sflag:$0x1] =	stream.indirect_vreg.gather [hbm4b:s4+s2], $0x80, v3, vm0, $0xb8;
	[tilespmem:$0x18400] =	vst v63  }
0x2a4: {  	_ = 	snop  }
0x2a5: {  	[tilespmem:s0], [sflag:$0x1] =	stream.indirect_vreg.gather [hbm4b:s5+s2], $0x80, v3, vm0, $0xb8;
	[tilespmem:$0x18400] =	vst v63  }
0x2a6: {  	_ = 	snop  }
0x2a7: {  	[tilespmem:s24], [sflag:$0x1] =	stream.indirect_vreg.gather [hbm4b:s6+s2], $0x80, v3, vm0, $0xb8;
	[tilespmem:$0x18400] =	vst v63  }
0x2a8: {  	s1 =	simm.s32 $0x400;
	s30 =	rddreg [dreg:$0x9]  }
0x2a9: {  	[hbm4b:s30+s2] =	stream.linear.scatter [tilespmem:s1], [sflag:$0x2], $0xC000, $0x38;
	[tilespmem:$0x18400] =	vst v63  }
0x2aa: {  	_ =	swait.ge [sflag:s3], $0xC000  }
0x2ab: {  	[sflag:s3] =	ssyncset.done $0x0  }
0x2ac: {  	[sflag:s3] =	ssyncadd.s32 $0xFFFF4000  }
0x2ad: {  	_ =	swait.ge [sflag:s10], $0xC000  }
0x2ae: {  	p0 =	sne.s32 s7, $0x1;
	[sflag:s10] =	ssyncset.done $0x0  }
.Ltmp0:
0x2af: {  	s31 =	rddreg [dreg:$0xa];
	[sflag:s10] =	ssyncadd.s32 $0xFFFF4000;
	(pc) =	sbr.rel @p0 .LBB2_1-.Ltmp0, $4  }
0x2b0: {  	[hbm4b:s31+s2] =	stream.linear.scatter [tilespmem:s8], [sflag:$0x2], $0xC000, $0x38;
	[tilespmem:$0x18400] =	vst v63  }
0x2b1: {  	_ =	swait.ge [sflag:s10], $0xC000  }
0x2b2: {  	[sflag:s10] =	ssyncset.done $0x0  }
0x2b3: {  	s7 =	sadd.s32 $0xFFFFFFFF, s7;
	[sflag:s10] =	ssyncadd.s32 $0xFFFF4000  }
0x2b4: {  	_ =	sfence.sel $0x180000  }
0x2b5: {  	[bflag:$0x0] =	sbarrier.arrive $0xFFFF  }
0x2b6: {  	_ =	strace $0x9000004A  }
0x2b7: {  	s0 =	stileid.u32;
	[bflag:$0x2] =	sbarrier.arrive $0xFFFF  }
0x2b8: {  	p0 =	sne.s32 s0, $0x0;
	s0 =	rddreg [dreg:$0x2]  }
0x2b9: {  	s0 =	sadd.s32 @!p0 $0x100000, s0  }
0x2ba: {  	[sflag:s0] =	ssyncadd.tile.s32 @!p0 $0x1;
	_ =	shalt  }
.Lfunc_end2:
_tile_overlayer_lowered:
.L_overlay_start_2:
0x2bb: {  	(tag) =	ssettag $0x2  }
0x2bc: {  	s0 =	rddreg [dreg:$0x0];
	s2 =	stileid.u32  }
0x2bd: {  	s1 =	rddreg [dreg:$0x1];
	p0 =	sne.s32 s2, $0x0  }
0x2be: {  	s3 =	rddreg [dreg:$0x2];
	[bflag:$0x3] =	sbarrier.arrive $0xFFFF;
	s2 =	simm.s32 @!p0 $0x1C03  }
0x2bf: {  	[timem:s3], [sflag:s2] =	dma.local @!p0 [hbm:s0], s1  }
0x2c0: {  	s0 =	simm.s32 @!p0 $0x3  }
0x2c1: {  	_ =	swait.ge @!p0 [sflag:s0], s1  }
0x2c2: {  	s1 =	ssub.s32 @!p0 $0x0, s1;
	[sflag:s0] =	ssyncset.done @!p0 $0x0  }
0x2c3: {  	[sflag:s0] =	ssyncadd.s32 @!p0 s1  }
0x2c4: {  	[bflag:$0x3] =	sbarrier.arrive $0xFFFF  }
0x2c5: {  	_ =	shalt  }

// kernel: sparse-core-data-format-call.cloned.1.call-start
scs
called_computation_lowered:
.L_overlay_start_0:
0x0: {  	s2 =	sld [smem:$0x3FD9]  }
0x1: {  	s3 =	sld [smem:$0x3FFE];
	_ =	sdelay $0x1  }
0x2: {  	s1 =	srdreg.scid  }
0x3: {  	s0 =	sand.u32 $0x1, s1  }
0x4: {  	s15 =	sshll.u32 s0, $0xA;
	s2 =	sadd.s32 s3, s2  }
0x5: {  	s2 =	sadd.s32 s2, s15  }
0x6: {  	[smem:$0x3FBF] =	sst s2  }
0x7: {  	_ = 	snop  }
0x8: {  	s2 =	sld [smem:$0x3FD0];
	_ =	sdelay $0x2  }
0x9: {  	s16 =	simm.s32 $0xA;
	s4 =	simm.s32 $0x10  }
0xa: {  	[smem:s4], [sflag:s16] =	dma.local [hbm:s2], $0x1  }
0xb: {  	_ =	swait.eq [sflag:s16], $0x1  }
0xc: {  	[sflag:s16] =	ssyncset.done $0x0  }
0xd: {  	[sflag:s16] =	ssyncadd.s32 $0xFFFFFFFF  }
0xe: {  	s17 =	sld [smem:$0x10];
	(tm) =	ssettm $0x1  }
0xf: {  	s18 =	sld [smem:$0x3FFB];
	_ =	sdelay $0x3  }
0x10: {  	_ =	strace s18  }
0x11: {  	s3 =	sld [smem:$0x3FFC];
	_ =	sdelay $0x3  }
0x12: {  	_ =	strace s3  }
0x13: {  	s3 =	sld [smem:$0x3FFD];
	_ =	sdelay $0x3  }
0x14: {  	_ =	strace s3  }
0x15: {  	_ =	strace $0x8FFFFFFF  }
0x16: {  	s19 =	sld [smem:$0x3FDB];
	_ =	sdelay $0x1  }
0x17: {  	s20 =	simm.s32 $_scs_section_size  }
0x18: {  	s5 =	simm.s32 $_size__tile_overlayer_lowered;
	s6 =	simm.s32 $_tile_overlayer_lowered  }
0x19: {  	s23 =	simm.s32 $0x1BFF;
	s22 =	sshll.u32 s6, $0x1;
	s3 =	sadd.s32 s20, s19  }
0x1a: {  	s7 =	simm.s32 $0x0;
	s21 =	sshll.u32 s5, $0x1;
	s5 =	sadd.s32 s22, s3  }
0x1b: {  	[timem:s7], [sflag:s23] =	dma.local [hbm:s5], s21  }
0x1c: {  	_ =	swait.ge [sflag:s23], s21  }
0x1d: {  	s4 =	ssub.s32 $0x0, s21;
	[sflag:s23] =	ssyncset.done $0x0  }
0x1e: {  	[sflag:s23] =	ssyncadd.s32 s4;
	_ =	sdelay $0x1  }
0x1f: {  	s24 =	simm.s32 $0x1B8B  }
0x20: {  	_ =	swait.ge [sflag:s24], $0x1  }
0x21: {  	[sflag:s24] =	ssyncset.done $0x0  }
0x22: {  	s26 =	simm.s32 $0x1B8E;
	s25 =	sld [smem:$0x3FFE];
	[sflag:s24] =	ssyncadd.s32 $0xFFFFFFFF  }
0x23: {  	s27 =	simm.s32 $execute0_lowered;
	[smem:$0x3FD2] =	sst s26  }
0x24: {  	s5 =	sshll.u32 s27, $0x1;
	_ =	strace $0x8000004C;
	[dreg:$0x1] =	wrdreg $0xFFFFFFFF  }
0x25: {  	s28 =	simm.s32 $_size_execute0_lowered;
	s3 =	sadd.s32 s3, s5;
	[dreg:$0x0] =	wrdreg $0x0  }
0x26: {  	s5 =	sshll.u32 s28, $0x1;
	[dreg:$0x2] =	wrdreg s3  }
0x27: {  	[dreg:$0x3] =	wrdreg s5  }
0x28: {  	[dreg:$0x4] =	wrdreg $0xC0  }
0x29: {  	_ =	task [dreg:s7], $0x5FFFF  }
0x2a: {  	[dreg:$0x1] =	wrdreg $0xFFFFFFFF  }
0x2b: {  	[dreg:$0x0] =	wrdreg $0x60  }
0x2c: {  	[dreg:$0x2] =	wrdreg s25  }
0x2d: {  	[dreg:$0x3] =	wrdreg s17  }
0x2e: {  	[dreg:$0x4] =	wrdreg $0x9  }
0x2f: {  	_ =	task.clear_ibuf [dreg:s7], $0x5FFFF;
	_ =	strace $0x9000004C  }
0x30: {  	s29 =	simm.s32 $0x9;
	_ =	strace $0x8000004E  }
0x31: {  	_ =	swait.ge [sflag:s29], $0x1  }
0x32: {  	[sflag:s29] =	ssyncadd.s32 $0xFFFFFFFF  }
0x33: {  	_ =	strace $0x9000004E  }
0x34: {  	_ =	sfence  }
0x35: {  	s30 =	sld [smem:$0x0];
	_ =	sdelay $0x2  }
0x36: {  	s31 =	sshll.u32 s1, $0xD;
	s1 =	sshrl.u32 s1, $0x2  }
0x37: {  	s3 =	sand.u32 $0x4000, s31;
	s1 =	sadd.s32 s1, s30  }
0x38: {  	s0 =	sor.u32 s3, s0;
	s1 =	sshll.u32 s1, $0x11  }
0x39: {  	s0 =	sor.u32 s1, s0  }
0x3a: {  	s0 =	sadd.s32 $0x8F2B, s0  }
0x3b: {  	[sflag:s0] =	ssyncadd.remote.s32 $0x1  }
0x3c: {  	_ =	sfence.sel $0xFFFF  }
0x3d: {  	[dreg:$0x0] =	wrdreg $0xFFFFFFFF;
	(pc) =	sbr.abs _section_cstart, $3  }
0x3e: {  	[dreg:$0x1] =	wrdreg $0xFFFFFFFF  }
0x3f: {  	_ =	task.clear_ibuf [dreg:s7], $0x2FFFF;
	_ =	strace $0x9FFFFFFF  }
0x40: {  	(tm) =	ssettm $0x7FFFFFFF  }
0x41: {  	_ =	shalt  }
tec
execute0_lowered:
.L_overlay_start_1:
0x0: {  	(tag) =	ssettag $0x1  }
0x1: {  	s0 =	stileid.u32  }
0x2: {  	s1 =	srdreg.scid;
	s3 =	rddreg [dreg:$0x0]  }
0x3: {  	s31 =	simm.s32 $0x2;
	s17 =	simm.s32 $0x0;
	s9 =	simm.s32 $0x10000  }
0x4: {  	s18 =	simm.s32 $0x0;
	s2 =	sshll.u32 s0, $0x6;
	s1 =	sshll.u32 s1, $0xA  }
0x5: {  	s19 =	simm.s32 $0x0;
	s10 =	simm.s32 $0x0;
	s1 =	sor.u32 s2, s1  }
0x6: {  	s11 =	simm.s32 $0x0;
	s12 =	simm.s32 $0x0;
	s1 =	sand.u32 $0x780, s1  }
0x7: {  	s13 =	simm.s32 $0x0;
	s2 =	sand.u32 $0x1, s0;
	s4 =	ssub.s32 $0x2000, s1  }
0x8: {  	s16 =	simm.s32 $0x0;
	s5 =	ssub.s32 $0x2, s2;
	s6 =	sand.u32 $0x780, s4  }
0x9: {  	s7 =	sshrl.u32 s5, $0x1;
	p0 =	sne.s32 s6, $0x0;
	s6 =	simm.s32 $0x1  }
0xa: {  	s8 =	sand.u32 $0x1, s5;
	s4 =	sshrl.u32 s4, $0xB;
	s6 =	simm.s32 @!p0 $0x0  }
.Ltmp0:
0xb: {  	s7 =	sadd.s32 s8, s7;
	s6 =	sadd.s32 s6, s4;
	(pc) =	sbr.rel .LBB1_1-.Ltmp0, $4  }
0xc: {  	s15 =	smov.u32 s2;
	s5 =	rddreg [dreg:$0x1];
	s7 =	smul.u32 s6, s7  }
0xd: {  	s4 =	rddreg [dreg:$0x2];
	_ =	strace $0x8000004D;
	s6 =	simm.s32 $0x1  }
0xe: {  	s14 =	smov.u32 s1;
	[sflag:s6] =	ssyncpa.u1 $0x0;
	s7 =	sshll.u32 s7, $0x3  }
0xf: {  	p0 =	por $0x0, $0x0;
	[sflag:s31] =	ssyncpa.u1 $0x0;
	s8 =	sor.u32 $0x1, s7  }
.LBB1_4:
0x10: {  	s24 =	sshra.s32 s24, $0x2  }
0x11: {  	s25 =	sshra.s32 s12, $0x1F;
	p1 =	sgt.s32 s12, $0x1;
	s27 =	smov.u32 s12  }
0x12: {  	p2 =	sgt.s32 s11, $0x1F80;
	s29 =	sshra.s32 s11, $0x1F;
	s30 =	smov.u32 s10  }
0x13: {  	s31 =	sshra.s32 s10, $0x1F;
	s23 =	sadd.s32 s24, s23;
	s24 =	sshll.u32 s11, $0x3  }
0x14: {  	s25 =	sand.u32 s25, s12;
	s27 =	simm.s32 @!p1 $0x1;
	s29 =	sand.u32 s29, s11  }
0x15: {  	s26 =	sshrl.u32 s24, $0xD;
	s25 =	sxor.u32 $0xFFFFFFFF, s25;
	s24 =	sand.u32 $0x1C00, s24  }
0x16: {  	[tilespmem:s22+$0x2040 ss:$0x81] =	vst.msk $0xffff, v4;
	s28 =	smulhi.u32 $0x2AAAAAB, s26;
	s25 =	sadd.s32 s25, s27;
	s27 =	smov.u32 s11  }
0x17: {  	v5 =	vld [tilespmem:s21+$0xFFFFFFD0];
	[tilespmem:s22+$0x2850 ss:$0x81] =	vst.msk $0xffff, v3;
	p1 =	sgt.s32 s25, $0x0;
	s27 =	simm.s32 @!p2 $0x1F80;
	s25 =	ssub.s32 $0x1, s25  }
0x18: {  	v58 =	vld [tilespmem:s21+$0xFFFFFFE0];
	[tilespmem:s22+$0x3060 ss:$0x81] =	vst.msk $0xffff, v2;
	p2 =	sgt.s32 s10, $0x7;
	s27 =	ssub.s32 s27, s29;
	s25 =	smul.u32 $0x60, s25  }
0x19: {  	v59 =	vld [tilespmem:s21+$0xFFFFFFF0];
	[tilespmem:s22+$0x0 ss:$0x81] =	vst.msk $0xffff, v1;
	s30 =	simm.s32 @!p2 $0x7;
	s29 =	sand.u32 s31, s10;
	s22 =	smul.u32 $0x60, s28  }
0x1a: {  	v60 =	vld [tilespmem:s21+$0x0];
	s28 =	sand.u32 $0x78, s11;
	s29 =	ssub.s32 s30, s29;
	s31 =	sadd.s32 $0xFFFFE080, s27  }
0x1b: {  	v61 =	vld [tilespmem:s21+$0x10];
	[tilespmem:s23+$0x3870 ss:$0x81] =	vst.msk $0xffff, v0;
	s27 =	ssub.s32 $0x2000, s27;
	s30 =	smul.u32 $0xC0000, s12;
	s24 =	sor.u32 s28, s24  }
0x1c: {  	v62 =	vld [tilespmem:s21+$0x20];
	[tilespmem:s23+$0x810 ss:$0x81] =	vst.msk $0xffff, v5;
	p2 =	sgt.s32 s31, $0x7F;
	s25 =	simm.s32 @p1 $0x0;
	s31 =	sadd.s32 $0xFFFFFFF9, s29  }
0x1d: {  	v63 =	vld [tilespmem:s21+$0xFFFFFFC0];
	[tilespmem:s23+$0x1020 ss:$0x81] =	vst.msk $0xffff, v58;
	s27 =	simm.s32 @p2 $0x0;
	p1 =	sgt.s32 s31, $0x0;
	s31 =	smul.u32 $0x18000, s10  }
0x1e: {  	[tilespmem:s23+$0x1830 ss:$0x81] =	vst.msk $0xffff, v59;
	s21 =	ssub.s32 $0x8, s29;
	s22 =	ssub.s32 s26, s22;
	s25 =	smul.u32 s27, s25  }
0x1f: {  	[tilespmem:s23+$0x2040 ss:$0x81] =	vst.msk $0xffff, v60;
	s29 =	sand.u32 $0x7, s11;
	s21 =	simm.s32 @p1 $0x0;
	s27 =	sadd.s32 s5, s30  }
0x20: {  	[tilespmem:s23+$0x2850 ss:$0x81] =	vst.msk $0xffff, v61;
	s22 =	sshll.u32 s22, $0xA;
	s21 =	smul.u32 s21, s25;
	s25 =	sadd.s32 s31, s27  }
0x21: {  	[tilespmem:s23+$0x3060 ss:$0x81] =	vst.msk $0xffff, v62;
	s24 =	sshrl.u32 s24, $0x3;
	s30 =	sshll.u32 s29, $0x12;
	s22 =	sadd.s32 s22, s25  }
0x22: {  	[tilespmem:s23+$0x0 ss:$0x81] =	vst.msk $0xffff, v63;
	s31 =	sor.u32 $0x400, s30;
	s21 =	sand.u32 $0x3FFFFFE0, s21;
	s22 =	sadd.s32 s24, s22  }
0x23: {  	[hbm4b:s22+s31] =	stream.strided.scatter [tilespmem:s20], [sflag:$0x2], s21, s9, s31, $0x20;
	[tilespmem:$0x10100] =	vst v63  }
.LBB1_5:
0x24: {  	p1 =	slt.u32 s16, $0x2;
	s21 =	smov.u32 s19  }
0x25: {  	s22 =	smov.u32 s17;
	p2 =	sgt.s32 @!p1 s19, $0x1;
	s20 =	sshra.s32 @!p1 s19, $0x1F  }
0x26: {  	p3 =	sgt.s32 @!p1 s18, $0x1F80;
	p2 =	por !p2, p1;
	s19 =	sand.u32 @!p1 s20, s19  }
0x27: {  	p3 =	por !p3, p1;
	s20 =	smov.u32 s18;
	s21 =	simm.s32 @p2 $0x1  }
0x28: {  	s19 =	sxor.u32 @!p1 $0xFFFFFFFF, s19;
	s20 =	simm.s32 @p3 $0x1F80;
	p3 =	sgt.s32 @!p1 s17, $0x7  }
0x29: {  	s19 =	sadd.s32 @!p1 s19, s21;
	s21 =	sshra.s32 @!p1 s18, $0x1F;
	p3 =	por !p3, p1  }
0x2a: {  	p2 =	sgt.s32 @!p1 s19, $0x0;
	s18 =	sand.u32 @!p1 s21, s18;
	s21 =	sshra.s32 @!p1 s17, $0x1F  }
0x2b: {  	s22 =	simm.s32 @p3 $0x7;
	s19 =	ssub.s32 @!p1 $0x1, s19;
	s18 =	ssub.s32 @!p1 s20, s18  }
0x2c: {  	s17 =	sand.u32 @!p1 s21, s17;
	s19 =	smul.u32 @!p1 $0x60, s19;
	s20 =	sadd.s32 @!p1 $0xFFFFE080, s18  }
0x2d: {  	p2 =	por !p2, p1;
	s17 =	ssub.s32 @!p1 s22, s17;
	p3 =	sgt.s32 @!p1 s20, $0x7F  }
0x2e: {  	s18 =	ssub.s32 @!p1 $0x2000, s18;
	s21 =	sadd.s32 @!p1 $0xFFFFFFF9, s17;
	p3 =	por !p3, p1  }
0x2f: {  	s19 =	simm.s32 @!p2 $0x0;
	s18 =	simm.s32 @!p3 $0x0;
	p3 =	sgt.s32 @!p1 s21, $0x0  }
0x30: {  	s17 =	ssub.s32 @!p1 $0x8, s17;
	p2 =	por !p3, p1;
	s18 =	smul.u32 @!p1 s18, s19  }
0x31: {  	s20 =	sadd.s32 $0x1, s13;
	s21 =	smov.u32 s14;
	s17 =	simm.s32 @!p2 $0x0  }
0x32: {  	p2 =	sgt.s32 s20, $0x7;
	s17 =	smul.u32 @!p1 s17, s18;
	s18 =	sadd.s32 $0x800, s14  }
0x33: {  	s21 =	smov.u32 @p2 s18  }
0x34: {  	s23 =	smov.u32 s15;
	s18 =	sadd.s32 $0x2, s15;
	p3 =	sgt.s32 s21, $0x1FFF  }
0x35: {  	p0 =	por !p0, !p0;
	s22 =	simm.s32 @!p1 $0x2;
	s23 =	smov.u32 @p3 s18  }
0x36: {  	s19 =	smov.u32 s12;
	s20 =	simm.s32 @p2 $0x0;
	p2 =	sgt.s32 s23, $0x1  }
0x37: {  	s17 =	sand.u32 @!p1 $0x3FFFFFE0, s17;
	s23 =	smov.u32 @p2 s2;
	p2 =	sne.s32 s16, s8  }
.Ltmp1:
0x38: {  	s12 =	smov.u32 s15;
	_ =	swait.ge @!p1 [sflag:s22], s17;
	(pc) =	sbr.rel @!p2 .LBB1_6-.Ltmp1, $4  }
0x39: {  	s24 =	ssub.s32 @!p1 $0x0, s17;
	s21 =	smov.u32 @p3 s1;
	s17 =	smov.u32 s10  }
0x3a: {  	s18 =	smov.u32 s11;
	s10 =	smov.u32 s13;
	s11 =	smov.u32 s14  }
0x3b: {  	s13 =	smov.u32 s20;
	[sflag:s22] =	ssyncset.done @!p1 $0x0;
	s14 =	smov.u32 s21  }
0x3c: {  	s16 =	sadd.s32 $0x1, s16;
	[sflag:s22] =	ssyncadd.s32 @!p1 s24;
	s15 =	smov.u32 s23  }
.LBB1_1:
0x3d: {  	p1 =	sge.u32 s16, s7;
	s31 =	sadd.s32 $0xFFFFFFFF, s16  }
0x3e: {  	s20 =	sxor.u32 @!p1 $0xFFFFFFFF, s16;
	s21 =	sshll.u32 @!p1 s15, $0x14;
	s22 =	sshll.u32 @!p1 s14, $0x7  }
0x3f: {  	s23 =	sshll.u32 @!p1 s13, $0x4;
	s20 =	sshll.u32 @!p1 s20, $0xE;
	s21 =	sadd.s32 @!p1 s3, s21  }
0x40: {  	s23 =	sand.u32 @!p1 $0x70, s23;
	s20 =	sand.u32 @!p1 $0x4000, s20;
	s21 =	sadd.s32 @!p1 s22, s21  }
0x41: {  	s22 =	simm.s32 @!p1 $0x80;
	s21 =	sadd.s32 @!p1 s23, s21;
	s23 =	simm.s32 @!p1 $0x400  }
0x42: {  	[tilespmem:s20], [sflag:$0x1] =	stream.strided.gather @!p1 [hbm4b:s21+s22], $0x4000, s23, s22, $0x38;
	[tilespmem:$0x10100] =	vst v63  }
0x43: {  	p1 =	sge.u32 s31, s7  }
.Ltmp2:
0x44: {  	_ = 	snop;
	(pc) =	sbr.rel @p1 .LBB1_5-.Ltmp2, $1  }
0x45: {  	_ =	sdelay $0x3  }
0x46: {  	s20 =	simm.s32 $0x1  }
0x47: {  	_ =	swait.ge [sflag:s6], $0x4000;
	s20 =	simm.s32 @!p0 $0x0  }
0x48: {  	[sflag:s6] =	ssyncset.done $0x0;
	s21 =	sshll.u32 s20, $0xE  }
0x49: {  	[sflag:s6] =	ssyncadd.s32 $0xFFFFC000;
	s21 =	sor.u32 $0x40, s21  }
0x4a: {  	s20 =	smul.u32 $0x10200, s20;
	v0 =	vld [tilespmem:s21+$0x30]  }
0x4b: {  	v1 =	vld [tilespmem:s21+$0xFFFFFFD0]  }
0x4c: {  	s20 =	sshrl.u32 s20, $0x2;
	v5 =	vld [tilespmem:s21+$0xFFFFFFE0]  }
0x4d: {  	v6 =	vld [tilespmem:s21+$0xFFFFFFF0];
	s23 =	sor.u32 $0x8000, s20  }
0x4e: {  	s31 =	sand.u32 $0x1, s16;
	v4 =	vld [tilespmem:s21+$0x0];
	s22 =	sadd.s32 $0x0, s23  }
0x4f: {  	v3 =	vld [tilespmem:s21+$0x10];
	s20 =	smul.u32 $0x10200, s31;
	[tilespmem:s22+$0x3870 ss:$0x81] =	vst.msk $0xffff, v0  }
0x50: {  	v2 =	vld [tilespmem:s21+$0x20];
	[tilespmem:s22+$0x810 ss:$0x81] =	vst.msk $0xffff, v1  }
0x51: {  	s20 =	sshrl.u32 s20, $0x2;
	v1 =	vld [tilespmem:s21+$0xFFFFFFC0];
	[tilespmem:s22+$0x1020 ss:$0x81] =	vst.msk $0xffff, v5;
	s21 =	sadd.s32 $0x80, s21  }
0x52: {  	s24 =	simm.s32 $0x4;
	s25 =	simm.s32 $0x8;
	s20 =	sor.u32 $0x8000, s20;
	[tilespmem:s22+$0x1830 ss:$0x81] =	vst.msk $0xffff, v6;
	v0 =	vld [tilespmem:s21+$0x30]  }
.LBB1_3:
0x53: {  	p1 =	sne.s32 s25, $0x1FC;
	v5 =	vld [tilespmem:s21+$0xFFFFFFD0];
	[tilespmem:s22+$0x2040 ss:$0x81] =	vst.msk $0xffff, v4  }
0x54: {  	v6 =	vld [tilespmem:s21+$0xFFFFFFE0];
	[tilespmem:s22+$0x2850 ss:$0x81] =	vst.msk $0xffff, v3  }
0x55: {  	s26 =	sshra.s32 s24, $0x2;
	s24 =	smov.u32 s25;
	v7 =	vld [tilespmem:s21+$0xFFFFFFF0];
	[tilespmem:s22+$0x3060 ss:$0x81] =	vst.msk $0xffff, v2  }
.Ltmp3:
0x56: {  	v4 =	vld [tilespmem:s21+$0x0];
	[tilespmem:s22+$0x0 ss:$0x81] =	vst.msk $0xffff, v1;
	s22 =	sadd.s32 s26, s23;
	(pc) =	sbr.rel @p1 .LBB1_3-.Ltmp3, $4  }
0x57: {  	v3 =	vld [tilespmem:s21+$0x10];
	[tilespmem:s22+$0x3870 ss:$0x81] =	vst.msk $0xffff, v0  }
0x58: {  	[tilespmem:s22+$0x810 ss:$0x81] =	vst.msk $0xffff, v5;
	v2 =	vld [tilespmem:s21+$0x20]  }
0x59: {  	v1 =	vld [tilespmem:s21+$0xFFFFFFC0];
	[tilespmem:s22+$0x1020 ss:$0x81] =	vst.msk $0xffff, v6;
	s21 =	sadd.s32 $0x80, s21  }
0x5a: {  	s25 =	sadd.s32 $0x4, s25;
	v0 =	vld [tilespmem:s21+$0x30];
	[tilespmem:s22+$0x1830 ss:$0x81] =	vst.msk $0xffff, v7  }
.Ltmp4:
0x5b: {  	_ = 	snop;
	(pc) =	sbr.rel .LBB1_4-.Ltmp4, $1  }
0x5c: {  	_ =	sdelay $0x3  }
.LBB1_6:
0x5d: {  	_ =	sfence.sel $0x180000  }
0x5e: {  	s1 =	simm.s32 $0x1;
	[bflag:$0x0] =	sbarrier.arrive $0xFFFF  }
0x5f: {  	s31 =	simm.s32 $0x2;
	[sflag:s1] =	ssyncpa.u1 $0x1  }
0x60: {  	[sflag:s31] =	ssyncpa.u1 $0x1  }
0x61: {  	p0 =	sne.s32 s0, $0x0;
	_ =	strace $0x9000004D  }
0x62: {  	s0 =	sadd.s32 @!p0 $0x100000, s4;
	[bflag:$0x2] =	sbarrier.arrive $0xFFFF  }
0x63: {  	[sflag:s0] =	ssyncadd.tile.s32 @!p0 $0x1;
	_ =	shalt  }
.Lfunc_end1:
_tile_overlayer_lowered:
.L_overlay_start_2:
0x64: {  	(tag) =	ssettag $0x2  }
0x65: {  	s0 =	rddreg [dreg:$0x0];
	s2 =	stileid.u32  }
0x66: {  	s1 =	rddreg [dreg:$0x1];
	p0 =	sne.s32 s2, $0x0  }
0x67: {  	s3 =	rddreg [dreg:$0x2];
	[bflag:$0x3] =	sbarrier.arrive $0xFFFF;
	s2 =	simm.s32 @!p0 $0x1C01  }
0x68: {  	[timem:s3], [sflag:s2] =	dma.local @!p0 [hbm:s0], s1  }
0x69: {  	s0 =	simm.s32 @!p0 $0x1  }
0x6a: {  	_ =	swait.ge @!p0 [sflag:s0], s1  }
0x6b: {  	s1 =	ssub.s32 @!p0 $0x0, s1;
	[sflag:s0] =	ssyncset.done @!p0 $0x0  }
0x6c: {  	[sflag:s0] =	ssyncadd.s32 @!p0 s1  }
0x6d: {  	[bflag:$0x3] =	sbarrier.arrive $0xFFFF  }
0x6e: {  	_ =	shalt  }

</sc_bundles>
